<compile_context>
chip_gen: v7x
topology: tpu7x:2x2x1
jax: 0.10.2.dev20260603
libtpu: 0.0.44.dev20260713+nightly
codegen_flags: <defaults>
</compile_context>

<pallas_src>
import functools

import jax
import jax.numpy as jnp
from jax import lax
from jax.experimental import pallas as pl
from jax.experimental.pallas import tpu as pltpu
from jax.experimental.pallas import tpu_sc as plsc

N = 10000
E = 320000
NP = 10240
D = 128
NW = 32
CHUNK = 128
CPW = 80
EPW = CPW * CHUNK
EP = NW * EPW
NCH = EP // CHUNK
STRIPE = NP // 16

_MESH = plsc.VectorSubcoreMesh(core_axis_name="c", subcore_axis_name="s")



@functools.partial(
    pl.kernel,
    mesh=_MESH,
    out_type=jax.ShapeDtypeStruct((2 * NP, D), jnp.float32),
    scratch_types=[
        pltpu.VMEM((CHUNK,), jnp.int32),
        pltpu.VMEM((CHUNK,), jnp.int32),
        pltpu.VMEM((CHUNK, D), jnp.float32),
        pltpu.SemaphoreType.DMA,
        pltpu.SemaphoreType.DMA,
        pltpu.VMEM_SHARED((NP, D), jnp.float32),
    ],
)
def _sc_degree(dst_hbm, ones_hbm, zeros_hbm, out_hbm, idx_v0, idx_v1, ones_v,
               sc0, sc1, shared):
    c = lax.axis_index("c")
    s = lax.axis_index("s")
    wid = c * 16 + s
    stripe = s * STRIPE
    pltpu.sync_copy(zeros_hbm.at[pl.ds(stripe, STRIPE)], shared.at[pl.ds(stripe, STRIPE)])
    pltpu.sync_copy(ones_hbm, ones_v)
    plsc.subcore_barrier()

    def body(k, carry):
        e0 = (wid * CPW + 2 * k) * CHUNK
        pltpu.sync_copy(dst_hbm.at[pl.ds(e0, CHUNK)], idx_v0)
        sa = pltpu.async_copy(ones_v, shared.at[idx_v0], sc0, add=True)
        pltpu.sync_copy(dst_hbm.at[pl.ds(e0 + CHUNK, CHUNK)], idx_v1)
        sb = pltpu.async_copy(ones_v, shared.at[idx_v1], sc1, add=True)
        sa.wait()
        sb.wait()
        return carry

    lax.fori_loop(0, CPW // 2, body, 0)
    plsc.subcore_barrier()
    pltpu.sync_copy(shared.at[pl.ds(stripe, STRIPE)],
                    out_hbm.at[pl.ds(c * NP + stripe, STRIPE)])


@functools.partial(
    pl.kernel,
    mesh=_MESH,
    out_type=jax.ShapeDtypeStruct((2 * NP, D), jnp.float32),
    scratch_types=[
        pltpu.VMEM((8 * CHUNK,), jnp.int32),
        pltpu.VMEM((CHUNK,), jnp.int32),
        pltpu.VMEM((CHUNK,), jnp.int32),
        pltpu.VMEM((CHUNK, D), jnp.float32),
        pltpu.VMEM((CHUNK, D), jnp.float32),
        pltpu.SemaphoreType.DMA,
        pltpu.SemaphoreType.DMA,
        pltpu.SemaphoreType.DMA,
        pltpu.SemaphoreType.DMA,
        pltpu.VMEM_SHARED((NP, D), jnp.float32),
    ],
)
def _sc_spmm(src_hbm, dst_hbm, table_hbm, zeros_hbm, out_hbm,
             idx_sall, idx_d0, idx_d1, r0, r1, g0, g1, sc0, sc1, shared):
    c = lax.axis_index("c")
    s = lax.axis_index("s")
    wid = c * 16 + s
    stripe = s * STRIPE
    pltpu.sync_copy(zeros_hbm.at[pl.ds(stripe, STRIPE)], shared.at[pl.ds(stripe, STRIPE)])
    plsc.subcore_barrier()

    def body(k, carry):
        e_base = (wid * CPW + 8 * k) * CHUNK
        pltpu.sync_copy(src_hbm.at[pl.ds(e_base, 8 * CHUNK)], idx_sall)
        prev0 = prev1 = None
        for p in range(4):
            e0 = e_base + 2 * p * CHUNK
            if prev0 is not None:
                prev0.wait()
            ga = pltpu.async_copy(
                table_hbm.at[idx_sall.at[pl.ds(2 * p * CHUNK, CHUNK)]], r0, g0)
            if prev1 is not None:
                prev1.wait()
            gb = pltpu.async_copy(
                table_hbm.at[idx_sall.at[pl.ds((2 * p + 1) * CHUNK, CHUNK)]], r1, g1)
            pltpu.sync_copy(dst_hbm.at[pl.ds(e0, CHUNK)], idx_d0)
            ga.wait()
            prev0 = pltpu.async_copy(r0, shared.at[idx_d0], sc0, add=True)
            pltpu.sync_copy(dst_hbm.at[pl.ds(e0 + CHUNK, CHUNK)], idx_d1)
            gb.wait()
            prev1 = pltpu.async_copy(r1, shared.at[idx_d1], sc1, add=True)
        prev0.wait()
        prev1.wait()
        return carry

    lax.fori_loop(0, CPW // 8, body, 0)
    plsc.subcore_barrier()
    pltpu.sync_copy(shared.at[pl.ds(stripe, STRIPE)],
                    out_hbm.at[pl.ds(c * NP + stripe, STRIPE)])



_RB = 2048
_GRID = NP // _RB


def _dis_block(degp, extra):
    deg = degp[0, :, :1] + degp[1, :, :1] + extra
    return lax.rsqrt(deg)


def _tc_scale_mm(x_ref, degp_ref, w_ref, o_ref):
    dis = _dis_block(degp_ref[...], 1.0)
    h = jnp.dot(x_ref[...], w_ref[...], preferred_element_type=jnp.float32)
    o_ref[...] = h * dis


def _tc_combine_mm(acc_ref, hs_ref, degp_ref, b_ref, w_ref, o_ref):
    dis = _dis_block(degp_ref[...], 1.0)
    h1 = jnp.maximum(dis * (acc_ref[0] + acc_ref[1] + hs_ref[...]) + b_ref[...], 0.0)
    o_ref[...] = jnp.dot(h1, w_ref[...], preferred_element_type=jnp.float32) * dis


def _tc_heads(acc_ref, hs_ref, degp_ref, b_ref,
              w1a_ref, b1a_ref, w2a_ref, b2a_ref,
              w1b_ref, b1b_ref, w2b_ref, b2b_ref,
              p1_ref, p2_ref):
    dis = _dis_block(degp_ref[...], 1.0)
    h = jnp.maximum(dis * (acc_ref[0] + acc_ref[1] + hs_ref[...]) + b_ref[...], 0.0)
    col = lax.broadcasted_iota(jnp.int32, (_RB, D), 1)
    mask = col < 2

    def head(w1, b1, w2, b2, p_ref):
        f = jnp.maximum(jnp.dot(h, w1, preferred_element_type=jnp.float32) + b1, 0.0)
        z = jnp.dot(f, w2, preferred_element_type=jnp.float32) + b2
        m = jnp.max(jnp.where(mask, z, -jnp.inf), axis=1, keepdims=True)
        e = jnp.where(mask, jnp.exp(z - m), 0.0)
        p_ref[...] = z - (m + jnp.log(jnp.sum(e, axis=1, keepdims=True)))

    head(w1a_ref[...], b1a_ref[...], w2a_ref[...], b2a_ref[...], p1_ref)
    head(w1b_ref[...], b1b_ref[...], w2b_ref[...], b2b_ref[...], p2_ref)


def _row_spec(shape):
    nd = len(shape)
    if nd == 2:
        return pl.BlockSpec((_RB, shape[1]), lambda i: (i, 0))
    return pl.BlockSpec((shape[0], _RB, shape[2]), lambda i: (0, i, 0))


def _full_spec(shape):
    nd = len(shape)
    return pl.BlockSpec(shape, (lambda i: (0, 0)) if nd == 2 else (lambda i: (0, 0, 0)))


def _tc_call(body, row_args, full_args, n_out):
    in_specs = ([_row_spec(a.shape) for a in row_args]
                + [_full_spec(a.shape) for a in full_args])
    out_shape = [jax.ShapeDtypeStruct((NP, D), jnp.float32)] * n_out
    out_specs = [pl.BlockSpec((_RB, D), lambda i: (i, 0))] * n_out
    outs = pl.pallas_call(
        body,
        grid=(_GRID,),
        in_specs=in_specs,
        out_specs=out_specs,
        out_shape=out_shape,
    )(*row_args, *full_args)
    return outs



def kernel(x, edge_index, y, train_mask, val_mask, test_mask, perm,
           Wa1, ba1, Wa2, ba2, Wb1, bb1, Wb2, bb2,
           fc1aW, fc1ab, fc2aW, fc2ab, fc1bW, fc1bb, fc2bW, fc2bb):
    pad_row = N + jnp.arange(EP - E, dtype=jnp.int32) % (NP - N)
    sd = jnp.concatenate([edge_index, jnp.stack([pad_row, pad_row])], axis=1)
    src_p = sd[0]
    dst_p = sd[1]

    x_p = jnp.zeros((NP, D), jnp.float32).at[:N].set(x)
    zeros_d = jnp.zeros((NP, D), jnp.float32)
    ones_d = jnp.ones((CHUNK, D), jnp.float32)

    Wc1 = jnp.concatenate([Wa1, Wb1], axis=1)
    bc1 = jnp.concatenate([ba1, bb1]).reshape(1, D)
    W2 = jnp.zeros((D, D), jnp.float32).at[:64, :64].set(Wa2).at[64:, 64:].set(Wb2)
    bc2 = jnp.concatenate([ba2, bb2]).reshape(1, D)
    fc2aWp = jnp.zeros((64, D), jnp.float32).at[:, :2].set(fc2aW)
    fc2abp = jnp.zeros((1, D), jnp.float32).at[:, :2].set(fc2ab)
    fc2bWp = jnp.zeros((64, D), jnp.float32).at[:, :2].set(fc2bW)
    fc2bbp = jnp.zeros((1, D), jnp.float32).at[:, :2].set(fc2bb)
    fc1ab2 = fc1ab.reshape(1, 64)
    fc1bb2 = fc1bb.reshape(1, 64)

    degp = _sc_degree(dst_p, ones_d, zeros_d).reshape(2, NP, D)

    (hs1,) = _tc_call(_tc_scale_mm, [x_p, degp], [Wc1], 1)

    acc1 = _sc_spmm(src_p, dst_p, hs1, zeros_d).reshape(2, NP, D)

    (hs2,) = _tc_call(_tc_combine_mm, [acc1, hs1, degp], [bc1, W2], 1)

    acc2 = _sc_spmm(src_p, dst_p, hs2, zeros_d).reshape(2, NP, D)

    p1f, p2f = _tc_call(
        _tc_heads, [acc2, hs2, degp],
        [bc2, fc1aW, fc1ab2, fc2aWp, fc2abp, fc1bW, fc1bb2, fc2bWp, fc2bbp], 2)

    p1 = p1f[:N, :2]
    p2 = p2f[:N, :2]
    return (p1, p2, p1, p2)

# --- scband reference (transcript-rebuilt; emitter-appended) ---
"""Pipeline reference for scband-dagad-gcn-24034636988961 (READ-ONLY COPY).

The authoritative reference and input builder live on the scoring server;
editing this copy changes nothing except your own understanding.
"""

import jax, jax.numpy as jnp
import numpy as np

N = 10000
E = 320000
D_IN = 128
D_H = 64
D_FC = 64
N_CLS = 2


def _gcn_conv(x, src, dst, W, b):
    n = x.shape[0]
    loop = jnp.arange(n, dtype=src.dtype)
    s = jnp.concatenate([src, loop])
    d = jnp.concatenate([dst, loop])
    deg = jnp.zeros((n,), jnp.float32).at[d].add(1.0)
    dis = jnp.where(deg > 0, deg ** -0.5, 0.0)
    norm = dis[s] * dis[d]
    h = x @ W
    msg = h[s] * norm[:, None]
    out = jnp.zeros((n, W.shape[1]), jnp.float32).at[d].add(msg)
    return out + b


def setup_inputs(seed: int = 0) -> dict:
    key = jax.random.key(seed)
    ks = jax.random.split(key, 24)
    x = jax.random.normal(ks[0], (N, D_IN), jnp.float32)
    edge_index = jax.random.randint(ks[1], (2, E), 0, N, dtype=jnp.int32)
    y = jax.random.randint(ks[2], (N,), 0, 2, dtype=jnp.int32)
    train_mask = jax.random.bernoulli(ks[3], 0.5, (N,))
    val_mask = jax.random.bernoulli(ks[4], 0.25, (N,))
    test_mask = jax.random.bernoulli(ks[5], 0.25, (N,))
    perm = jnp.arange(N, dtype=jnp.int32)

    def lin(k, fin, fout):
        return jax.random.normal(k, (fin, fout), jnp.float32) * (1.0 / np.sqrt(fin))

    inp = dict(x=x, edge_index=edge_index, y=y, train_mask=train_mask,
               val_mask=val_mask, test_mask=test_mask, perm=perm)
    inp['Wa1'] = lin(ks[6], D_IN, D_H); inp['ba1'] = jnp.zeros((D_H,), jnp.float32)
    inp['Wa2'] = lin(ks[7], D_H, D_H); inp['ba2'] = jnp.zeros((D_H,), jnp.float32)
    inp['Wb1'] = lin(ks[8], D_IN, D_H); inp['bb1'] = jnp.zeros((D_H,), jnp.float32)
    inp['Wb2'] = lin(ks[9], D_H, D_H); inp['bb2'] = jnp.zeros((D_H,), jnp.float32)
    inp['fc1aW'] = lin(ks[10], 2 * D_H, D_FC); inp['fc1ab'] = jnp.zeros((D_FC,), jnp.float32)
    inp['fc2aW'] = lin(ks[11], D_FC, N_CLS); inp['fc2ab'] = jnp.zeros((N_CLS,), jnp.float32)
    inp['fc1bW'] = lin(ks[12], 2 * D_H, D_FC); inp['fc1bb'] = jnp.zeros((D_FC,), jnp.float32)
    inp['fc2bW'] = lin(ks[13], D_FC, N_CLS); inp['fc2bb'] = jnp.zeros((N_CLS,), jnp.float32)
    return inp


def reference(x, edge_index, y, train_mask, val_mask, test_mask, perm,
              Wa1, ba1, Wa2, ba2, Wb1, bb1, Wb2, bb2,
              fc1aW, fc1ab, fc2aW, fc2ab, fc1bW, fc1bb, fc2bW, fc2bb):
    sg = jax.lax.stop_gradient
    src, dst = edge_index[0], edge_index[1]
    h_a = jax.nn.relu(_gcn_conv(jax.nn.relu(_gcn_conv(x, src, dst, Wa1, ba1)), src, dst, Wa2, ba2))
    h_b = jax.nn.relu(_gcn_conv(jax.nn.relu(_gcn_conv(x, src, dst, Wb1, bb1)), src, dst, Wb2, bb2))
    h_back_a = jnp.concatenate([h_a, sg(h_b)], axis=1)
    h_back_b = jnp.concatenate([sg(h_a), h_b], axis=1)
    h_b_swap = h_b[perm]
    aug_y = y[perm]
    aug_train_mask = train_mask[perm]
    aug_train_anm = jnp.logical_and(aug_y == 1, aug_train_mask)
    aug_train_norm = jnp.logical_and(aug_y == 0, aug_train_mask)
    h_aug_back_a = jnp.concatenate([h_a, sg(h_b_swap)], axis=1)
    h_aug_back_b = jnp.concatenate([sg(h_a), h_b_swap], axis=1)

    def head(h, W1, b1, W2, b2):
        h = jax.nn.relu(h)
        h = jax.nn.relu(h @ W1 + b1)
        return jax.nn.log_softmax(h @ W2 + b2, axis=1)

    p1 = head(h_back_a, fc1aW, fc1ab, fc2aW, fc2ab)
    p2 = head(h_back_b, fc1bW, fc1bb, fc2bW, fc2bb)
    p3 = head(h_aug_back_a, fc1aW, fc1ab, fc2aW, fc2ab)
    p4 = head(h_aug_back_b, fc1bW, fc1bb, fc2bW, fc2bb)
    return (p1, p2, p3, p4)

if __name__ == "__main__":
    import jax
    _d = setup_inputs()
    print(jax.jit(kernel)(*tuple(_d.values())))

</pallas_src>

<mosaic_0001>
#map = affine_map<(d0, d1) -> (0)>
#map1 = affine_map<(d0, d1) -> (0, 0)>
module attributes {stable_mosaic.version = 14 : i64} {
  func.func @_sc_degree(%arg0: i32, %arg1: i32, %arg2: memref<327680xi32, #tpu.memory_space<hbm>>, %arg3: memref<128x128xf32, #tpu.memory_space<hbm>>, %arg4: memref<10240x128xf32, #tpu.memory_space<hbm>>, %arg5: memref<20480x128xf32, #tpu.memory_space<hbm>>, %arg6: memref<128xi32, #tpu.memory_space<vmem>>, %arg7: memref<128xi32, #tpu.memory_space<vmem>>, %arg8: memref<128x128xf32, #tpu.memory_space<vmem>>, %arg9: memref<!tpu.dma_semaphore, #tpu.memory_space<semaphore_mem>>, %arg10: memref<!tpu.dma_semaphore, #tpu.memory_space<semaphore_mem>>, %arg11: memref<10240x128xf32, #tpu.memory_space<vmem_shared>>) attributes {dimension_semantics = [#tpu.dimension_semantics<core_parallel>, #tpu.dimension_semantics<subcore_parallel>], iteration_bounds = array<i64: 2, 16>, scalar_prefetch = 0 : i64, scratch_operands = 6 : i64, tpu.core_type = #tpu.core_type<sc_vector_subcore>, window_params = [{transform_indices = #map}, {transform_indices = #map1}, {transform_indices = #map1}, {transform_indices = #map1}]} {
    %mul3A = arith.constant 16 : i32
    %mul3A_0 = arith.muli %arg0, %mul3A : i32
    %add3A = arith.addi %mul3A_0, %arg1 : i32
    %mul3A_1 = arith.constant 640 : i32
    %mul3A_2 = arith.muli %arg1, %mul3A_1 : i32
    "tpu.region"() ({
      %run_scoped3A = tpu.sem_alloc : memref<!tpu.dma_semaphore, #tpu.memory_space<semaphore_mem>>
      %dma_start3A = arith.constant 0 : i32
      %dma_start3A_12 = tpu.memref_slice %arg11[%mul3A_2, %dma_start3A] : memref<10240x128xf32, #tpu.memory_space<vmem_shared>> -> memref<640x128xf32, #tpu.memory_space<vmem_shared>>
      %dma_start3A_13 = arith.constant 0 : i32
      %dma_start3A_14 = tpu.memref_slice %arg4[%mul3A_2, %dma_start3A_13] : memref<10240x128xf32, #tpu.memory_space<hbm>> -> memref<640x128xf32, #tpu.memory_space<hbm>>
      tpu.enqueue_dma source(%dma_start3A_14 : memref<640x128xf32, #tpu.memory_space<hbm>>) target(%dma_start3A_12 : memref<640x128xf32, #tpu.memory_space<vmem_shared>>) target_semaphore(%run_scoped3A : memref<!tpu.dma_semaphore, #tpu.memory_space<semaphore_mem>>)
      %dma_wait3A = arith.constant 0 : i32
      %dma_wait3A_15 = tpu.memref_slice %arg11[%mul3A_2, %dma_wait3A] : memref<10240x128xf32, #tpu.memory_space<vmem_shared>> -> memref<640x128xf32, #tpu.memory_space<vmem_shared>>
      %dma_wait3A_16 = arith.constant 0 : i32
      %dma_wait3A_17 = tpu.memref_slice %arg4[%mul3A_2, %dma_wait3A_16] : memref<10240x128xf32, #tpu.memory_space<hbm>> -> memref<640x128xf32, #tpu.memory_space<hbm>>
      tpu.wait_dma2 semaphore(%run_scoped3A : memref<!tpu.dma_semaphore, #tpu.memory_space<semaphore_mem>>) src(%dma_wait3A_17 : memref<640x128xf32, #tpu.memory_space<hbm>>) dst(%dma_wait3A_15 : memref<640x128xf32, #tpu.memory_space<vmem_shared>>)
      tpu.yield
    }) : () -> ()
    "tpu.region"() ({
      %run_scoped3A = tpu.sem_alloc : memref<!tpu.dma_semaphore, #tpu.memory_space<semaphore_mem>>
      tpu.enqueue_dma source(%arg3 : memref<128x128xf32, #tpu.memory_space<hbm>>) target(%arg8 : memref<128x128xf32, #tpu.memory_space<vmem>>) target_semaphore(%run_scoped3A : memref<!tpu.dma_semaphore, #tpu.memory_space<semaphore_mem>>)
      tpu.wait_dma2 semaphore(%run_scoped3A : memref<!tpu.dma_semaphore, #tpu.memory_space<semaphore_mem>>) src(%arg3 : memref<128x128xf32, #tpu.memory_space<hbm>>) dst(%arg8 : memref<128x128xf32, #tpu.memory_space<vmem>>)
      tpu.yield
    }) : () -> ()
    %barrier3A = arith.constant 0 : index
    tpu.barrier barrier_id(%barrier3A)
    %scan3A = arith.constant 0 : i32
    %scan3A_3 = arith.constant 0 : i32
    %scan3A_4 = arith.constant 40 : i32
    %scan3A_5 = arith.addi %scan3A_3, %scan3A_4 : i32
    %scan3A_6 = arith.constant 1 : i32
    scf.for %scan3A_12 = %scan3A_3 to %scan3A_5 step %scan3A_6  : i32 {
      %mul3A_13 = arith.constant 80 : i32
      %mul3A_14 = arith.muli %add3A, %mul3A_13 : i32
      %mul3A_15 = arith.constant 2 : i32
      %mul3A_16 = arith.muli %mul3A_15, %scan3A_12 : i32
      %add3A_17 = arith.addi %mul3A_14, %mul3A_16 : i32
      %mul3A_18 = arith.constant 128 : i32
      %mul3A_19 = arith.muli %add3A_17, %mul3A_18 : i32
      "tpu.region"() ({
        %run_scoped3A = tpu.sem_alloc : memref<!tpu.dma_semaphore, #tpu.memory_space<semaphore_mem>>
        %dma_start3A_32 = tpu.memref_slice %arg2[%mul3A_19] : memref<327680xi32, #tpu.memory_space<hbm>> -> memref<128xi32, #tpu.memory_space<hbm>>
        %dma_start3A_33 = tpu.memref_slice %arg2[%mul3A_19] : memref<327680xi32, #tpu.memory_space<hbm>> -> memref<128xi32, #tpu.memory_space<hbm>>
        tpu.enqueue_dma source(%dma_start3A_33 : memref<128xi32, #tpu.memory_space<hbm>>) target(%arg6 : memref<128xi32, #tpu.memory_space<vmem>>) target_semaphore(%run_scoped3A : memref<!tpu.dma_semaphore, #tpu.memory_space<semaphore_mem>>)
        %dma_wait3A_34 = tpu.memref_slice %arg2[%mul3A_19] : memref<327680xi32, #tpu.memory_space<hbm>> -> memref<128xi32, #tpu.memory_space<hbm>>
        %dma_wait3A_35 = tpu.memref_slice %arg2[%mul3A_19] : memref<327680xi32, #tpu.memory_space<hbm>> -> memref<128xi32, #tpu.memory_space<hbm>>
        tpu.wait_dma2 semaphore(%run_scoped3A : memref<!tpu.dma_semaphore, #tpu.memory_space<semaphore_mem>>) src(%dma_wait3A_35 : memref<128xi32, #tpu.memory_space<hbm>>) dst(%arg6 : memref<128xi32, #tpu.memory_space<vmem>>)
        tpu.yield
      }) : () -> ()
      %dma_start3A = arith.constant 0 : i32
      %dma_start3A_20 = arith.constant 0 : i32
      %dma_start3A_21 = tpu.memref_slice %arg11[%dma_start3A, %dma_start3A_20] : memref<10240x128xf32, #tpu.memory_space<vmem_shared>> -> memref<10240x128xf32, #tpu.memory_space<vmem_shared>>
      tpu.enqueue_indirect_dma source(%arg8 : memref<128x128xf32, #tpu.memory_space<vmem>>) target(%dma_start3A_21 : memref<10240x128xf32, #tpu.memory_space<vmem_shared>>) offsets(%arg6 : memref<128xi32, #tpu.memory_space<vmem>>) semaphore(%arg9 : memref<!tpu.dma_semaphore, #tpu.memory_space<semaphore_mem>>) {add = true}
      %add3A_22 = arith.constant 128 : i32
      %add3A_23 = arith.addi %mul3A_19, %add3A_22 : i32
      "tpu.region"() ({
        %run_scoped3A = tpu.sem_alloc : memref<!tpu.dma_semaphore, #tpu.memory_space<semaphore_mem>>
        %dma_start3A_32 = tpu.memref_slice %arg2[%add3A_23] : memref<327680xi32, #tpu.memory_space<hbm>> -> memref<128xi32, #tpu.memory_space<hbm>>
        %dma_start3A_33 = tpu.memref_slice %arg2[%add3A_23] : memref<327680xi32, #tpu.memory_space<hbm>> -> memref<128xi32, #tpu.memory_space<hbm>>
        tpu.enqueue_dma source(%dma_start3A_33 : memref<128xi32, #tpu.memory_space<hbm>>) target(%arg7 : memref<128xi32, #tpu.memory_space<vmem>>) target_semaphore(%run_scoped3A : memref<!tpu.dma_semaphore, #tpu.memory_space<semaphore_mem>>)
        %dma_wait3A_34 = tpu.memref_slice %arg2[%add3A_23] : memref<327680xi32, #tpu.memory_space<hbm>> -> memref<128xi32, #tpu.memory_space<hbm>>
        %dma_wait3A_35 = tpu.memref_slice %arg2[%add3A_23] : memref<327680xi32, #tpu.memory_space<hbm>> -> memref<128xi32, #tpu.memory_space<hbm>>
        tpu.wait_dma2 semaphore(%run_scoped3A : memref<!tpu.dma_semaphore, #tpu.memory_space<semaphore_mem>>) src(%dma_wait3A_35 : memref<128xi32, #tpu.memory_space<hbm>>) dst(%arg7 : memref<128xi32, #tpu.memory_space<vmem>>)
        tpu.yield
      }) : () -> ()
      %dma_start3A_24 = arith.constant 0 : i32
      %dma_start3A_25 = arith.constant 0 : i32
      %dma_start3A_26 = tpu.memref_slice %arg11[%dma_start3A_24, %dma_start3A_25] : memref<10240x128xf32, #tpu.memory_space<vmem_shared>> -> memref<10240x128xf32, #tpu.memory_space<vmem_shared>>
      tpu.enqueue_indirect_dma source(%arg8 : memref<128x128xf32, #tpu.memory_space<vmem>>) target(%dma_start3A_26 : memref<10240x128xf32, #tpu.memory_space<vmem_shared>>) offsets(%arg7 : memref<128xi32, #tpu.memory_space<vmem>>) semaphore(%arg10 : memref<!tpu.dma_semaphore, #tpu.memory_space<semaphore_mem>>) {add = true}
      %dma_wait3A = arith.constant 0 : i32
      %dma_wait3A_27 = arith.constant 0 : i32
      %dma_wait3A_28 = tpu.memref_slice %arg11[%dma_wait3A, %dma_wait3A_27] : memref<10240x128xf32, #tpu.memory_space<vmem_shared>> -> memref<10240x128xf32, #tpu.memory_space<vmem_shared>>
      tpu.wait_indirect_dma semaphore(%arg9 : memref<!tpu.dma_semaphore, #tpu.memory_space<semaphore_mem>>) src(%arg8 : memref<128x128xf32, #tpu.memory_space<vmem>>) dst(%dma_wait3A_28 : memref<10240x128xf32, #tpu.memory_space<vmem_shared>>)
      %dma_wait3A_29 = arith.constant 0 : i32
      %dma_wait3A_30 = arith.constant 0 : i32
      %dma_wait3A_31 = tpu.memref_slice %arg11[%dma_wait3A_29, %dma_wait3A_30] : memref<10240x128xf32, #tpu.memory_space<vmem_shared>> -> memref<10240x128xf32, #tpu.memory_space<vmem_shared>>
      tpu.wait_indirect_dma semaphore(%arg10 : memref<!tpu.dma_semaphore, #tpu.memory_space<semaphore_mem>>) src(%arg8 : memref<128x128xf32, #tpu.memory_space<vmem>>) dst(%dma_wait3A_31 : memref<10240x128xf32, #tpu.memory_space<vmem_shared>>)
    }
    %scan3A_7 = arith.constant 40 : i32
    %barrier3A_8 = arith.constant 0 : index
    tpu.barrier barrier_id(%barrier3A_8)
    %mul3A_9 = arith.constant 10240 : i32
    %mul3A_10 = arith.muli %arg0, %mul3A_9 : i32
    %add3A_11 = arith.addi %mul3A_10, %mul3A_2 : i32
    "tpu.region"() ({
      %run_scoped3A = tpu.sem_alloc : memref<!tpu.dma_semaphore, #tpu.memory_space<semaphore_mem>>
      %dma_start3A = arith.constant 0 : i32
      %dma_start3A_12 = tpu.memref_slice %arg5[%add3A_11, %dma_start3A] : memref<20480x128xf32, #tpu.memory_space<hbm>> -> memref<640x128xf32, #tpu.memory_space<hbm>>
      %dma_start3A_13 = arith.constant 0 : i32
      %dma_start3A_14 = tpu.memref_slice %arg11[%mul3A_2, %dma_start3A_13] : memref<10240x128xf32, #tpu.memory_space<vmem_shared>> -> memref<640x128xf32, #tpu.memory_space<vmem_shared>>
      tpu.enqueue_dma source(%dma_start3A_14 : memref<640x128xf32, #tpu.memory_space<vmem_shared>>) target(%dma_start3A_12 : memref<640x128xf32, #tpu.memory_space<hbm>>) target_semaphore(%run_scoped3A : memref<!tpu.dma_semaphore, #tpu.memory_space<semaphore_mem>>)
      %dma_wait3A = arith.constant 0 : i32
      %dma_wait3A_15 = tpu.memref_slice %arg5[%add3A_11, %dma_wait3A] : memref<20480x128xf32, #tpu.memory_space<hbm>> -> memref<640x128xf32, #tpu.memory_space<hbm>>
      %dma_wait3A_16 = arith.constant 0 : i32
      %dma_wait3A_17 = tpu.memref_slice %arg11[%mul3A_2, %dma_wait3A_16] : memref<10240x128xf32, #tpu.memory_space<vmem_shared>> -> memref<640x128xf32, #tpu.memory_space<vmem_shared>>
      tpu.wait_dma2 semaphore(%run_scoped3A : memref<!tpu.dma_semaphore, #tpu.memory_space<semaphore_mem>>) src(%dma_wait3A_17 : memref<640x128xf32, #tpu.memory_space<vmem_shared>>) dst(%dma_wait3A_15 : memref<640x128xf32, #tpu.memory_space<hbm>>)
      tpu.yield
    }) : () -> ()
    return
  }
}

#map = affine_map<(d0, d1) -> (0)>
#map1 = affine_map<(d0, d1) -> (0, 0)>
module attributes {stable_mosaic.version = 14 : i64} {
  func.func @_sc_spmm(%arg0: i32, %arg1: i32, %arg2: memref<327680xi32, #tpu.memory_space<hbm>>, %arg3: memref<327680xi32, #tpu.memory_space<hbm>>, %arg4: memref<10240x128xf32, #tpu.memory_space<hbm>>, %arg5: memref<10240x128xf32, #tpu.memory_space<hbm>>, %arg6: memref<20480x128xf32, #tpu.memory_space<hbm>>, %arg7: memref<1024xi32, #tpu.memory_space<vmem>>, %arg8: memref<128xi32, #tpu.memory_space<vmem>>, %arg9: memref<128xi32, #tpu.memory_space<vmem>>, %arg10: memref<128x128xf32, #tpu.memory_space<vmem>>, %arg11: memref<128x128xf32, #tpu.memory_space<vmem>>, %arg12: memref<!tpu.dma_semaphore, #tpu.memory_space<semaphore_mem>>, %arg13: memref<!tpu.dma_semaphore, #tpu.memory_space<semaphore_mem>>, %arg14: memref<!tpu.dma_semaphore, #tpu.memory_space<semaphore_mem>>, %arg15: memref<!tpu.dma_semaphore, #tpu.memory_space<semaphore_mem>>, %arg16: memref<10240x128xf32, #tpu.memory_space<vmem_shared>>) attributes {dimension_semantics = [#tpu.dimension_semantics<core_parallel>, #tpu.dimension_semantics<subcore_parallel>], iteration_bounds = array<i64: 2, 16>, scalar_prefetch = 0 : i64, scratch_operands = 10 : i64, tpu.core_type = #tpu.core_type<sc_vector_subcore>, window_params = [{transform_indices = #map}, {transform_indices = #map}, {transform_indices = #map1}, {transform_indices = #map1}, {transform_indices = #map1}]} {
    %mul3A = arith.constant 16 : i32
    %mul3A_0 = arith.muli %arg0, %mul3A : i32
    %add3A = arith.addi %mul3A_0, %arg1 : i32
    %mul3A_1 = arith.constant 640 : i32
    %mul3A_2 = arith.muli %arg1, %mul3A_1 : i32
    "tpu.region"() ({
      %run_scoped3A = tpu.sem_alloc : memref<!tpu.dma_semaphore, #tpu.memory_space<semaphore_mem>>
      %dma_start3A = arith.constant 0 : i32
      %dma_start3A_12 = tpu.memref_slice %arg16[%mul3A_2, %dma_start3A] : memref<10240x128xf32, #tpu.memory_space<vmem_shared>> -> memref<640x128xf32, #tpu.memory_space<vmem_shared>>
      %dma_start3A_13 = arith.constant 0 : i32
      %dma_start3A_14 = tpu.memref_slice %arg5[%mul3A_2, %dma_start3A_13] : memref<10240x128xf32, #tpu.memory_space<hbm>> -> memref<640x128xf32, #tpu.memory_space<hbm>>
      tpu.enqueue_dma source(%dma_start3A_14 : memref<640x128xf32, #tpu.memory_space<hbm>>) target(%dma_start3A_12 : memref<640x128xf32, #tpu.memory_space<vmem_shared>>) target_semaphore(%run_scoped3A : memref<!tpu.dma_semaphore, #tpu.memory_space<semaphore_mem>>)
      %dma_wait3A = arith.constant 0 : i32
      %dma_wait3A_15 = tpu.memref_slice %arg16[%mul3A_2, %dma_wait3A] : memref<10240x128xf32, #tpu.memory_space<vmem_shared>> -> memref<640x128xf32, #tpu.memory_space<vmem_shared>>
      %dma_wait3A_16 = arith.constant 0 : i32
      %dma_wait3A_17 = tpu.memref_slice %arg5[%mul3A_2, %dma_wait3A_16] : memref<10240x128xf32, #tpu.memory_space<hbm>> -> memref<640x128xf32, #tpu.memory_space<hbm>>
      tpu.wait_dma2 semaphore(%run_scoped3A : memref<!tpu.dma_semaphore, #tpu.memory_space<semaphore_mem>>) src(%dma_wait3A_17 : memref<640x128xf32, #tpu.memory_space<hbm>>) dst(%dma_wait3A_15 : memref<640x128xf32, #tpu.memory_space<vmem_shared>>)
      tpu.yield
    }) : () -> ()
    %barrier3A = arith.constant 0 : index
    tpu.barrier barrier_id(%barrier3A)
    %scan3A = arith.constant 0 : i32
    %scan3A_3 = arith.constant 0 : i32
    %scan3A_4 = arith.constant 10 : i32
    %scan3A_5 = arith.addi %scan3A_3, %scan3A_4 : i32
    %scan3A_6 = arith.constant 1 : i32
    scf.for %scan3A_12 = %scan3A_3 to %scan3A_5 step %scan3A_6  : i32 {
      %mul3A_13 = arith.constant 80 : i32
      %mul3A_14 = arith.muli %add3A, %mul3A_13 : i32
      %mul3A_15 = arith.constant 8 : i32
      %mul3A_16 = arith.muli %mul3A_15, %scan3A_12 : i32
      %add3A_17 = arith.addi %mul3A_14, %mul3A_16 : i32
      %mul3A_18 = arith.constant 128 : i32
      %mul3A_19 = arith.muli %add3A_17, %mul3A_18 : i32
      "tpu.region"() ({
        %run_scoped3A = tpu.sem_alloc : memref<!tpu.dma_semaphore, #tpu.memory_space<semaphore_mem>>
        %dma_start3A_162 = tpu.memref_slice %arg2[%mul3A_19] : memref<327680xi32, #tpu.memory_space<hbm>> -> memref<1024xi32, #tpu.memory_space<hbm>>
        %dma_start3A_163 = tpu.memref_slice %arg2[%mul3A_19] : memref<327680xi32, #tpu.memory_space<hbm>> -> memref<1024xi32, #tpu.memory_space<hbm>>
        tpu.enqueue_dma source(%dma_start3A_163 : memref<1024xi32, #tpu.memory_space<hbm>>) target(%arg7 : memref<1024xi32, #tpu.memory_space<vmem>>) target_semaphore(%run_scoped3A : memref<!tpu.dma_semaphore, #tpu.memory_space<semaphore_mem>>)
        %dma_wait3A_164 = tpu.memref_slice %arg2[%mul3A_19] : memref<327680xi32, #tpu.memory_space<hbm>> -> memref<1024xi32, #tpu.memory_space<hbm>>
        %dma_wait3A_165 = tpu.memref_slice %arg2[%mul3A_19] : memref<327680xi32, #tpu.memory_space<hbm>> -> memref<1024xi32, #tpu.memory_space<hbm>>
        tpu.wait_dma2 semaphore(%run_scoped3A : memref<!tpu.dma_semaphore, #tpu.memory_space<semaphore_mem>>) src(%dma_wait3A_165 : memref<1024xi32, #tpu.memory_space<hbm>>) dst(%arg7 : memref<1024xi32, #tpu.memory_space<vmem>>)
        tpu.yield
      }) : () -> ()
      %add3A_20 = arith.constant 0 : i32
      %add3A_21 = arith.addi %mul3A_19, %add3A_20 : i32
      %dma_start3A = arith.constant 0 : i32
      %dma_start3A_22 = tpu.memref_slice %arg7[%dma_start3A] : memref<1024xi32, #tpu.memory_space<vmem>> -> memref<128xi32, #tpu.memory_space<vmem>>
      %dma_start3A_23 = arith.constant 0 : i32
      %dma_start3A_24 = arith.constant 0 : i32
      %dma_start3A_25 = tpu.memref_slice %arg4[%dma_start3A_23, %dma_start3A_24] : memref<10240x128xf32, #tpu.memory_space<hbm>> -> memref<10240x128xf32, #tpu.memory_space<hbm>>
      tpu.enqueue_indirect_dma source(%dma_start3A_25 : memref<10240x128xf32, #tpu.memory_space<hbm>>) target(%arg10 : memref<128x128xf32, #tpu.memory_space<vmem>>) offsets(%dma_start3A_22 : memref<128xi32, #tpu.memory_space<vmem>>) semaphore(%arg12 : memref<!tpu.dma_semaphore, #tpu.memory_space<semaphore_mem>>)
      %dma_start3A_26 = arith.constant 128 : i32
      %dma_start3A_27 = tpu.memref_slice %arg7[%dma_start3A_26] : memref<1024xi32, #tpu.memory_space<vmem>> -> memref<128xi32, #tpu.memory_space<vmem>>
      %dma_start3A_28 = arith.constant 0 : i32
      %dma_start3A_29 = arith.constant 0 : i32
      %dma_start3A_30 = tpu.memref_slice %arg4[%dma_start3A_28, %dma_start3A_29] : memref<10240x128xf32, #tpu.memory_space<hbm>> -> memref<10240x128xf32, #tpu.memory_space<hbm>>
      tpu.enqueue_indirect_dma source(%dma_start3A_30 : memref<10240x128xf32, #tpu.memory_space<hbm>>) target(%arg11 : memref<128x128xf32, #tpu.memory_space<vmem>>) offsets(%dma_start3A_27 : memref<128xi32, #tpu.memory_space<vmem>>) semaphore(%arg13 : memref<!tpu.dma_semaphore, #tpu.memory_space<semaphore_mem>>)
      "tpu.region"() ({
        %run_scoped3A = tpu.sem_alloc : memref<!tpu.dma_semaphore, #tpu.memory_space<semaphore_mem>>
        %dma_start3A_162 = tpu.memref_slice %arg3[%add3A_21] : memref<327680xi32, #tpu.memory_space<hbm>> -> memref<128xi32, #tpu.memory_space<hbm>>
        %dma_start3A_163 = tpu.memref_slice %arg3[%add3A_21] : memref<327680xi32, #tpu.memory_space<hbm>> -> memref<128xi32, #tpu.memory_space<hbm>>
        tpu.enqueue_dma source(%dma_start3A_163 : memref<128xi32, #tpu.memory_space<hbm>>) target(%arg8 : memref<128xi32, #tpu.memory_space<vmem>>) target_semaphore(%run_scoped3A : memref<!tpu.dma_semaphore, #tpu.memory_space<semaphore_mem>>)
        %dma_wait3A_164 = tpu.memref_slice %arg3[%add3A_21] : memref<327680xi32, #tpu.memory_space<hbm>> -> memref<128xi32, #tpu.memory_space<hbm>>
        %dma_wait3A_165 = tpu.memref_slice %arg3[%add3A_21] : memref<327680xi32, #tpu.memory_space<hbm>> -> memref<128xi32, #tpu.memory_space<hbm>>
        tpu.wait_dma2 semaphore(%run_scoped3A : memref<!tpu.dma_semaphore, #tpu.memory_space<semaphore_mem>>) src(%dma_wait3A_165 : memref<128xi32, #tpu.memory_space<hbm>>) dst(%arg8 : memref<128xi32, #tpu.memory_space<vmem>>)
        tpu.yield
      }) : () -> ()
      %dma_wait3A = arith.constant 0 : i32
      %dma_wait3A_31 = tpu.memref_slice %arg7[%dma_wait3A] : memref<1024xi32, #tpu.memory_space<vmem>> -> memref<128xi32, #tpu.memory_space<vmem>>
      %dma_wait3A_32 = arith.constant 0 : i32
      %dma_wait3A_33 = arith.constant 0 : i32
      %dma_wait3A_34 = tpu.memref_slice %arg4[%dma_wait3A_32, %dma_wait3A_33] : memref<10240x128xf32, #tpu.memory_space<hbm>> -> memref<10240x128xf32, #tpu.memory_space<hbm>>
      tpu.wait_indirect_dma semaphore(%arg12 : memref<!tpu.dma_semaphore, #tpu.memory_space<semaphore_mem>>) src(%dma_wait3A_34 : memref<10240x128xf32, #tpu.memory_space<hbm>>) dst(%arg10 : memref<128x128xf32, #tpu.memory_space<vmem>>)
      %dma_start3A_35 = arith.constant 0 : i32
      %dma_start3A_36 = arith.constant 0 : i32
      %dma_start3A_37 = tpu.memref_slice %arg16[%dma_start3A_35, %dma_start3A_36] : memref<10240x128xf32, #tpu.memory_space<vmem_shared>> -> memref<10240x128xf32, #tpu.memory_space<vmem_shared>>
      tpu.enqueue_indirect_dma source(%arg10 : memref<128x128xf32, #tpu.memory_space<vmem>>) target(%dma_start3A_37 : memref<10240x128xf32, #tpu.memory_space<vmem_shared>>) offsets(%arg8 : memref<128xi32, #tpu.memory_space<vmem>>) semaphore(%arg14 : memref<!tpu.dma_semaphore, #tpu.memory_space<semaphore_mem>>) {add = true}
      %add3A_38 = arith.constant 128 : i32
      %add3A_39 = arith.addi %add3A_21, %add3A_38 : i32
      "tpu.region"() ({
        %run_scoped3A = tpu.sem_alloc : memref<!tpu.dma_semaphore, #tpu.memory_space<semaphore_mem>>
        %dma_start3A_162 = tpu.memref_slice %arg3[%add3A_39] : memref<327680xi32, #tpu.memory_space<hbm>> -> memref<128xi32, #tpu.memory_space<hbm>>
        %dma_start3A_163 = tpu.memref_slice %arg3[%add3A_39] : memref<327680xi32, #tpu.memory_space<hbm>> -> memref<128xi32, #tpu.memory_space<hbm>>
        tpu.enqueue_dma source(%dma_start3A_163 : memref<128xi32, #tpu.memory_space<hbm>>) target(%arg9 : memref<128xi32, #tpu.memory_space<vmem>>) target_semaphore(%run_scoped3A : memref<!tpu.dma_semaphore, #tpu.memory_space<semaphore_mem>>)
        %dma_wait3A_164 = tpu.memref_slice %arg3[%add3A_39] : memref<327680xi32, #tpu.memory_space<hbm>> -> memref<128xi32, #tpu.memory_space<hbm>>
        %dma_wait3A_165 = tpu.memref_slice %arg3[%add3A_39] : memref<327680xi32, #tpu.memory_space<hbm>> -> memref<128xi32, #tpu.memory_space<hbm>>
        tpu.wait_dma2 semaphore(%run_scoped3A : memref<!tpu.dma_semaphore, #tpu.memory_space<semaphore_mem>>) src(%dma_wait3A_165 : memref<128xi32, #tpu.memory_space<hbm>>) dst(%arg9 : memref<128xi32, #tpu.memory_space<vmem>>)
        tpu.yield
      }) : () -> ()
      %dma_wait3A_40 = arith.constant 128 : i32
      %dma_wait3A_41 = tpu.memref_slice %arg7[%dma_wait3A_40] : memref<1024xi32, #tpu.memory_space<vmem>> -> memref<128xi32, #tpu.memory_space<vmem>>
      %dma_wait3A_42 = arith.constant 0 : i32
      %dma_wait3A_43 = arith.constant 0 : i32
      %dma_wait3A_44 = tpu.memref_slice %arg4[%dma_wait3A_42, %dma_wait3A_43] : memref<10240x128xf32, #tpu.memory_space<hbm>> -> memref<10240x128xf32, #tpu.memory_space<hbm>>
      tpu.wait_indirect_dma semaphore(%arg13 : memref<!tpu.dma_semaphore, #tpu.memory_space<semaphore_mem>>) src(%dma_wait3A_44 : memref<10240x128xf32, #tpu.memory_space<hbm>>) dst(%arg11 : memref<128x128xf32, #tpu.memory_space<vmem>>)
      %dma_start3A_45 = arith.constant 0 : i32
      %dma_start3A_46 = arith.constant 0 : i32
      %dma_start3A_47 = tpu.memref_slice %arg16[%dma_start3A_45, %dma_start3A_46] : memref<10240x128xf32, #tpu.memory_space<vmem_shared>> -> memref<10240x128xf32, #tpu.memory_space<vmem_shared>>
      tpu.enqueue_indirect_dma source(%arg11 : memref<128x128xf32, #tpu.memory_space<vmem>>) target(%dma_start3A_47 : memref<10240x128xf32, #tpu.memory_space<vmem_shared>>) offsets(%arg9 : memref<128xi32, #tpu.memory_space<vmem>>) semaphore(%arg15 : memref<!tpu.dma_semaphore, #tpu.memory_space<semaphore_mem>>) {add = true}
      %add3A_48 = arith.constant 256 : i32
      %add3A_49 = arith.addi %mul3A_19, %add3A_48 : i32
      %dma_wait3A_50 = arith.constant 0 : i32
      %dma_wait3A_51 = arith.constant 0 : i32
      %dma_wait3A_52 = tpu.memref_slice %arg16[%dma_wait3A_50, %dma_wait3A_51] : memref<10240x128xf32, #tpu.memory_space<vmem_shared>> -> memref<10240x128xf32, #tpu.memory_space<vmem_shared>>
      tpu.wait_indirect_dma semaphore(%arg14 : memref<!tpu.dma_semaphore, #tpu.memory_space<semaphore_mem>>) src(%arg10 : memref<128x128xf32, #tpu.memory_space<vmem>>) dst(%dma_wait3A_52 : memref<10240x128xf32, #tpu.memory_space<vmem_shared>>)
      %dma_start3A_53 = arith.constant 256 : i32
      %dma_start3A_54 = tpu.memref_slice %arg7[%dma_start3A_53] : memref<1024xi32, #tpu.memory_space<vmem>> -> memref<128xi32, #tpu.memory_space<vmem>>
      %dma_start3A_55 = arith.constant 0 : i32
      %dma_start3A_56 = arith.constant 0 : i32
      %dma_start3A_57 = tpu.memref_slice %arg4[%dma_start3A_55, %dma_start3A_56] : memref<10240x128xf32, #tpu.memory_space<hbm>> -> memref<10240x128xf32, #tpu.memory_space<hbm>>
      tpu.enqueue_indirect_dma source(%dma_start3A_57 : memref<10240x128xf32, #tpu.memory_space<hbm>>) target(%arg10 : memref<128x128xf32, #tpu.memory_space<vmem>>) offsets(%dma_start3A_54 : memref<128xi32, #tpu.memory_space<vmem>>) semaphore(%arg12 : memref<!tpu.dma_semaphore, #tpu.memory_space<semaphore_mem>>)
      %dma_wait3A_58 = arith.constant 0 : i32
      %dma_wait3A_59 = arith.constant 0 : i32
      %dma_wait3A_60 = tpu.memref_slice %arg16[%dma_wait3A_58, %dma_wait3A_59] : memref<10240x128xf32, #tpu.memory_space<vmem_shared>> -> memref<10240x128xf32, #tpu.memory_space<vmem_shared>>
      tpu.wait_indirect_dma semaphore(%arg15 : memref<!tpu.dma_semaphore, #tpu.memory_space<semaphore_mem>>) src(%arg11 : memref<128x128xf32, #tpu.memory_space<vmem>>) dst(%dma_wait3A_60 : memref<10240x128xf32, #tpu.memory_space<vmem_shared>>)
      %dma_start3A_61 = arith.constant 384 : i32
      %dma_start3A_62 = tpu.memref_slice %arg7[%dma_start3A_61] : memref<1024xi32, #tpu.memory_space<vmem>> -> memref<128xi32, #tpu.memory_space<vmem>>
      %dma_start3A_63 = arith.constant 0 : i32
      %dma_start3A_64 = arith.constant 0 : i32
      %dma_start3A_65 = tpu.memref_slice %arg4[%dma_start3A_63, %dma_start3A_64] : memref<10240x128xf32, #tpu.memory_space<hbm>> -> memref<10240x128xf32, #tpu.memory_space<hbm>>
      tpu.enqueue_indirect_dma source(%dma_start3A_65 : memref<10240x128xf32, #tpu.memory_space<hbm>>) target(%arg11 : memref<128x128xf32, #tpu.memory_space<vmem>>) offsets(%dma_start3A_62 : memref<128xi32, #tpu.memory_space<vmem>>) semaphore(%arg13 : memref<!tpu.dma_semaphore, #tpu.memory_space<semaphore_mem>>)
      "tpu.region"() ({
        %run_scoped3A = tpu.sem_alloc : memref<!tpu.dma_semaphore, #tpu.memory_space<semaphore_mem>>
        %dma_start3A_162 = tpu.memref_slice %arg3[%add3A_49] : memref<327680xi32, #tpu.memory_space<hbm>> -> memref<128xi32, #tpu.memory_space<hbm>>
        %dma_start3A_163 = tpu.memref_slice %arg3[%add3A_49] : memref<327680xi32, #tpu.memory_space<hbm>> -> memref<128xi32, #tpu.memory_space<hbm>>
        tpu.enqueue_dma source(%dma_start3A_163 : memref<128xi32, #tpu.memory_space<hbm>>) target(%arg8 : memref<128xi32, #tpu.memory_space<vmem>>) target_semaphore(%run_scoped3A : memref<!tpu.dma_semaphore, #tpu.memory_space<semaphore_mem>>)
        %dma_wait3A_164 = tpu.memref_slice %arg3[%add3A_49] : memref<327680xi32, #tpu.memory_space<hbm>> -> memref<128xi32, #tpu.memory_space<hbm>>
        %dma_wait3A_165 = tpu.memref_slice %arg3[%add3A_49] : memref<327680xi32, #tpu.memory_space<hbm>> -> memref<128xi32, #tpu.memory_space<hbm>>
        tpu.wait_dma2 semaphore(%run_scoped3A : memref<!tpu.dma_semaphore, #tpu.memory_space<semaphore_mem>>) src(%dma_wait3A_165 : memref<128xi32, #tpu.memory_space<hbm>>) dst(%arg8 : memref<128xi32, #tpu.memory_space<vmem>>)
        tpu.yield
      }) : () -> ()
      %dma_wait3A_66 = arith.constant 256 : i32
      %dma_wait3A_67 = tpu.memref_slice %arg7[%dma_wait3A_66] : memref<1024xi32, #tpu.memory_space<vmem>> -> memref<128xi32, #tpu.memory_space<vmem>>
      %dma_wait3A_68 = arith.constant 0 : i32
      %dma_wait3A_69 = arith.constant 0 : i32
      %dma_wait3A_70 = tpu.memref_slice %arg4[%dma_wait3A_68, %dma_wait3A_69] : memref<10240x128xf32, #tpu.memory_space<hbm>> -> memref<10240x128xf32, #tpu.memory_space<hbm>>
      tpu.wait_indirect_dma semaphore(%arg12 : memref<!tpu.dma_semaphore, #tpu.memory_space<semaphore_mem>>) src(%dma_wait3A_70 : memref<10240x128xf32, #tpu.memory_space<hbm>>) dst(%arg10 : memref<128x128xf32, #tpu.memory_space<vmem>>)
      %dma_start3A_71 = arith.constant 0 : i32
      %dma_start3A_72 = arith.constant 0 : i32
      %dma_start3A_73 = tpu.memref_slice %arg16[%dma_start3A_71, %dma_start3A_72] : memref<10240x128xf32, #tpu.memory_space<vmem_shared>> -> memref<10240x128xf32, #tpu.memory_space<vmem_shared>>
      tpu.enqueue_indirect_dma source(%arg10 : memref<128x128xf32, #tpu.memory_space<vmem>>) target(%dma_start3A_73 : memref<10240x128xf32, #tpu.memory_space<vmem_shared>>) offsets(%arg8 : memref<128xi32, #tpu.memory_space<vmem>>) semaphore(%arg14 : memref<!tpu.dma_semaphore, #tpu.memory_space<semaphore_mem>>) {add = true}
      %add3A_74 = arith.constant 128 : i32
      %add3A_75 = arith.addi %add3A_49, %add3A_74 : i32
      "tpu.region"() ({
        %run_scoped3A = tpu.sem_alloc : memref<!tpu.dma_semaphore, #tpu.memory_space<semaphore_mem>>
        %dma_start3A_162 = tpu.memref_slice %arg3[%add3A_75] : memref<327680xi32, #tpu.memory_space<hbm>> -> memref<128xi32, #tpu.memory_space<hbm>>
        %dma_start3A_163 = tpu.memref_slice %arg3[%add3A_75] : memref<327680xi32, #tpu.memory_space<hbm>> -> memref<128xi32, #tpu.memory_space<hbm>>
        tpu.enqueue_dma source(%dma_start3A_163 : memref<128xi32, #tpu.memory_space<hbm>>) target(%arg9 : memref<128xi32, #tpu.memory_space<vmem>>) target_semaphore(%run_scoped3A : memref<!tpu.dma_semaphore, #tpu.memory_space<semaphore_mem>>)
        %dma_wait3A_164 = tpu.memref_slice %arg3[%add3A_75] : memref<327680xi32, #tpu.memory_space<hbm>> -> memref<128xi32, #tpu.memory_space<hbm>>
        %dma_wait3A_165 = tpu.memref_slice %arg3[%add3A_75] : memref<327680xi32, #tpu.memory_space<hbm>> -> memref<128xi32, #tpu.memory_space<hbm>>
        tpu.wait_dma2 semaphore(%run_scoped3A : memref<!tpu.dma_semaphore, #tpu.memory_space<semaphore_mem>>) src(%dma_wait3A_165 : memref<128xi32, #tpu.memory_space<hbm>>) dst(%arg9 : memref<128xi32, #tpu.memory_space<vmem>>)
        tpu.yield
      }) : () -> ()
      %dma_wait3A_76 = arith.constant 384 : i32
      %dma_wait3A_77 = tpu.memref_slice %arg7[%dma_wait3A_76] : memref<1024xi32, #tpu.memory_space<vmem>> -> memref<128xi32, #tpu.memory_space<vmem>>
      %dma_wait3A_78 = arith.constant 0 : i32
      %dma_wait3A_79 = arith.constant 0 : i32
      %dma_wait3A_80 = tpu.memref_slice %arg4[%dma_wait3A_78, %dma_wait3A_79] : memref<10240x128xf32, #tpu.memory_space<hbm>> -> memref<10240x128xf32, #tpu.memory_space<hbm>>
      tpu.wait_indirect_dma semaphore(%arg13 : memref<!tpu.dma_semaphore, #tpu.memory_space<semaphore_mem>>) src(%dma_wait3A_80 : memref<10240x128xf32, #tpu.memory_space<hbm>>) dst(%arg11 : memref<128x128xf32, #tpu.memory_space<vmem>>)
      %dma_start3A_81 = arith.constant 0 : i32
      %dma_start3A_82 = arith.constant 0 : i32
      %dma_start3A_83 = tpu.memref_slice %arg16[%dma_start3A_81, %dma_start3A_82] : memref<10240x128xf32, #tpu.memory_space<vmem_shared>> -> memref<10240x128xf32, #tpu.memory_space<vmem_shared>>
      tpu.enqueue_indirect_dma source(%arg11 : memref<128x128xf32, #tpu.memory_space<vmem>>) target(%dma_start3A_83 : memref<10240x128xf32, #tpu.memory_space<vmem_shared>>) offsets(%arg9 : memref<128xi32, #tpu.memory_space<vmem>>) semaphore(%arg15 : memref<!tpu.dma_semaphore, #tpu.memory_space<semaphore_mem>>) {add = true}
      %add3A_84 = arith.constant 512 : i32
      %add3A_85 = arith.addi %mul3A_19, %add3A_84 : i32
      %dma_wait3A_86 = arith.constant 0 : i32
      %dma_wait3A_87 = arith.constant 0 : i32
      %dma_wait3A_88 = tpu.memref_slice %arg16[%dma_wait3A_86, %dma_wait3A_87] : memref<10240x128xf32, #tpu.memory_space<vmem_shared>> -> memref<10240x128xf32, #tpu.memory_space<vmem_shared>>
      tpu.wait_indirect_dma semaphore(%arg14 : memref<!tpu.dma_semaphore, #tpu.memory_space<semaphore_mem>>) src(%arg10 : memref<128x128xf32, #tpu.memory_space<vmem>>) dst(%dma_wait3A_88 : memref<10240x128xf32, #tpu.memory_space<vmem_shared>>)
      %dma_start3A_89 = arith.constant 512 : i32
      %dma_start3A_90 = tpu.memref_slice %arg7[%dma_start3A_89] : memref<1024xi32, #tpu.memory_space<vmem>> -> memref<128xi32, #tpu.memory_space<vmem>>
      %dma_start3A_91 = arith.constant 0 : i32
      %dma_start3A_92 = arith.constant 0 : i32
      %dma_start3A_93 = tpu.memref_slice %arg4[%dma_start3A_91, %dma_start3A_92] : memref<10240x128xf32, #tpu.memory_space<hbm>> -> memref<10240x128xf32, #tpu.memory_space<hbm>>
      tpu.enqueue_indirect_dma source(%dma_start3A_93 : memref<10240x128xf32, #tpu.memory_space<hbm>>) target(%arg10 : memref<128x128xf32, #tpu.memory_space<vmem>>) offsets(%dma_start3A_90 : memref<128xi32, #tpu.memory_space<vmem>>) semaphore(%arg12 : memref<!tpu.dma_semaphore, #tpu.memory_space<semaphore_mem>>)
      %dma_wait3A_94 = arith.constant 0 : i32
      %dma_wait3A_95 = arith.constant 0 : i32
      %dma_wait3A_96 = tpu.memref_slice %arg16[%dma_wait3A_94, %dma_wait3A_95] : memref<10240x128xf32, #tpu.memory_space<vmem_shared>> -> memref<10240x128xf32, #tpu.memory_space<vmem_shared>>
      tpu.wait_indirect_dma semaphore(%arg15 : memref<!tpu.dma_semaphore, #tpu.memory_space<semaphore_mem>>) src(%arg11 : memref<128x128xf32, #tpu.memory_space<vmem>>) dst(%dma_wait3A_96 : memref<10240x128xf32, #tpu.memory_space<vmem_shared>>)
      %dma_start3A_97 = arith.constant 640 : i32
      %dma_start3A_98 = tpu.memref_slice %arg7[%dma_start3A_97] : memref<1024xi32, #tpu.memory_space<vmem>> -> memref<128xi32, #tpu.memory_space<vmem>>
      %dma_start3A_99 = arith.constant 0 : i32
      %dma_start3A_100 = arith.constant 0 : i32
      %dma_start3A_101 = tpu.memref_slice %arg4[%dma_start3A_99, %dma_start3A_100] : memref<10240x128xf32, #tpu.memory_space<hbm>> -> memref<10240x128xf32, #tpu.memory_space<hbm>>
      tpu.enqueue_indirect_dma source(%dma_start3A_101 : memref<10240x128xf32, #tpu.memory_space<hbm>>) target(%arg11 : memref<128x128xf32, #tpu.memory_space<vmem>>) offsets(%dma_start3A_98 : memref<128xi32, #tpu.memory_space<vmem>>) semaphore(%arg13 : memref<!tpu.dma_semaphore, #tpu.memory_space<semaphore_mem>>)
      "tpu.region"() ({
        %run_scoped3A = tpu.sem_alloc : memref<!tpu.dma_semaphore, #tpu.memory_space<semaphore_mem>>
        %dma_start3A_162 = tpu.memref_slice %arg3[%add3A_85] : memref<327680xi32, #tpu.memory_space<hbm>> -> memref<128xi32, #tpu.memory_space<hbm>>
        %dma_start3A_163 = tpu.memref_slice %arg3[%add3A_85] : memref<327680xi32, #tpu.memory_space<hbm>> -> memref<128xi32, #tpu.memory_space<hbm>>
        tpu.enqueue_dma source(%dma_start3A_163 : memref<128xi32, #tpu.memory_space<hbm>>) target(%arg8 : memref<128xi32, #tpu.memory_space<vmem>>) target_semaphore(%run_scoped3A : memref<!tpu.dma_semaphore, #tpu.memory_space<semaphore_mem>>)
        %dma_wait3A_164 = tpu.memref_slice %arg3[%add3A_85] : memref<327680xi32, #tpu.memory_space<hbm>> -> memref<128xi32, #tpu.memory_space<hbm>>
        %dma_wait3A_165 = tpu.memref_slice %arg3[%add3A_85] : memref<327680xi32, #tpu.memory_space<hbm>> -> memref<128xi32, #tpu.memory_space<hbm>>
        tpu.wait_dma2 semaphore(%run_scoped3A : memref<!tpu.dma_semaphore, #tpu.memory_space<semaphore_mem>>) src(%dma_wait3A_165 : memref<128xi32, #tpu.memory_space<hbm>>) dst(%arg8 : memref<128xi32, #tpu.memory_space<vmem>>)
        tpu.yield
      }) : () -> ()
      %dma_wait3A_102 = arith.constant 512 : i32
      %dma_wait3A_103 = tpu.memref_slice %arg7[%dma_wait3A_102] : memref<1024xi32, #tpu.memory_space<vmem>> -> memref<128xi32, #tpu.memory_space<vmem>>
      %dma_wait3A_104 = arith.constant 0 : i32
      %dma_wait3A_105 = arith.constant 0 : i32
      %dma_wait3A_106 = tpu.memref_slice %arg4[%dma_wait3A_104, %dma_wait3A_105] : memref<10240x128xf32, #tpu.memory_space<hbm>> -> memref<10240x128xf32, #tpu.memory_space<hbm>>
      tpu.wait_indirect_dma semaphore(%arg12 : memref<!tpu.dma_semaphore, #tpu.memory_space<semaphore_mem>>) src(%dma_wait3A_106 : memref<10240x128xf32, #tpu.memory_space<hbm>>) dst(%arg10 : memref<128x128xf32, #tpu.memory_space<vmem>>)
      %dma_start3A_107 = arith.constant 0 : i32
      %dma_start3A_108 = arith.constant 0 : i32
      %dma_start3A_109 = tpu.memref_slice %arg16[%dma_start3A_107, %dma_start3A_108] : memref<10240x128xf32, #tpu.memory_space<vmem_shared>> -> memref<10240x128xf32, #tpu.memory_space<vmem_shared>>
      tpu.enqueue_indirect_dma source(%arg10 : memref<128x128xf32, #tpu.memory_space<vmem>>) target(%dma_start3A_109 : memref<10240x128xf32, #tpu.memory_space<vmem_shared>>) offsets(%arg8 : memref<128xi32, #tpu.memory_space<vmem>>) semaphore(%arg14 : memref<!tpu.dma_semaphore, #tpu.memory_space<semaphore_mem>>) {add = true}
      %add3A_110 = arith.constant 128 : i32
      %add3A_111 = arith.addi %add3A_85, %add3A_110 : i32
      "tpu.region"() ({
        %run_scoped3A = tpu.sem_alloc : memref<!tpu.dma_semaphore, #tpu.memory_space<semaphore_mem>>
        %dma_start3A_162 = tpu.memref_slice %arg3[%add3A_111] : memref<327680xi32, #tpu.memory_space<hbm>> -> memref<128xi32, #tpu.memory_space<hbm>>
        %dma_start3A_163 = tpu.memref_slice %arg3[%add3A_111] : memref<327680xi32, #tpu.memory_space<hbm>> -> memref<128xi32, #tpu.memory_space<hbm>>
        tpu.enqueue_dma source(%dma_start3A_163 : memref<128xi32, #tpu.memory_space<hbm>>) target(%arg9 : memref<128xi32, #tpu.memory_space<vmem>>) target_semaphore(%run_scoped3A : memref<!tpu.dma_semaphore, #tpu.memory_space<semaphore_mem>>)
        %dma_wait3A_164 = tpu.memref_slice %arg3[%add3A_111] : memref<327680xi32, #tpu.memory_space<hbm>> -> memref<128xi32, #tpu.memory_space<hbm>>
        %dma_wait3A_165 = tpu.memref_slice %arg3[%add3A_111] : memref<327680xi32, #tpu.memory_space<hbm>> -> memref<128xi32, #tpu.memory_space<hbm>>
        tpu.wait_dma2 semaphore(%run_scoped3A : memref<!tpu.dma_semaphore, #tpu.memory_space<semaphore_mem>>) src(%dma_wait3A_165 : memref<128xi32, #tpu.memory_space<hbm>>) dst(%arg9 : memref<128xi32, #tpu.memory_space<vmem>>)
        tpu.yield
      }) : () -> ()
      %dma_wait3A_112 = arith.constant 640 : i32
      %dma_wait3A_113 = tpu.memref_slice %arg7[%dma_wait3A_112] : memref<1024xi32, #tpu.memory_space<vmem>> -> memref<128xi32, #tpu.memory_space<vmem>>
      %dma_wait3A_114 = arith.constant 0 : i32
      %dma_wait3A_115 = arith.constant 0 : i32
      %dma_wait3A_116 = tpu.memref_slice %arg4[%dma_wait3A_114, %dma_wait3A_115] : memref<10240x128xf32, #tpu.memory_space<hbm>> -> memref<10240x128xf32, #tpu.memory_space<hbm>>
      tpu.wait_indirect_dma semaphore(%arg13 : memref<!tpu.dma_semaphore, #tpu.memory_space<semaphore_mem>>) src(%dma_wait3A_116 : memref<10240x128xf32, #tpu.memory_space<hbm>>) dst(%arg11 : memref<128x128xf32, #tpu.memory_space<vmem>>)
      %dma_start3A_117 = arith.constant 0 : i32
      %dma_start3A_118 = arith.constant 0 : i32
      %dma_start3A_119 = tpu.memref_slice %arg16[%dma_start3A_117, %dma_start3A_118] : memref<10240x128xf32, #tpu.memory_space<vmem_shared>> -> memref<10240x128xf32, #tpu.memory_space<vmem_shared>>
      tpu.enqueue_indirect_dma source(%arg11 : memref<128x128xf32, #tpu.memory_space<vmem>>) target(%dma_start3A_119 : memref<10240x128xf32, #tpu.memory_space<vmem_shared>>) offsets(%arg9 : memref<128xi32, #tpu.memory_space<vmem>>) semaphore(%arg15 : memref<!tpu.dma_semaphore, #tpu.memory_space<semaphore_mem>>) {add = true}
      %add3A_120 = arith.constant 768 : i32
      %add3A_121 = arith.addi %mul3A_19, %add3A_120 : i32
      %dma_wait3A_122 = arith.constant 0 : i32
      %dma_wait3A_123 = arith.constant 0 : i32
      %dma_wait3A_124 = tpu.memref_slice %arg16[%dma_wait3A_122, %dma_wait3A_123] : memref<10240x128xf32, #tpu.memory_space<vmem_shared>> -> memref<10240x128xf32, #tpu.memory_space<vmem_shared>>
      tpu.wait_indirect_dma semaphore(%arg14 : memref<!tpu.dma_semaphore, #tpu.memory_space<semaphore_mem>>) src(%arg10 : memref<128x128xf32, #tpu.memory_space<vmem>>) dst(%dma_wait3A_124 : memref<10240x128xf32, #tpu.memory_space<vmem_shared>>)
      %dma_start3A_125 = arith.constant 768 : i32
      %dma_start3A_126 = tpu.memref_slice %arg7[%dma_start3A_125] : memref<1024xi32, #tpu.memory_space<vmem>> -> memref<128xi32, #tpu.memory_space<vmem>>
      %dma_start3A_127 = arith.constant 0 : i32
      %dma_start3A_128 = arith.constant 0 : i32
      %dma_start3A_129 = tpu.memref_slice %arg4[%dma_start3A_127, %dma_start3A_128] : memref<10240x128xf32, #tpu.memory_space<hbm>> -> memref<10240x128xf32, #tpu.memory_space<hbm>>
      tpu.enqueue_indirect_dma source(%dma_start3A_129 : memref<10240x128xf32, #tpu.memory_space<hbm>>) target(%arg10 : memref<128x128xf32, #tpu.memory_space<vmem>>) offsets(%dma_start3A_126 : memref<128xi32, #tpu.memory_space<vmem>>) semaphore(%arg12 : memref<!tpu.dma_semaphore, #tpu.memory_space<semaphore_mem>>)
      %dma_wait3A_130 = arith.constant 0 : i32
      %dma_wait3A_131 = arith.constant 0 : i32
      %dma_wait3A_132 = tpu.memref_slice %arg16[%dma_wait3A_130, %dma_wait3A_131] : memref<10240x128xf32, #tpu.memory_space<vmem_shared>> -> memref<10240x128xf32, #tpu.memory_space<vmem_shared>>
      tpu.wait_indirect_dma semaphore(%arg15 : memref<!tpu.dma_semaphore, #tpu.memory_space<semaphore_mem>>) src(%arg11 : memref<128x128xf32, #tpu.memory_space<vmem>>) dst(%dma_wait3A_132 : memref<10240x128xf32, #tpu.memory_space<vmem_shared>>)
      %dma_start3A_133 = arith.constant 896 : i32
      %dma_start3A_134 = tpu.memref_slice %arg7[%dma_start3A_133] : memref<1024xi32, #tpu.memory_space<vmem>> -> memref<128xi32, #tpu.memory_space<vmem>>
      %dma_start3A_135 = arith.constant 0 : i32
      %dma_start3A_136 = arith.constant 0 : i32
      %dma_start3A_137 = tpu.memref_slice %arg4[%dma_start3A_135, %dma_start3A_136] : memref<10240x128xf32, #tpu.memory_space<hbm>> -> memref<10240x128xf32, #tpu.memory_space<hbm>>
      tpu.enqueue_indirect_dma source(%dma_start3A_137 : memref<10240x128xf32, #tpu.memory_space<hbm>>) target(%arg11 : memref<128x128xf32, #tpu.memory_space<vmem>>) offsets(%dma_start3A_134 : memref<128xi32, #tpu.memory_space<vmem>>) semaphore(%arg13 : memref<!tpu.dma_semaphore, #tpu.memory_space<semaphore_mem>>)
      "tpu.region"() ({
        %run_scoped3A = tpu.sem_alloc : memref<!tpu.dma_semaphore, #tpu.memory_space<semaphore_mem>>
        %dma_start3A_162 = tpu.memref_slice %arg3[%add3A_121] : memref<327680xi32, #tpu.memory_space<hbm>> -> memref<128xi32, #tpu.memory_space<hbm>>
        %dma_start3A_163 = tpu.memref_slice %arg3[%add3A_121] : memref<327680xi32, #tpu.memory_space<hbm>> -> memref<128xi32, #tpu.memory_space<hbm>>
        tpu.enqueue_dma source(%dma_start3A_163 : memref<128xi32, #tpu.memory_space<hbm>>) target(%arg8 : memref<128xi32, #tpu.memory_space<vmem>>) target_semaphore(%run_scoped3A : memref<!tpu.dma_semaphore, #tpu.memory_space<semaphore_mem>>)
        %dma_wait3A_164 = tpu.memref_slice %arg3[%add3A_121] : memref<327680xi32, #tpu.memory_space<hbm>> -> memref<128xi32, #tpu.memory_space<hbm>>
        %dma_wait3A_165 = tpu.memref_slice %arg3[%add3A_121] : memref<327680xi32, #tpu.memory_space<hbm>> -> memref<128xi32, #tpu.memory_space<hbm>>
        tpu.wait_dma2 semaphore(%run_scoped3A : memref<!tpu.dma_semaphore, #tpu.memory_space<semaphore_mem>>) src(%dma_wait3A_165 : memref<128xi32, #tpu.memory_space<hbm>>) dst(%arg8 : memref<128xi32, #tpu.memory_space<vmem>>)
        tpu.yield
      }) : () -> ()
      %dma_wait3A_138 = arith.constant 768 : i32
      %dma_wait3A_139 = tpu.memref_slice %arg7[%dma_wait3A_138] : memref<1024xi32, #tpu.memory_space<vmem>> -> memref<128xi32, #tpu.memory_space<vmem>>
      %dma_wait3A_140 = arith.constant 0 : i32
      %dma_wait3A_141 = arith.constant 0 : i32
      %dma_wait3A_142 = tpu.memref_slice %arg4[%dma_wait3A_140, %dma_wait3A_141] : memref<10240x128xf32, #tpu.memory_space<hbm>> -> memref<10240x128xf32, #tpu.memory_space<hbm>>
      tpu.wait_indirect_dma semaphore(%arg12 : memref<!tpu.dma_semaphore, #tpu.memory_space<semaphore_mem>>) src(%dma_wait3A_142 : memref<10240x128xf32, #tpu.memory_space<hbm>>) dst(%arg10 : memref<128x128xf32, #tpu.memory_space<vmem>>)
      %dma_start3A_143 = arith.constant 0 : i32
      %dma_start3A_144 = arith.constant 0 : i32
      %dma_start3A_145 = tpu.memref_slice %arg16[%dma_start3A_143, %dma_start3A_144] : memref<10240x128xf32, #tpu.memory_space<vmem_shared>> -> memref<10240x128xf32, #tpu.memory_space<vmem_shared>>
      tpu.enqueue_indirect_dma source(%arg10 : memref<128x128xf32, #tpu.memory_space<vmem>>) target(%dma_start3A_145 : memref<10240x128xf32, #tpu.memory_space<vmem_shared>>) offsets(%arg8 : memref<128xi32, #tpu.memory_space<vmem>>) semaphore(%arg14 : memref<!tpu.dma_semaphore, #tpu.memory_space<semaphore_mem>>) {add = true}
      %add3A_146 = arith.constant 128 : i32
      %add3A_147 = arith.addi %add3A_121, %add3A_146 : i32
      "tpu.region"() ({
        %run_scoped3A = tpu.sem_alloc : memref<!tpu.dma_semaphore, #tpu.memory_space<semaphore_mem>>
        %dma_start3A_162 = tpu.memref_slice %arg3[%add3A_147] : memref<327680xi32, #tpu.memory_space<hbm>> -> memref<128xi32, #tpu.memory_space<hbm>>
        %dma_start3A_163 = tpu.memref_slice %arg3[%add3A_147] : memref<327680xi32, #tpu.memory_space<hbm>> -> memref<128xi32, #tpu.memory_space<hbm>>
        tpu.enqueue_dma source(%dma_start3A_163 : memref<128xi32, #tpu.memory_space<hbm>>) target(%arg9 : memref<128xi32, #tpu.memory_space<vmem>>) target_semaphore(%run_scoped3A : memref<!tpu.dma_semaphore, #tpu.memory_space<semaphore_mem>>)
        %dma_wait3A_164 = tpu.memref_slice %arg3[%add3A_147] : memref<327680xi32, #tpu.memory_space<hbm>> -> memref<128xi32, #tpu.memory_space<hbm>>
        %dma_wait3A_165 = tpu.memref_slice %arg3[%add3A_147] : memref<327680xi32, #tpu.memory_space<hbm>> -> memref<128xi32, #tpu.memory_space<hbm>>
        tpu.wait_dma2 semaphore(%run_scoped3A : memref<!tpu.dma_semaphore, #tpu.memory_space<semaphore_mem>>) src(%dma_wait3A_165 : memref<128xi32, #tpu.memory_space<hbm>>) dst(%arg9 : memref<128xi32, #tpu.memory_space<vmem>>)
        tpu.yield
      }) : () -> ()
      %dma_wait3A_148 = arith.constant 896 : i32
      %dma_wait3A_149 = tpu.memref_slice %arg7[%dma_wait3A_148] : memref<1024xi32, #tpu.memory_space<vmem>> -> memref<128xi32, #tpu.memory_space<vmem>>
      %dma_wait3A_150 = arith.constant 0 : i32
      %dma_wait3A_151 = arith.constant 0 : i32
      %dma_wait3A_152 = tpu.memref_slice %arg4[%dma_wait3A_150, %dma_wait3A_151] : memref<10240x128xf32, #tpu.memory_space<hbm>> -> memref<10240x128xf32, #tpu.memory_space<hbm>>
      tpu.wait_indirect_dma semaphore(%arg13 : memref<!tpu.dma_semaphore, #tpu.memory_space<semaphore_mem>>) src(%dma_wait3A_152 : memref<10240x128xf32, #tpu.memory_space<hbm>>) dst(%arg11 : memref<128x128xf32, #tpu.memory_space<vmem>>)
      %dma_start3A_153 = arith.constant 0 : i32
      %dma_start3A_154 = arith.constant 0 : i32
      %dma_start3A_155 = tpu.memref_slice %arg16[%dma_start3A_153, %dma_start3A_154] : memref<10240x128xf32, #tpu.memory_space<vmem_shared>> -> memref<10240x128xf32, #tpu.memory_space<vmem_shared>>
      tpu.enqueue_indirect_dma source(%arg11 : memref<128x128xf32, #tpu.memory_space<vmem>>) target(%dma_start3A_155 : memref<10240x128xf32, #tpu.memory_space<vmem_shared>>) offsets(%arg9 : memref<128xi32, #tpu.memory_space<vmem>>) semaphore(%arg15 : memref<!tpu.dma_semaphore, #tpu.memory_space<semaphore_mem>>) {add = true}
      %dma_wait3A_156 = arith.constant 0 : i32
      %dma_wait3A_157 = arith.constant 0 : i32
      %dma_wait3A_158 = tpu.memref_slice %arg16[%dma_wait3A_156, %dma_wait3A_157] : memref<10240x128xf32, #tpu.memory_space<vmem_shared>> -> memref<10240x128xf32, #tpu.memory_space<vmem_shared>>
      tpu.wait_indirect_dma semaphore(%arg14 : memref<!tpu.dma_semaphore, #tpu.memory_space<semaphore_mem>>) src(%arg10 : memref<128x128xf32, #tpu.memory_space<vmem>>) dst(%dma_wait3A_158 : memref<10240x128xf32, #tpu.memory_space<vmem_shared>>)
      %dma_wait3A_159 = arith.constant 0 : i32
      %dma_wait3A_160 = arith.constant 0 : i32
      %dma_wait3A_161 = tpu.memref_slice %arg16[%dma_wait3A_159, %dma_wait3A_160] : memref<10240x128xf32, #tpu.memory_space<vmem_shared>> -> memref<10240x128xf32, #tpu.memory_space<vmem_shared>>
      tpu.wait_indirect_dma semaphore(%arg15 : memref<!tpu.dma_semaphore, #tpu.memory_space<semaphore_mem>>) src(%arg11 : memref<128x128xf32, #tpu.memory_space<vmem>>) dst(%dma_wait3A_161 : memref<10240x128xf32, #tpu.memory_space<vmem_shared>>)
    }
    %scan3A_7 = arith.constant 10 : i32
    %barrier3A_8 = arith.constant 0 : index
    tpu.barrier barrier_id(%barrier3A_8)
    %mul3A_9 = arith.constant 10240 : i32
    %mul3A_10 = arith.muli %arg0, %mul3A_9 : i32
    %add3A_11 = arith.addi %mul3A_10, %mul3A_2 : i32
    "tpu.region"() ({
      %run_scoped3A = tpu.sem_alloc : memref<!tpu.dma_semaphore, #tpu.memory_space<semaphore_mem>>
      %dma_start3A = arith.constant 0 : i32
      %dma_start3A_12 = tpu.memref_slice %arg6[%add3A_11, %dma_start3A] : memref<20480x128xf32, #tpu.memory_space<hbm>> -> memref<640x128xf32, #tpu.memory_space<hbm>>
      %dma_start3A_13 = arith.constant 0 : i32
      %dma_start3A_14 = tpu.memref_slice %arg16[%mul3A_2, %dma_start3A_13] : memref<10240x128xf32, #tpu.memory_space<vmem_shared>> -> memref<640x128xf32, #tpu.memory_space<vmem_shared>>
      tpu.enqueue_dma source(%dma_start3A_14 : memref<640x128xf32, #tpu.memory_space<vmem_shared>>) target(%dma_start3A_12 : memref<640x128xf32, #tpu.memory_space<hbm>>) target_semaphore(%run_scoped3A : memref<!tpu.dma_semaphore, #tpu.memory_space<semaphore_mem>>)
      %dma_wait3A = arith.constant 0 : i32
      %dma_wait3A_15 = tpu.memref_slice %arg6[%add3A_11, %dma_wait3A] : memref<20480x128xf32, #tpu.memory_space<hbm>> -> memref<640x128xf32, #tpu.memory_space<hbm>>
      %dma_wait3A_16 = arith.constant 0 : i32
      %dma_wait3A_17 = tpu.memref_slice %arg16[%mul3A_2, %dma_wait3A_16] : memref<10240x128xf32, #tpu.memory_space<vmem_shared>> -> memref<640x128xf32, #tpu.memory_space<vmem_shared>>
      tpu.wait_dma2 semaphore(%run_scoped3A : memref<!tpu.dma_semaphore, #tpu.memory_space<semaphore_mem>>) src(%dma_wait3A_17 : memref<640x128xf32, #tpu.memory_space<vmem_shared>>) dst(%dma_wait3A_15 : memref<640x128xf32, #tpu.memory_space<hbm>>)
      tpu.yield
    }) : () -> ()
    return
  }
}

#map = affine_map<(d0, d1) -> (0)>
#map1 = affine_map<(d0, d1) -> (0, 0)>
module attributes {stable_mosaic.version = 14 : i64} {
  func.func @_sc_spmm(%arg0: i32, %arg1: i32, %arg2: memref<327680xi32, #tpu.memory_space<hbm>>, %arg3: memref<327680xi32, #tpu.memory_space<hbm>>, %arg4: memref<10240x128xf32, #tpu.memory_space<hbm>>, %arg5: memref<10240x128xf32, #tpu.memory_space<hbm>>, %arg6: memref<20480x128xf32, #tpu.memory_space<hbm>>, %arg7: memref<1024xi32, #tpu.memory_space<vmem>>, %arg8: memref<128xi32, #tpu.memory_space<vmem>>, %arg9: memref<128xi32, #tpu.memory_space<vmem>>, %arg10: memref<128x128xf32, #tpu.memory_space<vmem>>, %arg11: memref<128x128xf32, #tpu.memory_space<vmem>>, %arg12: memref<!tpu.dma_semaphore, #tpu.memory_space<semaphore_mem>>, %arg13: memref<!tpu.dma_semaphore, #tpu.memory_space<semaphore_mem>>, %arg14: memref<!tpu.dma_semaphore, #tpu.memory_space<semaphore_mem>>, %arg15: memref<!tpu.dma_semaphore, #tpu.memory_space<semaphore_mem>>, %arg16: memref<10240x128xf32, #tpu.memory_space<vmem_shared>>) attributes {dimension_semantics = [#tpu.dimension_semantics<core_parallel>, #tpu.dimension_semantics<subcore_parallel>], iteration_bounds = array<i64: 2, 16>, scalar_prefetch = 0 : i64, scratch_operands = 10 : i64, tpu.core_type = #tpu.core_type<sc_vector_subcore>, window_params = [{transform_indices = #map}, {transform_indices = #map}, {transform_indices = #map1}, {transform_indices = #map1}, {transform_indices = #map1}]} {
    %mul3A = arith.constant 16 : i32
    %mul3A_0 = arith.muli %arg0, %mul3A : i32
    %add3A = arith.addi %mul3A_0, %arg1 : i32
    %mul3A_1 = arith.constant 640 : i32
    %mul3A_2 = arith.muli %arg1, %mul3A_1 : i32
    "tpu.region"() ({
      %run_scoped3A = tpu.sem_alloc : memref<!tpu.dma_semaphore, #tpu.memory_space<semaphore_mem>>
      %dma_start3A = arith.constant 0 : i32
      %dma_start3A_12 = tpu.memref_slice %arg16[%mul3A_2, %dma_start3A] : memref<10240x128xf32, #tpu.memory_space<vmem_shared>> -> memref<640x128xf32, #tpu.memory_space<vmem_shared>>
      %dma_start3A_13 = arith.constant 0 : i32
      %dma_start3A_14 = tpu.memref_slice %arg5[%mul3A_2, %dma_start3A_13] : memref<10240x128xf32, #tpu.memory_space<hbm>> -> memref<640x128xf32, #tpu.memory_space<hbm>>
      tpu.enqueue_dma source(%dma_start3A_14 : memref<640x128xf32, #tpu.memory_space<hbm>>) target(%dma_start3A_12 : memref<640x128xf32, #tpu.memory_space<vmem_shared>>) target_semaphore(%run_scoped3A : memref<!tpu.dma_semaphore, #tpu.memory_space<semaphore_mem>>)
      %dma_wait3A = arith.constant 0 : i32
      %dma_wait3A_15 = tpu.memref_slice %arg16[%mul3A_2, %dma_wait3A] : memref<10240x128xf32, #tpu.memory_space<vmem_shared>> -> memref<640x128xf32, #tpu.memory_space<vmem_shared>>
      %dma_wait3A_16 = arith.constant 0 : i32
      %dma_wait3A_17 = tpu.memref_slice %arg5[%mul3A_2, %dma_wait3A_16] : memref<10240x128xf32, #tpu.memory_space<hbm>> -> memref<640x128xf32, #tpu.memory_space<hbm>>
      tpu.wait_dma2 semaphore(%run_scoped3A : memref<!tpu.dma_semaphore, #tpu.memory_space<semaphore_mem>>) src(%dma_wait3A_17 : memref<640x128xf32, #tpu.memory_space<hbm>>) dst(%dma_wait3A_15 : memref<640x128xf32, #tpu.memory_space<vmem_shared>>)
      tpu.yield
    }) : () -> ()
    %barrier3A = arith.constant 0 : index
    tpu.barrier barrier_id(%barrier3A)
    %scan3A = arith.constant 0 : i32
    %scan3A_3 = arith.constant 0 : i32
    %scan3A_4 = arith.constant 10 : i32
    %scan3A_5 = arith.addi %scan3A_3, %scan3A_4 : i32
    %scan3A_6 = arith.constant 1 : i32
    scf.for %scan3A_12 = %scan3A_3 to %scan3A_5 step %scan3A_6  : i32 {
      %mul3A_13 = arith.constant 80 : i32
      %mul3A_14 = arith.muli %add3A, %mul3A_13 : i32
      %mul3A_15 = arith.constant 8 : i32
      %mul3A_16 = arith.muli %mul3A_15, %scan3A_12 : i32
      %add3A_17 = arith.addi %mul3A_14, %mul3A_16 : i32
      %mul3A_18 = arith.constant 128 : i32
      %mul3A_19 = arith.muli %add3A_17, %mul3A_18 : i32
      "tpu.region"() ({
        %run_scoped3A = tpu.sem_alloc : memref<!tpu.dma_semaphore, #tpu.memory_space<semaphore_mem>>
        %dma_start3A_162 = tpu.memref_slice %arg2[%mul3A_19] : memref<327680xi32, #tpu.memory_space<hbm>> -> memref<1024xi32, #tpu.memory_space<hbm>>
        %dma_start3A_163 = tpu.memref_slice %arg2[%mul3A_19] : memref<327680xi32, #tpu.memory_space<hbm>> -> memref<1024xi32, #tpu.memory_space<hbm>>
        tpu.enqueue_dma source(%dma_start3A_163 : memref<1024xi32, #tpu.memory_space<hbm>>) target(%arg7 : memref<1024xi32, #tpu.memory_space<vmem>>) target_semaphore(%run_scoped3A : memref<!tpu.dma_semaphore, #tpu.memory_space<semaphore_mem>>)
        %dma_wait3A_164 = tpu.memref_slice %arg2[%mul3A_19] : memref<327680xi32, #tpu.memory_space<hbm>> -> memref<1024xi32, #tpu.memory_space<hbm>>
        %dma_wait3A_165 = tpu.memref_slice %arg2[%mul3A_19] : memref<327680xi32, #tpu.memory_space<hbm>> -> memref<1024xi32, #tpu.memory_space<hbm>>
        tpu.wait_dma2 semaphore(%run_scoped3A : memref<!tpu.dma_semaphore, #tpu.memory_space<semaphore_mem>>) src(%dma_wait3A_165 : memref<1024xi32, #tpu.memory_space<hbm>>) dst(%arg7 : memref<1024xi32, #tpu.memory_space<vmem>>)
        tpu.yield
      }) : () -> ()
      %add3A_20 = arith.constant 0 : i32
      %add3A_21 = arith.addi %mul3A_19, %add3A_20 : i32
      %dma_start3A = arith.constant 0 : i32
      %dma_start3A_22 = tpu.memref_slice %arg7[%dma_start3A] : memref<1024xi32, #tpu.memory_space<vmem>> -> memref<128xi32, #tpu.memory_space<vmem>>
      %dma_start3A_23 = arith.constant 0 : i32
      %dma_start3A_24 = arith.constant 0 : i32
      %dma_start3A_25 = tpu.memref_slice %arg4[%dma_start3A_23, %dma_start3A_24] : memref<10240x128xf32, #tpu.memory_space<hbm>> -> memref<10240x128xf32, #tpu.memory_space<hbm>>
      tpu.enqueue_indirect_dma source(%dma_start3A_25 : memref<10240x128xf32, #tpu.memory_space<hbm>>) target(%arg10 : memref<128x128xf32, #tpu.memory_space<vmem>>) offsets(%dma_start3A_22 : memref<128xi32, #tpu.memory_space<vmem>>) semaphore(%arg12 : memref<!tpu.dma_semaphore, #tpu.memory_space<semaphore_mem>>)
      %dma_start3A_26 = arith.constant 128 : i32
      %dma_start3A_27 = tpu.memref_slice %arg7[%dma_start3A_26] : memref<1024xi32, #tpu.memory_space<vmem>> -> memref<128xi32, #tpu.memory_space<vmem>>
      %dma_start3A_28 = arith.constant 0 : i32
      %dma_start3A_29 = arith.constant 0 : i32
      %dma_start3A_30 = tpu.memref_slice %arg4[%dma_start3A_28, %dma_start3A_29] : memref<10240x128xf32, #tpu.memory_space<hbm>> -> memref<10240x128xf32, #tpu.memory_space<hbm>>
      tpu.enqueue_indirect_dma source(%dma_start3A_30 : memref<10240x128xf32, #tpu.memory_space<hbm>>) target(%arg11 : memref<128x128xf32, #tpu.memory_space<vmem>>) offsets(%dma_start3A_27 : memref<128xi32, #tpu.memory_space<vmem>>) semaphore(%arg13 : memref<!tpu.dma_semaphore, #tpu.memory_space<semaphore_mem>>)
      "tpu.region"() ({
        %run_scoped3A = tpu.sem_alloc : memref<!tpu.dma_semaphore, #tpu.memory_space<semaphore_mem>>
        %dma_start3A_162 = tpu.memref_slice %arg3[%add3A_21] : memref<327680xi32, #tpu.memory_space<hbm>> -> memref<128xi32, #tpu.memory_space<hbm>>
        %dma_start3A_163 = tpu.memref_slice %arg3[%add3A_21] : memref<327680xi32, #tpu.memory_space<hbm>> -> memref<128xi32, #tpu.memory_space<hbm>>
        tpu.enqueue_dma source(%dma_start3A_163 : memref<128xi32, #tpu.memory_space<hbm>>) target(%arg8 : memref<128xi32, #tpu.memory_space<vmem>>) target_semaphore(%run_scoped3A : memref<!tpu.dma_semaphore, #tpu.memory_space<semaphore_mem>>)
        %dma_wait3A_164 = tpu.memref_slice %arg3[%add3A_21] : memref<327680xi32, #tpu.memory_space<hbm>> -> memref<128xi32, #tpu.memory_space<hbm>>
        %dma_wait3A_165 = tpu.memref_slice %arg3[%add3A_21] : memref<327680xi32, #tpu.memory_space<hbm>> -> memref<128xi32, #tpu.memory_space<hbm>>
        tpu.wait_dma2 semaphore(%run_scoped3A : memref<!tpu.dma_semaphore, #tpu.memory_space<semaphore_mem>>) src(%dma_wait3A_165 : memref<128xi32, #tpu.memory_space<hbm>>) dst(%arg8 : memref<128xi32, #tpu.memory_space<vmem>>)
        tpu.yield
      }) : () -> ()
      %dma_wait3A = arith.constant 0 : i32
      %dma_wait3A_31 = tpu.memref_slice %arg7[%dma_wait3A] : memref<1024xi32, #tpu.memory_space<vmem>> -> memref<128xi32, #tpu.memory_space<vmem>>
      %dma_wait3A_32 = arith.constant 0 : i32
      %dma_wait3A_33 = arith.constant 0 : i32
      %dma_wait3A_34 = tpu.memref_slice %arg4[%dma_wait3A_32, %dma_wait3A_33] : memref<10240x128xf32, #tpu.memory_space<hbm>> -> memref<10240x128xf32, #tpu.memory_space<hbm>>
      tpu.wait_indirect_dma semaphore(%arg12 : memref<!tpu.dma_semaphore, #tpu.memory_space<semaphore_mem>>) src(%dma_wait3A_34 : memref<10240x128xf32, #tpu.memory_space<hbm>>) dst(%arg10 : memref<128x128xf32, #tpu.memory_space<vmem>>)
      %dma_start3A_35 = arith.constant 0 : i32
      %dma_start3A_36 = arith.constant 0 : i32
      %dma_start3A_37 = tpu.memref_slice %arg16[%dma_start3A_35, %dma_start3A_36] : memref<10240x128xf32, #tpu.memory_space<vmem_shared>> -> memref<10240x128xf32, #tpu.memory_space<vmem_shared>>
      tpu.enqueue_indirect_dma source(%arg10 : memref<128x128xf32, #tpu.memory_space<vmem>>) target(%dma_start3A_37 : memref<10240x128xf32, #tpu.memory_space<vmem_shared>>) offsets(%arg8 : memref<128xi32, #tpu.memory_space<vmem>>) semaphore(%arg14 : memref<!tpu.dma_semaphore, #tpu.memory_space<semaphore_mem>>) {add = true}
      %add3A_38 = arith.constant 128 : i32
      %add3A_39 = arith.addi %add3A_21, %add3A_38 : i32
      "tpu.region"() ({
        %run_scoped3A = tpu.sem_alloc : memref<!tpu.dma_semaphore, #tpu.memory_space<semaphore_mem>>
        %dma_start3A_162 = tpu.memref_slice %arg3[%add3A_39] : memref<327680xi32, #tpu.memory_space<hbm>> -> memref<128xi32, #tpu.memory_space<hbm>>
        %dma_start3A_163 = tpu.memref_slice %arg3[%add3A_39] : memref<327680xi32, #tpu.memory_space<hbm>> -> memref<128xi32, #tpu.memory_space<hbm>>
        tpu.enqueue_dma source(%dma_start3A_163 : memref<128xi32, #tpu.memory_space<hbm>>) target(%arg9 : memref<128xi32, #tpu.memory_space<vmem>>) target_semaphore(%run_scoped3A : memref<!tpu.dma_semaphore, #tpu.memory_space<semaphore_mem>>)
        %dma_wait3A_164 = tpu.memref_slice %arg3[%add3A_39] : memref<327680xi32, #tpu.memory_space<hbm>> -> memref<128xi32, #tpu.memory_space<hbm>>
        %dma_wait3A_165 = tpu.memref_slice %arg3[%add3A_39] : memref<327680xi32, #tpu.memory_space<hbm>> -> memref<128xi32, #tpu.memory_space<hbm>>
        tpu.wait_dma2 semaphore(%run_scoped3A : memref<!tpu.dma_semaphore, #tpu.memory_space<semaphore_mem>>) src(%dma_wait3A_165 : memref<128xi32, #tpu.memory_space<hbm>>) dst(%arg9 : memref<128xi32, #tpu.memory_space<vmem>>)
        tpu.yield
      }) : () -> ()
      %dma_wait3A_40 = arith.constant 128 : i32
      %dma_wait3A_41 = tpu.memref_slice %arg7[%dma_wait3A_40] : memref<1024xi32, #tpu.memory_space<vmem>> -> memref<128xi32, #tpu.memory_space<vmem>>
      %dma_wait3A_42 = arith.constant 0 : i32
      %dma_wait3A_43 = arith.constant 0 : i32
      %dma_wait3A_44 = tpu.memref_slice %arg4[%dma_wait3A_42, %dma_wait3A_43] : memref<10240x128xf32, #tpu.memory_space<hbm>> -> memref<10240x128xf32, #tpu.memory_space<hbm>>
      tpu.wait_indirect_dma semaphore(%arg13 : memref<!tpu.dma_semaphore, #tpu.memory_space<semaphore_mem>>) src(%dma_wait3A_44 : memref<10240x128xf32, #tpu.memory_space<hbm>>) dst(%arg11 : memref<128x128xf32, #tpu.memory_space<vmem>>)
      %dma_start3A_45 = arith.constant 0 : i32
      %dma_start3A_46 = arith.constant 0 : i32
      %dma_start3A_47 = tpu.memref_slice %arg16[%dma_start3A_45, %dma_start3A_46] : memref<10240x128xf32, #tpu.memory_space<vmem_shared>> -> memref<10240x128xf32, #tpu.memory_space<vmem_shared>>
      tpu.enqueue_indirect_dma source(%arg11 : memref<128x128xf32, #tpu.memory_space<vmem>>) target(%dma_start3A_47 : memref<10240x128xf32, #tpu.memory_space<vmem_shared>>) offsets(%arg9 : memref<128xi32, #tpu.memory_space<vmem>>) semaphore(%arg15 : memref<!tpu.dma_semaphore, #tpu.memory_space<semaphore_mem>>) {add = true}
      %add3A_48 = arith.constant 256 : i32
      %add3A_49 = arith.addi %mul3A_19, %add3A_48 : i32
      %dma_wait3A_50 = arith.constant 0 : i32
      %dma_wait3A_51 = arith.constant 0 : i32
      %dma_wait3A_52 = tpu.memref_slice %arg16[%dma_wait3A_50, %dma_wait3A_51] : memref<10240x128xf32, #tpu.memory_space<vmem_shared>> -> memref<10240x128xf32, #tpu.memory_space<vmem_shared>>
      tpu.wait_indirect_dma semaphore(%arg14 : memref<!tpu.dma_semaphore, #tpu.memory_space<semaphore_mem>>) src(%arg10 : memref<128x128xf32, #tpu.memory_space<vmem>>) dst(%dma_wait3A_52 : memref<10240x128xf32, #tpu.memory_space<vmem_shared>>)
      %dma_start3A_53 = arith.constant 256 : i32
      %dma_start3A_54 = tpu.memref_slice %arg7[%dma_start3A_53] : memref<1024xi32, #tpu.memory_space<vmem>> -> memref<128xi32, #tpu.memory_space<vmem>>
      %dma_start3A_55 = arith.constant 0 : i32
      %dma_start3A_56 = arith.constant 0 : i32
      %dma_start3A_57 = tpu.memref_slice %arg4[%dma_start3A_55, %dma_start3A_56] : memref<10240x128xf32, #tpu.memory_space<hbm>> -> memref<10240x128xf32, #tpu.memory_space<hbm>>
      tpu.enqueue_indirect_dma source(%dma_start3A_57 : memref<10240x128xf32, #tpu.memory_space<hbm>>) target(%arg10 : memref<128x128xf32, #tpu.memory_space<vmem>>) offsets(%dma_start3A_54 : memref<128xi32, #tpu.memory_space<vmem>>) semaphore(%arg12 : memref<!tpu.dma_semaphore, #tpu.memory_space<semaphore_mem>>)
      %dma_wait3A_58 = arith.constant 0 : i32
      %dma_wait3A_59 = arith.constant 0 : i32
      %dma_wait3A_60 = tpu.memref_slice %arg16[%dma_wait3A_58, %dma_wait3A_59] : memref<10240x128xf32, #tpu.memory_space<vmem_shared>> -> memref<10240x128xf32, #tpu.memory_space<vmem_shared>>
      tpu.wait_indirect_dma semaphore(%arg15 : memref<!tpu.dma_semaphore, #tpu.memory_space<semaphore_mem>>) src(%arg11 : memref<128x128xf32, #tpu.memory_space<vmem>>) dst(%dma_wait3A_60 : memref<10240x128xf32, #tpu.memory_space<vmem_shared>>)
      %dma_start3A_61 = arith.constant 384 : i32
      %dma_start3A_62 = tpu.memref_slice %arg7[%dma_start3A_61] : memref<1024xi32, #tpu.memory_space<vmem>> -> memref<128xi32, #tpu.memory_space<vmem>>
      %dma_start3A_63 = arith.constant 0 : i32
      %dma_start3A_64 = arith.constant 0 : i32
      %dma_start3A_65 = tpu.memref_slice %arg4[%dma_start3A_63, %dma_start3A_64] : memref<10240x128xf32, #tpu.memory_space<hbm>> -> memref<10240x128xf32, #tpu.memory_space<hbm>>
      tpu.enqueue_indirect_dma source(%dma_start3A_65 : memref<10240x128xf32, #tpu.memory_space<hbm>>) target(%arg11 : memref<128x128xf32, #tpu.memory_space<vmem>>) offsets(%dma_start3A_62 : memref<128xi32, #tpu.memory_space<vmem>>) semaphore(%arg13 : memref<!tpu.dma_semaphore, #tpu.memory_space<semaphore_mem>>)
      "tpu.region"() ({
        %run_scoped3A = tpu.sem_alloc : memref<!tpu.dma_semaphore, #tpu.memory_space<semaphore_mem>>
        %dma_start3A_162 = tpu.memref_slice %arg3[%add3A_49] : memref<327680xi32, #tpu.memory_space<hbm>> -> memref<128xi32, #tpu.memory_space<hbm>>
        %dma_start3A_163 = tpu.memref_slice %arg3[%add3A_49] : memref<327680xi32, #tpu.memory_space<hbm>> -> memref<128xi32, #tpu.memory_space<hbm>>
        tpu.enqueue_dma source(%dma_start3A_163 : memref<128xi32, #tpu.memory_space<hbm>>) target(%arg8 : memref<128xi32, #tpu.memory_space<vmem>>) target_semaphore(%run_scoped3A : memref<!tpu.dma_semaphore, #tpu.memory_space<semaphore_mem>>)
        %dma_wait3A_164 = tpu.memref_slice %arg3[%add3A_49] : memref<327680xi32, #tpu.memory_space<hbm>> -> memref<128xi32, #tpu.memory_space<hbm>>
        %dma_wait3A_165 = tpu.memref_slice %arg3[%add3A_49] : memref<327680xi32, #tpu.memory_space<hbm>> -> memref<128xi32, #tpu.memory_space<hbm>>
        tpu.wait_dma2 semaphore(%run_scoped3A : memref<!tpu.dma_semaphore, #tpu.memory_space<semaphore_mem>>) src(%dma_wait3A_165 : memref<128xi32, #tpu.memory_space<hbm>>) dst(%arg8 : memref<128xi32, #tpu.memory_space<vmem>>)
        tpu.yield
      }) : () -> ()
      %dma_wait3A_66 = arith.constant 256 : i32
      %dma_wait3A_67 = tpu.memref_slice %arg7[%dma_wait3A_66] : memref<1024xi32, #tpu.memory_space<vmem>> -> memref<128xi32, #tpu.memory_space<vmem>>
      %dma_wait3A_68 = arith.constant 0 : i32
      %dma_wait3A_69 = arith.constant 0 : i32
      %dma_wait3A_70 = tpu.memref_slice %arg4[%dma_wait3A_68, %dma_wait3A_69] : memref<10240x128xf32, #tpu.memory_space<hbm>> -> memref<10240x128xf32, #tpu.memory_space<hbm>>
      tpu.wait_indirect_dma semaphore(%arg12 : memref<!tpu.dma_semaphore, #tpu.memory_space<semaphore_mem>>) src(%dma_wait3A_70 : memref<10240x128xf32, #tpu.memory_space<hbm>>) dst(%arg10 : memref<128x128xf32, #tpu.memory_space<vmem>>)
      %dma_start3A_71 = arith.constant 0 : i32
      %dma_start3A_72 = arith.constant 0 : i32
      %dma_start3A_73 = tpu.memref_slice %arg16[%dma_start3A_71, %dma_start3A_72] : memref<10240x128xf32, #tpu.memory_space<vmem_shared>> -> memref<10240x128xf32, #tpu.memory_space<vmem_shared>>
      tpu.enqueue_indirect_dma source(%arg10 : memref<128x128xf32, #tpu.memory_space<vmem>>) target(%dma_start3A_73 : memref<10240x128xf32, #tpu.memory_space<vmem_shared>>) offsets(%arg8 : memref<128xi32, #tpu.memory_space<vmem>>) semaphore(%arg14 : memref<!tpu.dma_semaphore, #tpu.memory_space<semaphore_mem>>) {add = true}
      %add3A_74 = arith.constant 128 : i32
      %add3A_75 = arith.addi %add3A_49, %add3A_74 : i32
      "tpu.region"() ({
        %run_scoped3A = tpu.sem_alloc : memref<!tpu.dma_semaphore, #tpu.memory_space<semaphore_mem>>
        %dma_start3A_162 = tpu.memref_slice %arg3[%add3A_75] : memref<327680xi32, #tpu.memory_space<hbm>> -> memref<128xi32, #tpu.memory_space<hbm>>
        %dma_start3A_163 = tpu.memref_slice %arg3[%add3A_75] : memref<327680xi32, #tpu.memory_space<hbm>> -> memref<128xi32, #tpu.memory_space<hbm>>
        tpu.enqueue_dma source(%dma_start3A_163 : memref<128xi32, #tpu.memory_space<hbm>>) target(%arg9 : memref<128xi32, #tpu.memory_space<vmem>>) target_semaphore(%run_scoped3A : memref<!tpu.dma_semaphore, #tpu.memory_space<semaphore_mem>>)
        %dma_wait3A_164 = tpu.memref_slice %arg3[%add3A_75] : memref<327680xi32, #tpu.memory_space<hbm>> -> memref<128xi32, #tpu.memory_space<hbm>>
        %dma_wait3A_165 = tpu.memref_slice %arg3[%add3A_75] : memref<327680xi32, #tpu.memory_space<hbm>> -> memref<128xi32, #tpu.memory_space<hbm>>
        tpu.wait_dma2 semaphore(%run_scoped3A : memref<!tpu.dma_semaphore, #tpu.memory_space<semaphore_mem>>) src(%dma_wait3A_165 : memref<128xi32, #tpu.memory_space<hbm>>) dst(%arg9 : memref<128xi32, #tpu.memory_space<vmem>>)
        tpu.yield
      }) : () -> ()
      %dma_wait3A_76 = arith.constant 384 : i32
      %dma_wait3A_77 = tpu.memref_slice %arg7[%dma_wait3A_76] : memref<1024xi32, #tpu.memory_space<vmem>> -> memref<128xi32, #tpu.memory_space<vmem>>
      %dma_wait3A_78 = arith.constant 0 : i32
      %dma_wait3A_79 = arith.constant 0 : i32
      %dma_wait3A_80 = tpu.memref_slice %arg4[%dma_wait3A_78, %dma_wait3A_79] : memref<10240x128xf32, #tpu.memory_space<hbm>> -> memref<10240x128xf32, #tpu.memory_space<hbm>>
      tpu.wait_indirect_dma semaphore(%arg13 : memref<!tpu.dma_semaphore, #tpu.memory_space<semaphore_mem>>) src(%dma_wait3A_80 : memref<10240x128xf32, #tpu.memory_space<hbm>>) dst(%arg11 : memref<128x128xf32, #tpu.memory_space<vmem>>)
      %dma_start3A_81 = arith.constant 0 : i32
      %dma_start3A_82 = arith.constant 0 : i32
      %dma_start3A_83 = tpu.memref_slice %arg16[%dma_start3A_81, %dma_start3A_82] : memref<10240x128xf32, #tpu.memory_space<vmem_shared>> -> memref<10240x128xf32, #tpu.memory_space<vmem_shared>>
      tpu.enqueue_indirect_dma source(%arg11 : memref<128x128xf32, #tpu.memory_space<vmem>>) target(%dma_start3A_83 : memref<10240x128xf32, #tpu.memory_space<vmem_shared>>) offsets(%arg9 : memref<128xi32, #tpu.memory_space<vmem>>) semaphore(%arg15 : memref<!tpu.dma_semaphore, #tpu.memory_space<semaphore_mem>>) {add = true}
      %add3A_84 = arith.constant 512 : i32
      %add3A_85 = arith.addi %mul3A_19, %add3A_84 : i32
      %dma_wait3A_86 = arith.constant 0 : i32
      %dma_wait3A_87 = arith.constant 0 : i32
      %dma_wait3A_88 = tpu.memref_slice %arg16[%dma_wait3A_86, %dma_wait3A_87] : memref<10240x128xf32, #tpu.memory_space<vmem_shared>> -> memref<10240x128xf32, #tpu.memory_space<vmem_shared>>
      tpu.wait_indirect_dma semaphore(%arg14 : memref<!tpu.dma_semaphore, #tpu.memory_space<semaphore_mem>>) src(%arg10 : memref<128x128xf32, #tpu.memory_space<vmem>>) dst(%dma_wait3A_88 : memref<10240x128xf32, #tpu.memory_space<vmem_shared>>)
      %dma_start3A_89 = arith.constant 512 : i32
      %dma_start3A_90 = tpu.memref_slice %arg7[%dma_start3A_89] : memref<1024xi32, #tpu.memory_space<vmem>> -> memref<128xi32, #tpu.memory_space<vmem>>
      %dma_start3A_91 = arith.constant 0 : i32
      %dma_start3A_92 = arith.constant 0 : i32
      %dma_start3A_93 = tpu.memref_slice %arg4[%dma_start3A_91, %dma_start3A_92] : memref<10240x128xf32, #tpu.memory_space<hbm>> -> memref<10240x128xf32, #tpu.memory_space<hbm>>
      tpu.enqueue_indirect_dma source(%dma_start3A_93 : memref<10240x128xf32, #tpu.memory_space<hbm>>) target(%arg10 : memref<128x128xf32, #tpu.memory_space<vmem>>) offsets(%dma_start3A_90 : memref<128xi32, #tpu.memory_space<vmem>>) semaphore(%arg12 : memref<!tpu.dma_semaphore, #tpu.memory_space<semaphore_mem>>)
      %dma_wait3A_94 = arith.constant 0 : i32
      %dma_wait3A_95 = arith.constant 0 : i32
      %dma_wait3A_96 = tpu.memref_slice %arg16[%dma_wait3A_94, %dma_wait3A_95] : memref<10240x128xf32, #tpu.memory_space<vmem_shared>> -> memref<10240x128xf32, #tpu.memory_space<vmem_shared>>
      tpu.wait_indirect_dma semaphore(%arg15 : memref<!tpu.dma_semaphore, #tpu.memory_space<semaphore_mem>>) src(%arg11 : memref<128x128xf32, #tpu.memory_space<vmem>>) dst(%dma_wait3A_96 : memref<10240x128xf32, #tpu.memory_space<vmem_shared>>)
      %dma_start3A_97 = arith.constant 640 : i32
      %dma_start3A_98 = tpu.memref_slice %arg7[%dma_start3A_97] : memref<1024xi32, #tpu.memory_space<vmem>> -> memref<128xi32, #tpu.memory_space<vmem>>
      %dma_start3A_99 = arith.constant 0 : i32
      %dma_start3A_100 = arith.constant 0 : i32
      %dma_start3A_101 = tpu.memref_slice %arg4[%dma_start3A_99, %dma_start3A_100] : memref<10240x128xf32, #tpu.memory_space<hbm>> -> memref<10240x128xf32, #tpu.memory_space<hbm>>
      tpu.enqueue_indirect_dma source(%dma_start3A_101 : memref<10240x128xf32, #tpu.memory_space<hbm>>) target(%arg11 : memref<128x128xf32, #tpu.memory_space<vmem>>) offsets(%dma_start3A_98 : memref<128xi32, #tpu.memory_space<vmem>>) semaphore(%arg13 : memref<!tpu.dma_semaphore, #tpu.memory_space<semaphore_mem>>)
      "tpu.region"() ({
        %run_scoped3A = tpu.sem_alloc : memref<!tpu.dma_semaphore, #tpu.memory_space<semaphore_mem>>
        %dma_start3A_162 = tpu.memref_slice %arg3[%add3A_85] : memref<327680xi32, #tpu.memory_space<hbm>> -> memref<128xi32, #tpu.memory_space<hbm>>
        %dma_start3A_163 = tpu.memref_slice %arg3[%add3A_85] : memref<327680xi32, #tpu.memory_space<hbm>> -> memref<128xi32, #tpu.memory_space<hbm>>
        tpu.enqueue_dma source(%dma_start3A_163 : memref<128xi32, #tpu.memory_space<hbm>>) target(%arg8 : memref<128xi32, #tpu.memory_space<vmem>>) target_semaphore(%run_scoped3A : memref<!tpu.dma_semaphore, #tpu.memory_space<semaphore_mem>>)
        %dma_wait3A_164 = tpu.memref_slice %arg3[%add3A_85] : memref<327680xi32, #tpu.memory_space<hbm>> -> memref<128xi32, #tpu.memory_space<hbm>>
        %dma_wait3A_165 = tpu.memref_slice %arg3[%add3A_85] : memref<327680xi32, #tpu.memory_space<hbm>> -> memref<128xi32, #tpu.memory_space<hbm>>
        tpu.wait_dma2 semaphore(%run_scoped3A : memref<!tpu.dma_semaphore, #tpu.memory_space<semaphore_mem>>) src(%dma_wait3A_165 : memref<128xi32, #tpu.memory_space<hbm>>) dst(%arg8 : memref<128xi32, #tpu.memory_space<vmem>>)
        tpu.yield
      }) : () -> ()
      %dma_wait3A_102 = arith.constant 512 : i32
      %dma_wait3A_103 = tpu.memref_slice %arg7[%dma_wait3A_102] : memref<1024xi32, #tpu.memory_space<vmem>> -> memref<128xi32, #tpu.memory_space<vmem>>
      %dma_wait3A_104 = arith.constant 0 : i32
      %dma_wait3A_105 = arith.constant 0 : i32
      %dma_wait3A_106 = tpu.memref_slice %arg4[%dma_wait3A_104, %dma_wait3A_105] : memref<10240x128xf32, #tpu.memory_space<hbm>> -> memref<10240x128xf32, #tpu.memory_space<hbm>>
      tpu.wait_indirect_dma semaphore(%arg12 : memref<!tpu.dma_semaphore, #tpu.memory_space<semaphore_mem>>) src(%dma_wait3A_106 : memref<10240x128xf32, #tpu.memory_space<hbm>>) dst(%arg10 : memref<128x128xf32, #tpu.memory_space<vmem>>)
      %dma_start3A_107 = arith.constant 0 : i32
      %dma_start3A_108 = arith.constant 0 : i32
      %dma_start3A_109 = tpu.memref_slice %arg16[%dma_start3A_107, %dma_start3A_108] : memref<10240x128xf32, #tpu.memory_space<vmem_shared>> -> memref<10240x128xf32, #tpu.memory_space<vmem_shared>>
      tpu.enqueue_indirect_dma source(%arg10 : memref<128x128xf32, #tpu.memory_space<vmem>>) target(%dma_start3A_109 : memref<10240x128xf32, #tpu.memory_space<vmem_shared>>) offsets(%arg8 : memref<128xi32, #tpu.memory_space<vmem>>) semaphore(%arg14 : memref<!tpu.dma_semaphore, #tpu.memory_space<semaphore_mem>>) {add = true}
      %add3A_110 = arith.constant 128 : i32
      %add3A_111 = arith.addi %add3A_85, %add3A_110 : i32
      "tpu.region"() ({
        %run_scoped3A = tpu.sem_alloc : memref<!tpu.dma_semaphore, #tpu.memory_space<semaphore_mem>>
        %dma_start3A_162 = tpu.memref_slice %arg3[%add3A_111] : memref<327680xi32, #tpu.memory_space<hbm>> -> memref<128xi32, #tpu.memory_space<hbm>>
        %dma_start3A_163 = tpu.memref_slice %arg3[%add3A_111] : memref<327680xi32, #tpu.memory_space<hbm>> -> memref<128xi32, #tpu.memory_space<hbm>>
        tpu.enqueue_dma source(%dma_start3A_163 : memref<128xi32, #tpu.memory_space<hbm>>) target(%arg9 : memref<128xi32, #tpu.memory_space<vmem>>) target_semaphore(%run_scoped3A : memref<!tpu.dma_semaphore, #tpu.memory_space<semaphore_mem>>)
        %dma_wait3A_164 = tpu.memref_slice %arg3[%add3A_111] : memref<327680xi32, #tpu.memory_space<hbm>> -> memref<128xi32, #tpu.memory_space<hbm>>
        %dma_wait3A_165 = tpu.memref_slice %arg3[%add3A_111] : memref<327680xi32, #tpu.memory_space<hbm>> -> memref<128xi32, #tpu.memory_space<hbm>>
        tpu.wait_dma2 semaphore(%run_scoped3A : memref<!tpu.dma_semaphore, #tpu.memory_space<semaphore_mem>>) src(%dma_wait3A_165 : memref<128xi32, #tpu.memory_space<hbm>>) dst(%arg9 : memref<128xi32, #tpu.memory_space<vmem>>)
        tpu.yield
      }) : () -> ()
      %dma_wait3A_112 = arith.constant 640 : i32
      %dma_wait3A_113 = tpu.memref_slice %arg7[%dma_wait3A_112] : memref<1024xi32, #tpu.memory_space<vmem>> -> memref<128xi32, #tpu.memory_space<vmem>>
      %dma_wait3A_114 = arith.constant 0 : i32
      %dma_wait3A_115 = arith.constant 0 : i32
      %dma_wait3A_116 = tpu.memref_slice %arg4[%dma_wait3A_114, %dma_wait3A_115] : memref<10240x128xf32, #tpu.memory_space<hbm>> -> memref<10240x128xf32, #tpu.memory_space<hbm>>
      tpu.wait_indirect_dma semaphore(%arg13 : memref<!tpu.dma_semaphore, #tpu.memory_space<semaphore_mem>>) src(%dma_wait3A_116 : memref<10240x128xf32, #tpu.memory_space<hbm>>) dst(%arg11 : memref<128x128xf32, #tpu.memory_space<vmem>>)
      %dma_start3A_117 = arith.constant 0 : i32
      %dma_start3A_118 = arith.constant 0 : i32
      %dma_start3A_119 = tpu.memref_slice %arg16[%dma_start3A_117, %dma_start3A_118] : memref<10240x128xf32, #tpu.memory_space<vmem_shared>> -> memref<10240x128xf32, #tpu.memory_space<vmem_shared>>
      tpu.enqueue_indirect_dma source(%arg11 : memref<128x128xf32, #tpu.memory_space<vmem>>) target(%dma_start3A_119 : memref<10240x128xf32, #tpu.memory_space<vmem_shared>>) offsets(%arg9 : memref<128xi32, #tpu.memory_space<vmem>>) semaphore(%arg15 : memref<!tpu.dma_semaphore, #tpu.memory_space<semaphore_mem>>) {add = true}
      %add3A_120 = arith.constant 768 : i32
      %add3A_121 = arith.addi %mul3A_19, %add3A_120 : i32
      %dma_wait3A_122 = arith.constant 0 : i32
      %dma_wait3A_123 = arith.constant 0 : i32
      %dma_wait3A_124 = tpu.memref_slice %arg16[%dma_wait3A_122, %dma_wait3A_123] : memref<10240x128xf32, #tpu.memory_space<vmem_shared>> -> memref<10240x128xf32, #tpu.memory_space<vmem_shared>>
      tpu.wait_indirect_dma semaphore(%arg14 : memref<!tpu.dma_semaphore, #tpu.memory_space<semaphore_mem>>) src(%arg10 : memref<128x128xf32, #tpu.memory_space<vmem>>) dst(%dma_wait3A_124 : memref<10240x128xf32, #tpu.memory_space<vmem_shared>>)
      %dma_start3A_125 = arith.constant 768 : i32
      %dma_start3A_126 = tpu.memref_slice %arg7[%dma_start3A_125] : memref<1024xi32, #tpu.memory_space<vmem>> -> memref<128xi32, #tpu.memory_space<vmem>>
      %dma_start3A_127 = arith.constant 0 : i32
      %dma_start3A_128 = arith.constant 0 : i32
      %dma_start3A_129 = tpu.memref_slice %arg4[%dma_start3A_127, %dma_start3A_128] : memref<10240x128xf32, #tpu.memory_space<hbm>> -> memref<10240x128xf32, #tpu.memory_space<hbm>>
      tpu.enqueue_indirect_dma source(%dma_start3A_129 : memref<10240x128xf32, #tpu.memory_space<hbm>>) target(%arg10 : memref<128x128xf32, #tpu.memory_space<vmem>>) offsets(%dma_start3A_126 : memref<128xi32, #tpu.memory_space<vmem>>) semaphore(%arg12 : memref<!tpu.dma_semaphore, #tpu.memory_space<semaphore_mem>>)
      %dma_wait3A_130 = arith.constant 0 : i32
      %dma_wait3A_131 = arith.constant 0 : i32
      %dma_wait3A_132 = tpu.memref_slice %arg16[%dma_wait3A_130, %dma_wait3A_131] : memref<10240x128xf32, #tpu.memory_space<vmem_shared>> -> memref<10240x128xf32, #tpu.memory_space<vmem_shared>>
      tpu.wait_indirect_dma semaphore(%arg15 : memref<!tpu.dma_semaphore, #tpu.memory_space<semaphore_mem>>) src(%arg11 : memref<128x128xf32, #tpu.memory_space<vmem>>) dst(%dma_wait3A_132 : memref<10240x128xf32, #tpu.memory_space<vmem_shared>>)
      %dma_start3A_133 = arith.constant 896 : i32
      %dma_start3A_134 = tpu.memref_slice %arg7[%dma_start3A_133] : memref<1024xi32, #tpu.memory_space<vmem>> -> memref<128xi32, #tpu.memory_space<vmem>>
      %dma_start3A_135 = arith.constant 0 : i32
      %dma_start3A_136 = arith.constant 0 : i32
      %dma_start3A_137 = tpu.memref_slice %arg4[%dma_start3A_135, %dma_start3A_136] : memref<10240x128xf32, #tpu.memory_space<hbm>> -> memref<10240x128xf32, #tpu.memory_space<hbm>>
      tpu.enqueue_indirect_dma source(%dma_start3A_137 : memref<10240x128xf32, #tpu.memory_space<hbm>>) target(%arg11 : memref<128x128xf32, #tpu.memory_space<vmem>>) offsets(%dma_start3A_134 : memref<128xi32, #tpu.memory_space<vmem>>) semaphore(%arg13 : memref<!tpu.dma_semaphore, #tpu.memory_space<semaphore_mem>>)
      "tpu.region"() ({
        %run_scoped3A = tpu.sem_alloc : memref<!tpu.dma_semaphore, #tpu.memory_space<semaphore_mem>>
        %dma_start3A_162 = tpu.memref_slice %arg3[%add3A_121] : memref<327680xi32, #tpu.memory_space<hbm>> -> memref<128xi32, #tpu.memory_space<hbm>>
        %dma_start3A_163 = tpu.memref_slice %arg3[%add3A_121] : memref<327680xi32, #tpu.memory_space<hbm>> -> memref<128xi32, #tpu.memory_space<hbm>>
        tpu.enqueue_dma source(%dma_start3A_163 : memref<128xi32, #tpu.memory_space<hbm>>) target(%arg8 : memref<128xi32, #tpu.memory_space<vmem>>) target_semaphore(%run_scoped3A : memref<!tpu.dma_semaphore, #tpu.memory_space<semaphore_mem>>)
        %dma_wait3A_164 = tpu.memref_slice %arg3[%add3A_121] : memref<327680xi32, #tpu.memory_space<hbm>> -> memref<128xi32, #tpu.memory_space<hbm>>
        %dma_wait3A_165 = tpu.memref_slice %arg3[%add3A_121] : memref<327680xi32, #tpu.memory_space<hbm>> -> memref<128xi32, #tpu.memory_space<hbm>>
        tpu.wait_dma2 semaphore(%run_scoped3A : memref<!tpu.dma_semaphore, #tpu.memory_space<semaphore_mem>>) src(%dma_wait3A_165 : memref<128xi32, #tpu.memory_space<hbm>>) dst(%arg8 : memref<128xi32, #tpu.memory_space<vmem>>)
        tpu.yield
      }) : () -> ()
      %dma_wait3A_138 = arith.constant 768 : i32
      %dma_wait3A_139 = tpu.memref_slice %arg7[%dma_wait3A_138] : memref<1024xi32, #tpu.memory_space<vmem>> -> memref<128xi32, #tpu.memory_space<vmem>>
      %dma_wait3A_140 = arith.constant 0 : i32
      %dma_wait3A_141 = arith.constant 0 : i32
      %dma_wait3A_142 = tpu.memref_slice %arg4[%dma_wait3A_140, %dma_wait3A_141] : memref<10240x128xf32, #tpu.memory_space<hbm>> -> memref<10240x128xf32, #tpu.memory_space<hbm>>
      tpu.wait_indirect_dma semaphore(%arg12 : memref<!tpu.dma_semaphore, #tpu.memory_space<semaphore_mem>>) src(%dma_wait3A_142 : memref<10240x128xf32, #tpu.memory_space<hbm>>) dst(%arg10 : memref<128x128xf32, #tpu.memory_space<vmem>>)
      %dma_start3A_143 = arith.constant 0 : i32
      %dma_start3A_144 = arith.constant 0 : i32
      %dma_start3A_145 = tpu.memref_slice %arg16[%dma_start3A_143, %dma_start3A_144] : memref<10240x128xf32, #tpu.memory_space<vmem_shared>> -> memref<10240x128xf32, #tpu.memory_space<vmem_shared>>
      tpu.enqueue_indirect_dma source(%arg10 : memref<128x128xf32, #tpu.memory_space<vmem>>) target(%dma_start3A_145 : memref<10240x128xf32, #tpu.memory_space<vmem_shared>>) offsets(%arg8 : memref<128xi32, #tpu.memory_space<vmem>>) semaphore(%arg14 : memref<!tpu.dma_semaphore, #tpu.memory_space<semaphore_mem>>) {add = true}
      %add3A_146 = arith.constant 128 : i32
      %add3A_147 = arith.addi %add3A_121, %add3A_146 : i32
      "tpu.region"() ({
        %run_scoped3A = tpu.sem_alloc : memref<!tpu.dma_semaphore, #tpu.memory_space<semaphore_mem>>
        %dma_start3A_162 = tpu.memref_slice %arg3[%add3A_147] : memref<327680xi32, #tpu.memory_space<hbm>> -> memref<128xi32, #tpu.memory_space<hbm>>
        %dma_start3A_163 = tpu.memref_slice %arg3[%add3A_147] : memref<327680xi32, #tpu.memory_space<hbm>> -> memref<128xi32, #tpu.memory_space<hbm>>
        tpu.enqueue_dma source(%dma_start3A_163 : memref<128xi32, #tpu.memory_space<hbm>>) target(%arg9 : memref<128xi32, #tpu.memory_space<vmem>>) target_semaphore(%run_scoped3A : memref<!tpu.dma_semaphore, #tpu.memory_space<semaphore_mem>>)
        %dma_wait3A_164 = tpu.memref_slice %arg3[%add3A_147] : memref<327680xi32, #tpu.memory_space<hbm>> -> memref<128xi32, #tpu.memory_space<hbm>>
        %dma_wait3A_165 = tpu.memref_slice %arg3[%add3A_147] : memref<327680xi32, #tpu.memory_space<hbm>> -> memref<128xi32, #tpu.memory_space<hbm>>
        tpu.wait_dma2 semaphore(%run_scoped3A : memref<!tpu.dma_semaphore, #tpu.memory_space<semaphore_mem>>) src(%dma_wait3A_165 : memref<128xi32, #tpu.memory_space<hbm>>) dst(%arg9 : memref<128xi32, #tpu.memory_space<vmem>>)
        tpu.yield
      }) : () -> ()
      %dma_wait3A_148 = arith.constant 896 : i32
      %dma_wait3A_149 = tpu.memref_slice %arg7[%dma_wait3A_148] : memref<1024xi32, #tpu.memory_space<vmem>> -> memref<128xi32, #tpu.memory_space<vmem>>
      %dma_wait3A_150 = arith.constant 0 : i32
      %dma_wait3A_151 = arith.constant 0 : i32
      %dma_wait3A_152 = tpu.memref_slice %arg4[%dma_wait3A_150, %dma_wait3A_151] : memref<10240x128xf32, #tpu.memory_space<hbm>> -> memref<10240x128xf32, #tpu.memory_space<hbm>>
      tpu.wait_indirect_dma semaphore(%arg13 : memref<!tpu.dma_semaphore, #tpu.memory_space<semaphore_mem>>) src(%dma_wait3A_152 : memref<10240x128xf32, #tpu.memory_space<hbm>>) dst(%arg11 : memref<128x128xf32, #tpu.memory_space<vmem>>)
      %dma_start3A_153 = arith.constant 0 : i32
      %dma_start3A_154 = arith.constant 0 : i32
      %dma_start3A_155 = tpu.memref_slice %arg16[%dma_start3A_153, %dma_start3A_154] : memref<10240x128xf32, #tpu.memory_space<vmem_shared>> -> memref<10240x128xf32, #tpu.memory_space<vmem_shared>>
      tpu.enqueue_indirect_dma source(%arg11 : memref<128x128xf32, #tpu.memory_space<vmem>>) target(%dma_start3A_155 : memref<10240x128xf32, #tpu.memory_space<vmem_shared>>) offsets(%arg9 : memref<128xi32, #tpu.memory_space<vmem>>) semaphore(%arg15 : memref<!tpu.dma_semaphore, #tpu.memory_space<semaphore_mem>>) {add = true}
      %dma_wait3A_156 = arith.constant 0 : i32
      %dma_wait3A_157 = arith.constant 0 : i32
      %dma_wait3A_158 = tpu.memref_slice %arg16[%dma_wait3A_156, %dma_wait3A_157] : memref<10240x128xf32, #tpu.memory_space<vmem_shared>> -> memref<10240x128xf32, #tpu.memory_space<vmem_shared>>
      tpu.wait_indirect_dma semaphore(%arg14 : memref<!tpu.dma_semaphore, #tpu.memory_space<semaphore_mem>>) src(%arg10 : memref<128x128xf32, #tpu.memory_space<vmem>>) dst(%dma_wait3A_158 : memref<10240x128xf32, #tpu.memory_space<vmem_shared>>)
      %dma_wait3A_159 = arith.constant 0 : i32
      %dma_wait3A_160 = arith.constant 0 : i32
      %dma_wait3A_161 = tpu.memref_slice %arg16[%dma_wait3A_159, %dma_wait3A_160] : memref<10240x128xf32, #tpu.memory_space<vmem_shared>> -> memref<10240x128xf32, #tpu.memory_space<vmem_shared>>
      tpu.wait_indirect_dma semaphore(%arg15 : memref<!tpu.dma_semaphore, #tpu.memory_space<semaphore_mem>>) src(%arg11 : memref<128x128xf32, #tpu.memory_space<vmem>>) dst(%dma_wait3A_161 : memref<10240x128xf32, #tpu.memory_space<vmem_shared>>)
    }
    %scan3A_7 = arith.constant 10 : i32
    %barrier3A_8 = arith.constant 0 : index
    tpu.barrier barrier_id(%barrier3A_8)
    %mul3A_9 = arith.constant 10240 : i32
    %mul3A_10 = arith.muli %arg0, %mul3A_9 : i32
    %add3A_11 = arith.addi %mul3A_10, %mul3A_2 : i32
    "tpu.region"() ({
      %run_scoped3A = tpu.sem_alloc : memref<!tpu.dma_semaphore, #tpu.memory_space<semaphore_mem>>
      %dma_start3A = arith.constant 0 : i32
      %dma_start3A_12 = tpu.memref_slice %arg6[%add3A_11, %dma_start3A] : memref<20480x128xf32, #tpu.memory_space<hbm>> -> memref<640x128xf32, #tpu.memory_space<hbm>>
      %dma_start3A_13 = arith.constant 0 : i32
      %dma_start3A_14 = tpu.memref_slice %arg16[%mul3A_2, %dma_start3A_13] : memref<10240x128xf32, #tpu.memory_space<vmem_shared>> -> memref<640x128xf32, #tpu.memory_space<vmem_shared>>
      tpu.enqueue_dma source(%dma_start3A_14 : memref<640x128xf32, #tpu.memory_space<vmem_shared>>) target(%dma_start3A_12 : memref<640x128xf32, #tpu.memory_space<hbm>>) target_semaphore(%run_scoped3A : memref<!tpu.dma_semaphore, #tpu.memory_space<semaphore_mem>>)
      %dma_wait3A = arith.constant 0 : i32
      %dma_wait3A_15 = tpu.memref_slice %arg6[%add3A_11, %dma_wait3A] : memref<20480x128xf32, #tpu.memory_space<hbm>> -> memref<640x128xf32, #tpu.memory_space<hbm>>
      %dma_wait3A_16 = arith.constant 0 : i32
      %dma_wait3A_17 = tpu.memref_slice %arg16[%mul3A_2, %dma_wait3A_16] : memref<10240x128xf32, #tpu.memory_space<vmem_shared>> -> memref<640x128xf32, #tpu.memory_space<vmem_shared>>
      tpu.wait_dma2 semaphore(%run_scoped3A : memref<!tpu.dma_semaphore, #tpu.memory_space<semaphore_mem>>) src(%dma_wait3A_17 : memref<640x128xf32, #tpu.memory_space<vmem_shared>>) dst(%dma_wait3A_15 : memref<640x128xf32, #tpu.memory_space<hbm>>)
      tpu.yield
    }) : () -> ()
    return
  }
}

module attributes {stable_mosaic.version = 14 : i64} {
  func.func @_tc_scale_mm(%arg0: i32, %arg1: memref<2048x128xf32, #tpu.memory_space<vmem>>, %arg2: memref<2x2048x128xf32, #tpu.memory_space<vmem>>, %arg3: memref<128x128xf32, #tpu.memory_space<vmem>>, %arg4: memref<2048x128xf32, #tpu.memory_space<vmem>>) attributes {dimension_semantics = [#tpu.dimension_semantics<arbitrary>], iteration_bounds = array<i64: 5>, scalar_prefetch = 0 : i64, scratch_operands = 0 : i64, tpu.core_type = #tpu.core_type<tc>, window_params = [{transform_indices = @transform_0, window_bounds = array<i64: 2048, 128>}, {transform_indices = @transform_1, window_bounds = array<i64: 2, 2048, 128>}, {pipeline_mode = #tpu.pipeline_mode<synchronous>, transform_indices = @transform_2, window_bounds = array<i64: 128, 128>}, {transform_indices = @transform_3, window_bounds = array<i64: 2048, 128>}]} {
    %get3A = arith.constant 0 : index
    %get3A_0 = arith.constant 0 : index
    %get3A_1 = arith.constant 0 : index
    %get3A_2 = vector.load %arg2[%get3A, %get3A_0, %get3A_1] : memref<2x2048x128xf32, #tpu.memory_space<vmem>>, vector<2x2048x128xf32>
    %slice3A = vector.extract_strided_slice %get3A_2 {offsets = [0, 0, 0], sizes = [1, 2048, 1], strides = [1, 1, 1]} : vector<2x2048x128xf32> to vector<1x2048x1xf32>
    %squeeze3A = vector.shape_cast %slice3A : vector<1x2048x1xf32> to vector<2048x1xf32>
    %slice3A_3 = vector.extract_strided_slice %get3A_2 {offsets = [1, 0, 0], sizes = [1, 2048, 1], strides = [1, 1, 1]} : vector<2x2048x128xf32> to vector<1x2048x1xf32>
    %squeeze3A_4 = vector.shape_cast %slice3A_3 : vector<1x2048x1xf32> to vector<2048x1xf32>
    %add3A = arith.addf %squeeze3A, %squeeze3A_4 : vector<2048x1xf32>
    %add3A_5 = arith.constant 1.000000e+00 : f32
    %add3A_6 = vector.broadcast %add3A_5 : f32 to vector<2048x1xf32>
    %add3A_7 = arith.addf %add3A, %add3A_6 : vector<2048x1xf32>
    %rsqrt3A = math.rsqrt %add3A_7 : vector<2048x1xf32>
    %get3A_8 = arith.constant 0 : index
    %get3A_9 = arith.constant 0 : index
    %get3A_10 = vector.load %arg1[%get3A_8, %get3A_9] : memref<2048x128xf32, #tpu.memory_space<vmem>>, vector<2048x128xf32>
    %get3A_11 = arith.constant 0 : index
    %get3A_12 = arith.constant 0 : index
    %get3A_13 = vector.load %arg3[%get3A_11, %get3A_12] : memref<128x128xf32, #tpu.memory_space<vmem>>, vector<128x128xf32>
    %dot_general3A = arith.constant dense<0.000000e+00> : vector<2048x128xf32>
    %dot_general3A_14 = tpu.matmul %get3A_10, %get3A_13, %dot_general3A {dimension_numbers = #tpu.dot_dimension_numbers<[1], [0], [0], [1], [0, 0, 1, 1], [], []>, transpose_lhs_hint = false} : vector<2048x128xf32>, vector<128x128xf32>, vector<2048x128xf32> -> vector<2048x128xf32>
    %mul3A = vector.broadcast %rsqrt3A : vector<2048x1xf32> to vector<2048x128xf32>
    %mul3A_15 = arith.mulf %dot_general3A_14, %mul3A : vector<2048x128xf32>
    %swap3A = arith.constant 0 : index
    %swap3A_16 = arith.constant 0 : index
    %swap3A_17 = vector.load %arg4[%swap3A, %swap3A_16] : memref<2048x128xf32, #tpu.memory_space<vmem>>, vector<2048x128xf32>
    tpu.vector_store %arg4[%swap3A, %swap3A_16], %mul3A_15 {strides = array<i32>} : memref<2048x128xf32, #tpu.memory_space<vmem>>, vector<2048x128xf32>,
    return
  }
  func.func @transform_0(%arg0: i32) -> (i32, i32) {
    %c0_i32 = arith.constant 0 : i32
    %c0_i32_0 = arith.constant 0 : i32
    return %arg0, %c0_i32 : i32, i32
  }
  func.func @transform_1(%arg0: i32) -> (i32, i32, i32) {
    %c0_i32 = arith.constant 0 : i32
    %c0_i32_0 = arith.constant 0 : i32
    %c0_i32_1 = arith.constant 0 : i32
    return %c0_i32, %arg0, %c0_i32_0 : i32, i32, i32
  }
  func.func @transform_2(%arg0: i32) -> (i32, i32) {
    %c0_i32 = arith.constant 0 : i32
    %c0_i32_0 = arith.constant 0 : i32
    %c0_i32_1 = arith.constant 0 : i32
    return %c0_i32, %c0_i32_0 : i32, i32
  }
  func.func @transform_3(%arg0: i32) -> (i32, i32) {
    %c0_i32 = arith.constant 0 : i32
    %c0_i32_0 = arith.constant 0 : i32
    return %arg0, %c0_i32 : i32, i32
  }
}

module attributes {stable_mosaic.version = 14 : i64} {
  func.func @_tc_heads(%arg0: i32, %arg1: memref<2x2048x128xf32, #tpu.memory_space<vmem>>, %arg2: memref<2048x128xf32, #tpu.memory_space<vmem>>, %arg3: memref<2x2048x128xf32, #tpu.memory_space<vmem>>, %arg4: memref<1x128xf32, #tpu.memory_space<vmem>>, %arg5: memref<128x64xf32, #tpu.memory_space<vmem>>, %arg6: memref<1x64xf32, #tpu.memory_space<vmem>>, %arg7: memref<64x128xf32, #tpu.memory_space<vmem>>, %arg8: memref<1x128xf32, #tpu.memory_space<vmem>>, %arg9: memref<128x64xf32, #tpu.memory_space<vmem>>, %arg10: memref<1x64xf32, #tpu.memory_space<vmem>>, %arg11: memref<64x128xf32, #tpu.memory_space<vmem>>, %arg12: memref<1x128xf32, #tpu.memory_space<vmem>>, %arg13: memref<2048x128xf32, #tpu.memory_space<vmem>>, %arg14: memref<2048x128xf32, #tpu.memory_space<vmem>>) attributes {dimension_semantics = [#tpu.dimension_semantics<arbitrary>], iteration_bounds = array<i64: 5>, scalar_prefetch = 0 : i64, scratch_operands = 0 : i64, tpu.core_type = #tpu.core_type<tc>, window_params = [{transform_indices = @transform_0, window_bounds = array<i64: 2, 2048, 128>}, {transform_indices = @transform_1, window_bounds = array<i64: 2048, 128>}, {transform_indices = @transform_2, window_bounds = array<i64: 2, 2048, 128>}, {pipeline_mode = #tpu.pipeline_mode<synchronous>, transform_indices = @transform_3, window_bounds = array<i64: 1, 128>}, {pipeline_mode = #tpu.pipeline_mode<synchronous>, transform_indices = @transform_4, window_bounds = array<i64: 128, 64>}, {pipeline_mode = #tpu.pipeline_mode<synchronous>, transform_indices = @transform_5, window_bounds = array<i64: 1, 64>}, {pipeline_mode = #tpu.pipeline_mode<synchronous>, transform_indices = @transform_6, window_bounds = array<i64: 64, 128>}, {pipeline_mode = #tpu.pipeline_mode<synchronous>, transform_indices = @transform_7, window_bounds = array<i64: 1, 128>}, {pipeline_mode = #tpu.pipeline_mode<synchronous>, transform_indices = @transform_8, window_bounds = array<i64: 128, 64>}, {pipeline_mode = #tpu.pipeline_mode<synchronous>, transform_indices = @transform_9, window_bounds = array<i64: 1, 64>}, {pipeline_mode = #tpu.pipeline_mode<synchronous>, transform_indices = @transform_10, window_bounds = array<i64: 64, 128>}, {pipeline_mode = #tpu.pipeline_mode<synchronous>, transform_indices = @transform_11, window_bounds = array<i64: 1, 128>}, {transform_indices = @transform_12, window_bounds = array<i64: 2048, 128>}, {transform_indices = @transform_13, window_bounds = array<i64: 2048, 128>}]} {
    %get3A = arith.constant 0 : index
    %get3A_0 = arith.constant 0 : index
    %get3A_1 = arith.constant 0 : index
    %get3A_2 = vector.load %arg3[%get3A, %get3A_0, %get3A_1] : memref<2x2048x128xf32, #tpu.memory_space<vmem>>, vector<2x2048x128xf32>
    %slice3A = vector.extract_strided_slice %get3A_2 {offsets = [0, 0, 0], sizes = [1, 2048, 1], strides = [1, 1, 1]} : vector<2x2048x128xf32> to vector<1x2048x1xf32>
    %squeeze3A = vector.shape_cast %slice3A : vector<1x2048x1xf32> to vector<2048x1xf32>
    %slice3A_3 = vector.extract_strided_slice %get3A_2 {offsets = [1, 0, 0], sizes = [1, 2048, 1], strides = [1, 1, 1]} : vector<2x2048x128xf32> to vector<1x2048x1xf32>
    %squeeze3A_4 = vector.shape_cast %slice3A_3 : vector<1x2048x1xf32> to vector<2048x1xf32>
    %add3A = arith.addf %squeeze3A, %squeeze3A_4 : vector<2048x1xf32>
    %add3A_5 = arith.constant 1.000000e+00 : f32
    %add3A_6 = vector.broadcast %add3A_5 : f32 to vector<2048x1xf32>
    %add3A_7 = arith.addf %add3A, %add3A_6 : vector<2048x1xf32>
    %rsqrt3A = math.rsqrt %add3A_7 : vector<2048x1xf32>
    %get3A_8 = arith.constant 0 : index
    %get3A_9 = arith.constant 0 : index
    %get3A_10 = arith.constant 0 : index
    %get3A_11 = vector.load %arg1[%get3A_8, %get3A_9, %get3A_10] : memref<2x2048x128xf32, #tpu.memory_space<vmem>>, vector<1x2048x128xf32>
    %get3A_12 = vector.shape_cast %get3A_11 : vector<1x2048x128xf32> to vector<2048x128xf32>
    %get3A_13 = arith.constant 1 : index
    %get3A_14 = arith.constant 0 : index
    %get3A_15 = arith.constant 0 : index
    %get3A_16 = vector.load %arg1[%get3A_13, %get3A_14, %get3A_15] : memref<2x2048x128xf32, #tpu.memory_space<vmem>>, vector<1x2048x128xf32>
    %get3A_17 = vector.shape_cast %get3A_16 : vector<1x2048x128xf32> to vector<2048x128xf32>
    %add3A_18 = arith.addf %get3A_12, %get3A_17 : vector<2048x128xf32>
    %get3A_19 = arith.constant 0 : index
    %get3A_20 = arith.constant 0 : index
    %get3A_21 = vector.load %arg2[%get3A_19, %get3A_20] : memref<2048x128xf32, #tpu.memory_space<vmem>>, vector<2048x128xf32>
    %add3A_22 = arith.addf %add3A_18, %get3A_21 : vector<2048x128xf32>
    %mul3A = vector.broadcast %rsqrt3A : vector<2048x1xf32> to vector<2048x128xf32>
    %mul3A_23 = arith.mulf %mul3A, %add3A_22 : vector<2048x128xf32>
    %get3A_24 = arith.constant 0 : index
    %get3A_25 = arith.constant 0 : index
    %get3A_26 = vector.load %arg4[%get3A_24, %get3A_25] : memref<1x128xf32, #tpu.memory_space<vmem>>, vector<1x128xf32>
    %add3A_27 = vector.broadcast %get3A_26 : vector<1x128xf32> to vector<2048x128xf32>
    %add3A_28 = arith.addf %mul3A_23, %add3A_27 : vector<2048x128xf32>
    %max3A = arith.constant 0.000000e+00 : f32
    %max3A_29 = vector.broadcast %max3A : f32 to vector<2048x128xf32>
    %max3A_30 = arith.maximumf %add3A_28, %max3A_29 : vector<2048x128xf32>
    %iota3A = tpu.iota {dimensions = array<i32: 1>} : vector<2048x128xi32>
    %lt3A = arith.constant 2 : i32
    %lt3A_31 = vector.broadcast %lt3A : i32 to vector<2048x128xi32>
    %lt3A_32 = arith.cmpi slt, %iota3A, %lt3A_31 : vector<2048x128xi32>
    %get3A_33 = arith.constant 0 : index
    %get3A_34 = arith.constant 0 : index
    %get3A_35 = vector.load %arg5[%get3A_33, %get3A_34] : memref<128x64xf32, #tpu.memory_space<vmem>>, vector<128x64xf32>
    %get3A_36 = arith.constant 0 : index
    %get3A_37 = arith.constant 0 : index
    %get3A_38 = vector.load %arg6[%get3A_36, %get3A_37] : memref<1x64xf32, #tpu.memory_space<vmem>>, vector<1x64xf32>
    %get3A_39 = arith.constant 0 : index
    %get3A_40 = arith.constant 0 : index
    %get3A_41 = vector.load %arg7[%get3A_39, %get3A_40] : memref<64x128xf32, #tpu.memory_space<vmem>>, vector<64x128xf32>
    %get3A_42 = arith.constant 0 : index
    %get3A_43 = arith.constant 0 : index
    %get3A_44 = vector.load %arg8[%get3A_42, %get3A_43] : memref<1x128xf32, #tpu.memory_space<vmem>>, vector<1x128xf32>
    %dot_general3A = arith.constant dense<0.000000e+00> : vector<2048x64xf32>
    %dot_general3A_45 = tpu.matmul %max3A_30, %get3A_35, %dot_general3A {dimension_numbers = #tpu.dot_dimension_numbers<[1], [0], [0], [1], [0, 0, 1, 1], [], []>, transpose_lhs_hint = false} : vector<2048x128xf32>, vector<128x64xf32>, vector<2048x64xf32> -> vector<2048x64xf32>
    %add3A_46 = vector.broadcast %get3A_38 : vector<1x64xf32> to vector<2048x64xf32>
    %add3A_47 = arith.addf %dot_general3A_45, %add3A_46 : vector<2048x64xf32>
    %max3A_48 = arith.constant 0.000000e+00 : f32
    %max3A_49 = vector.broadcast %max3A_48 : f32 to vector<2048x64xf32>
    %max3A_50 = arith.maximumf %add3A_47, %max3A_49 : vector<2048x64xf32>
    %dot_general3A_51 = arith.constant dense<0.000000e+00> : vector<2048x128xf32>
    %dot_general3A_52 = tpu.matmul %max3A_50, %get3A_41, %dot_general3A_51 {dimension_numbers = #tpu.dot_dimension_numbers<[1], [0], [0], [1], [0, 0, 1, 1], [], []>, transpose_lhs_hint = false} : vector<2048x64xf32>, vector<64x128xf32>, vector<2048x128xf32> -> vector<2048x128xf32>
    %add3A_53 = vector.broadcast %get3A_44 : vector<1x128xf32> to vector<2048x128xf32>
    %add3A_54 = arith.addf %dot_general3A_52, %add3A_53 : vector<2048x128xf32>
    %jit3A = arith.constant 0xFF800000 : f32
    %broadcast_in_dim3A = vector.broadcast %jit3A : f32 to vector<2048x128xf32>
    %select_n3A = arith.select %lt3A_32, %add3A_54, %broadcast_in_dim3A : vector<2048x128xi1>, vector<2048x128xf32>
    %reduce_max3A = arith.constant dense<0xFF800000> : vector<2048xf32>
    %reduce_max3A_55 = vector.multi_reduction <maximumf>, %select_n3A, %reduce_max3A [1] : vector<2048x128xf32> to vector<2048xf32>
    %broadcast_in_dim3A_56 = vector.shape_cast %reduce_max3A_55 : vector<2048xf32> to vector<2048x1xf32>
    %sub3A = vector.broadcast %broadcast_in_dim3A_56 : vector<2048x1xf32> to vector<2048x128xf32>
    %sub3A_57 = arith.subf %add3A_54, %sub3A : vector<2048x128xf32>
    %exp3A = math.exp %sub3A_57 : vector<2048x128xf32>
    %jit3A_58 = arith.constant 0.000000e+00 : f32
    %broadcast_in_dim3A_59 = vector.broadcast %jit3A_58 : f32 to vector<2048x128xf32>
    %select_n3A_60 = arith.select %lt3A_32, %exp3A, %broadcast_in_dim3A_59 : vector<2048x128xi1>, vector<2048x128xf32>
    %reduce_sum3A = arith.constant dense<0.000000e+00> : vector<2048xf32>
    %reduce_sum3A_61 = vector.multi_reduction <add>, %select_n3A_60, %reduce_sum3A [1] : vector<2048x128xf32> to vector<2048xf32>
    %broadcast_in_dim3A_62 = vector.shape_cast %reduce_sum3A_61 : vector<2048xf32> to vector<2048x1xf32>
    %log3A = math.log %broadcast_in_dim3A_62 : vector<2048x1xf32>
    %add3A_63 = arith.addf %broadcast_in_dim3A_56, %log3A : vector<2048x1xf32>
    %sub3A_64 = vector.broadcast %add3A_63 : vector<2048x1xf32> to vector<2048x128xf32>
    %sub3A_65 = arith.subf %add3A_54, %sub3A_64 : vector<2048x128xf32>
    %swap3A = arith.constant 0 : index
    %swap3A_66 = arith.constant 0 : index
    %swap3A_67 = vector.load %arg13[%swap3A, %swap3A_66] : memref<2048x128xf32, #tpu.memory_space<vmem>>, vector<2048x128xf32>
    tpu.vector_store %arg13[%swap3A, %swap3A_66], %sub3A_65 {strides = array<i32>} : memref<2048x128xf32, #tpu.memory_space<vmem>>, vector<2048x128xf32>,
    %get3A_68 = arith.constant 0 : index
    %get3A_69 = arith.constant 0 : index
    %get3A_70 = vector.load %arg9[%get3A_68, %get3A_69] : memref<128x64xf32, #tpu.memory_space<vmem>>, vector<128x64xf32>
    %get3A_71 = arith.constant 0 : index
    %get3A_72 = arith.constant 0 : index
    %get3A_73 = vector.load %arg10[%get3A_71, %get3A_72] : memref<1x64xf32, #tpu.memory_space<vmem>>, vector<1x64xf32>
    %get3A_74 = arith.constant 0 : index
    %get3A_75 = arith.constant 0 : index
    %get3A_76 = vector.load %arg11[%get3A_74, %get3A_75] : memref<64x128xf32, #tpu.memory_space<vmem>>, vector<64x128xf32>
    %get3A_77 = arith.constant 0 : index
    %get3A_78 = arith.constant 0 : index
    %get3A_79 = vector.load %arg12[%get3A_77, %get3A_78] : memref<1x128xf32, #tpu.memory_space<vmem>>, vector<1x128xf32>
    %dot_general3A_80 = arith.constant dense<0.000000e+00> : vector<2048x64xf32>
    %dot_general3A_81 = tpu.matmul %max3A_30, %get3A_70, %dot_general3A_80 {dimension_numbers = #tpu.dot_dimension_numbers<[1], [0], [0], [1], [0, 0, 1, 1], [], []>, transpose_lhs_hint = false} : vector<2048x128xf32>, vector<128x64xf32>, vector<2048x64xf32> -> vector<2048x64xf32>
    %add3A_82 = vector.broadcast %get3A_73 : vector<1x64xf32> to vector<2048x64xf32>
    %add3A_83 = arith.addf %dot_general3A_81, %add3A_82 : vector<2048x64xf32>
    %max3A_84 = arith.constant 0.000000e+00 : f32
    %max3A_85 = vector.broadcast %max3A_84 : f32 to vector<2048x64xf32>
    %max3A_86 = arith.maximumf %add3A_83, %max3A_85 : vector<2048x64xf32>
    %dot_general3A_87 = arith.constant dense<0.000000e+00> : vector<2048x128xf32>
    %dot_general3A_88 = tpu.matmul %max3A_86, %get3A_76, %dot_general3A_87 {dimension_numbers = #tpu.dot_dimension_numbers<[1], [0], [0], [1], [0, 0, 1, 1], [], []>, transpose_lhs_hint = false} : vector<2048x64xf32>, vector<64x128xf32>, vector<2048x128xf32> -> vector<2048x128xf32>
    %add3A_89 = vector.broadcast %get3A_79 : vector<1x128xf32> to vector<2048x128xf32>
    %add3A_90 = arith.addf %dot_general3A_88, %add3A_89 : vector<2048x128xf32>
    %jit3A_91 = arith.constant 0xFF800000 : f32
    %broadcast_in_dim3A_92 = vector.broadcast %jit3A_91 : f32 to vector<2048x128xf32>
    %select_n3A_93 = arith.select %lt3A_32, %add3A_90, %broadcast_in_dim3A_92 : vector<2048x128xi1>, vector<2048x128xf32>
    %reduce_max3A_94 = arith.constant dense<0xFF800000> : vector<2048xf32>
    %reduce_max3A_95 = vector.multi_reduction <maximumf>, %select_n3A_93, %reduce_max3A_94 [1] : vector<2048x128xf32> to vector<2048xf32>
    %broadcast_in_dim3A_96 = vector.shape_cast %reduce_max3A_95 : vector<2048xf32> to vector<2048x1xf32>
    %sub3A_97 = vector.broadcast %broadcast_in_dim3A_96 : vector<2048x1xf32> to vector<2048x128xf32>
    %sub3A_98 = arith.subf %add3A_90, %sub3A_97 : vector<2048x128xf32>
    %exp3A_99 = math.exp %sub3A_98 : vector<2048x128xf32>
    %jit3A_100 = arith.constant 0.000000e+00 : f32
    %broadcast_in_dim3A_101 = vector.broadcast %jit3A_100 : f32 to vector<2048x128xf32>
    %select_n3A_102 = arith.select %lt3A_32, %exp3A_99, %broadcast_in_dim3A_101 : vector<2048x128xi1>, vector<2048x128xf32>
    %reduce_sum3A_103 = arith.constant dense<0.000000e+00> : vector<2048xf32>
    %reduce_sum3A_104 = vector.multi_reduction <add>, %select_n3A_102, %reduce_sum3A_103 [1] : vector<2048x128xf32> to vector<2048xf32>
    %broadcast_in_dim3A_105 = vector.shape_cast %reduce_sum3A_104 : vector<2048xf32> to vector<2048x1xf32>
    %log3A_106 = math.log %broadcast_in_dim3A_105 : vector<2048x1xf32>
    %add3A_107 = arith.addf %broadcast_in_dim3A_96, %log3A_106 : vector<2048x1xf32>
    %sub3A_108 = vector.broadcast %add3A_107 : vector<2048x1xf32> to vector<2048x128xf32>
    %sub3A_109 = arith.subf %add3A_90, %sub3A_108 : vector<2048x128xf32>
    %swap3A_110 = arith.constant 0 : index
    %swap3A_111 = arith.constant 0 : index
    %swap3A_112 = vector.load %arg14[%swap3A_110, %swap3A_111] : memref<2048x128xf32, #tpu.memory_space<vmem>>, vector<2048x128xf32>
    tpu.vector_store %arg14[%swap3A_110, %swap3A_111], %sub3A_109 {strides = array<i32>} : memref<2048x128xf32, #tpu.memory_space<vmem>>, vector<2048x128xf32>,
    return
  }
  func.func @transform_0(%arg0: i32) -> (i32, i32, i32) {
    %c0_i32 = arith.constant 0 : i32
    %c0_i32_0 = arith.constant 0 : i32
    %c0_i32_1 = arith.constant 0 : i32
    return %c0_i32, %arg0, %c0_i32_0 : i32, i32, i32
  }
  func.func @transform_1(%arg0: i32) -> (i32, i32) {
    %c0_i32 = arith.constant 0 : i32
    %c0_i32_0 = arith.constant 0 : i32
    return %arg0, %c0_i32 : i32, i32
  }
  func.func @transform_2(%arg0: i32) -> (i32, i32, i32) {
    %c0_i32 = arith.constant 0 : i32
    %c0_i32_0 = arith.constant 0 : i32
    %c0_i32_1 = arith.constant 0 : i32
    return %c0_i32, %arg0, %c0_i32_0 : i32, i32, i32
  }
  func.func @transform_3(%arg0: i32) -> (i32, i32) {
    %c0_i32 = arith.constant 0 : i32
    %c0_i32_0 = arith.constant 0 : i32
    %c0_i32_1 = arith.constant 0 : i32
    return %c0_i32, %c0_i32_0 : i32, i32
  }
  func.func @transform_4(%arg0: i32) -> (i32, i32) {
    %c0_i32 = arith.constant 0 : i32
    %c0_i32_0 = arith.constant 0 : i32
    %c0_i32_1 = arith.constant 0 : i32
    return %c0_i32, %c0_i32_0 : i32, i32
  }
  func.func @transform_5(%arg0: i32) -> (i32, i32) {
    %c0_i32 = arith.constant 0 : i32
    %c0_i32_0 = arith.constant 0 : i32
    %c0_i32_1 = arith.constant 0 : i32
    return %c0_i32, %c0_i32_0 : i32, i32
  }
  func.func @transform_6(%arg0: i32) -> (i32, i32) {
    %c0_i32 = arith.constant 0 : i32
    %c0_i32_0 = arith.constant 0 : i32
    %c0_i32_1 = arith.constant 0 : i32
    return %c0_i32, %c0_i32_0 : i32, i32
  }
  func.func @transform_7(%arg0: i32) -> (i32, i32) {
    %c0_i32 = arith.constant 0 : i32
    %c0_i32_0 = arith.constant 0 : i32
    %c0_i32_1 = arith.constant 0 : i32
    return %c0_i32, %c0_i32_0 : i32, i32
  }
  func.func @transform_8(%arg0: i32) -> (i32, i32) {
    %c0_i32 = arith.constant 0 : i32
    %c0_i32_0 = arith.constant 0 : i32
    %c0_i32_1 = arith.constant 0 : i32
    return %c0_i32, %c0_i32_0 : i32, i32
  }
  func.func @transform_9(%arg0: i32) -> (i32, i32) {
    %c0_i32 = arith.constant 0 : i32
    %c0_i32_0 = arith.constant 0 : i32
    %c0_i32_1 = arith.constant 0 : i32
    return %c0_i32, %c0_i32_0 : i32, i32
  }
  func.func @transform_10(%arg0: i32) -> (i32, i32) {
    %c0_i32 = arith.constant 0 : i32
    %c0_i32_0 = arith.constant 0 : i32
    %c0_i32_1 = arith.constant 0 : i32
    return %c0_i32, %c0_i32_0 : i32, i32
  }
  func.func @transform_11(%arg0: i32) -> (i32, i32) {
    %c0_i32 = arith.constant 0 : i32
    %c0_i32_0 = arith.constant 0 : i32
    %c0_i32_1 = arith.constant 0 : i32
    return %c0_i32, %c0_i32_0 : i32, i32
  }
  func.func @transform_12(%arg0: i32) -> (i32, i32) {
    %c0_i32 = arith.constant 0 : i32
    %c0_i32_0 = arith.constant 0 : i32
    return %arg0, %c0_i32 : i32, i32
  }
  func.func @transform_13(%arg0: i32) -> (i32, i32) {
    %c0_i32 = arith.constant 0 : i32
    %c0_i32_0 = arith.constant 0 : i32
    return %arg0, %c0_i32 : i32, i32
  }
}

module attributes {stable_mosaic.version = 14 : i64} {
  func.func @_tc_combine_mm(%arg0: i32, %arg1: memref<2x2048x128xf32, #tpu.memory_space<vmem>>, %arg2: memref<2048x128xf32, #tpu.memory_space<vmem>>, %arg3: memref<2x2048x128xf32, #tpu.memory_space<vmem>>, %arg4: memref<1x128xf32, #tpu.memory_space<vmem>>, %arg5: memref<128x128xf32, #tpu.memory_space<vmem>>, %arg6: memref<2048x128xf32, #tpu.memory_space<vmem>>) attributes {dimension_semantics = [#tpu.dimension_semantics<arbitrary>], iteration_bounds = array<i64: 5>, scalar_prefetch = 0 : i64, scratch_operands = 0 : i64, tpu.core_type = #tpu.core_type<tc>, window_params = [{transform_indices = @transform_0, window_bounds = array<i64: 2, 2048, 128>}, {transform_indices = @transform_1, window_bounds = array<i64: 2048, 128>}, {transform_indices = @transform_2, window_bounds = array<i64: 2, 2048, 128>}, {pipeline_mode = #tpu.pipeline_mode<synchronous>, transform_indices = @transform_3, window_bounds = array<i64: 1, 128>}, {pipeline_mode = #tpu.pipeline_mode<synchronous>, transform_indices = @transform_4, window_bounds = array<i64: 128, 128>}, {transform_indices = @transform_5, window_bounds = array<i64: 2048, 128>}]} {
    %get3A = arith.constant 0 : index
    %get3A_0 = arith.constant 0 : index
    %get3A_1 = arith.constant 0 : index
    %get3A_2 = vector.load %arg3[%get3A, %get3A_0, %get3A_1] : memref<2x2048x128xf32, #tpu.memory_space<vmem>>, vector<2x2048x128xf32>
    %slice3A = vector.extract_strided_slice %get3A_2 {offsets = [0, 0, 0], sizes = [1, 2048, 1], strides = [1, 1, 1]} : vector<2x2048x128xf32> to vector<1x2048x1xf32>
    %squeeze3A = vector.shape_cast %slice3A : vector<1x2048x1xf32> to vector<2048x1xf32>
    %slice3A_3 = vector.extract_strided_slice %get3A_2 {offsets = [1, 0, 0], sizes = [1, 2048, 1], strides = [1, 1, 1]} : vector<2x2048x128xf32> to vector<1x2048x1xf32>
    %squeeze3A_4 = vector.shape_cast %slice3A_3 : vector<1x2048x1xf32> to vector<2048x1xf32>
    %add3A = arith.addf %squeeze3A, %squeeze3A_4 : vector<2048x1xf32>
    %add3A_5 = arith.constant 1.000000e+00 : f32
    %add3A_6 = vector.broadcast %add3A_5 : f32 to vector<2048x1xf32>
    %add3A_7 = arith.addf %add3A, %add3A_6 : vector<2048x1xf32>
    %rsqrt3A = math.rsqrt %add3A_7 : vector<2048x1xf32>
    %get3A_8 = arith.constant 0 : index
    %get3A_9 = arith.constant 0 : index
    %get3A_10 = arith.constant 0 : index
    %get3A_11 = vector.load %arg1[%get3A_8, %get3A_9, %get3A_10] : memref<2x2048x128xf32, #tpu.memory_space<vmem>>, vector<1x2048x128xf32>
    %get3A_12 = vector.shape_cast %get3A_11 : vector<1x2048x128xf32> to vector<2048x128xf32>
    %get3A_13 = arith.constant 1 : index
    %get3A_14 = arith.constant 0 : index
    %get3A_15 = arith.constant 0 : index
    %get3A_16 = vector.load %arg1[%get3A_13, %get3A_14, %get3A_15] : memref<2x2048x128xf32, #tpu.memory_space<vmem>>, vector<1x2048x128xf32>
    %get3A_17 = vector.shape_cast %get3A_16 : vector<1x2048x128xf32> to vector<2048x128xf32>
    %add3A_18 = arith.addf %get3A_12, %get3A_17 : vector<2048x128xf32>
    %get3A_19 = arith.constant 0 : index
    %get3A_20 = arith.constant 0 : index
    %get3A_21 = vector.load %arg2[%get3A_19, %get3A_20] : memref<2048x128xf32, #tpu.memory_space<vmem>>, vector<2048x128xf32>
    %add3A_22 = arith.addf %add3A_18, %get3A_21 : vector<2048x128xf32>
    %mul3A = vector.broadcast %rsqrt3A : vector<2048x1xf32> to vector<2048x128xf32>
    %mul3A_23 = arith.mulf %mul3A, %add3A_22 : vector<2048x128xf32>
    %get3A_24 = arith.constant 0 : index
    %get3A_25 = arith.constant 0 : index
    %get3A_26 = vector.load %arg4[%get3A_24, %get3A_25] : memref<1x128xf32, #tpu.memory_space<vmem>>, vector<1x128xf32>
    %add3A_27 = vector.broadcast %get3A_26 : vector<1x128xf32> to vector<2048x128xf32>
    %add3A_28 = arith.addf %mul3A_23, %add3A_27 : vector<2048x128xf32>
    %max3A = arith.constant 0.000000e+00 : f32
    %max3A_29 = vector.broadcast %max3A : f32 to vector<2048x128xf32>
    %max3A_30 = arith.maximumf %add3A_28, %max3A_29 : vector<2048x128xf32>
    %get3A_31 = arith.constant 0 : index
    %get3A_32 = arith.constant 0 : index
    %get3A_33 = vector.load %arg5[%get3A_31, %get3A_32] : memref<128x128xf32, #tpu.memory_space<vmem>>, vector<128x128xf32>
    %dot_general3A = arith.constant dense<0.000000e+00> : vector<2048x128xf32>
    %dot_general3A_34 = tpu.matmul %max3A_30, %get3A_33, %dot_general3A {dimension_numbers = #tpu.dot_dimension_numbers<[1], [0], [0], [1], [0, 0, 1, 1], [], []>, transpose_lhs_hint = false} : vector<2048x128xf32>, vector<128x128xf32>, vector<2048x128xf32> -> vector<2048x128xf32>
    %mul3A_35 = vector.broadcast %rsqrt3A : vector<2048x1xf32> to vector<2048x128xf32>
    %mul3A_36 = arith.mulf %dot_general3A_34, %mul3A_35 : vector<2048x128xf32>
    %swap3A = arith.constant 0 : index
    %swap3A_37 = arith.constant 0 : index
    %swap3A_38 = vector.load %arg6[%swap3A, %swap3A_37] : memref<2048x128xf32, #tpu.memory_space<vmem>>, vector<2048x128xf32>
    tpu.vector_store %arg6[%swap3A, %swap3A_37], %mul3A_36 {strides = array<i32>} : memref<2048x128xf32, #tpu.memory_space<vmem>>, vector<2048x128xf32>,
    return
  }
  func.func @transform_0(%arg0: i32) -> (i32, i32, i32) {
    %c0_i32 = arith.constant 0 : i32
    %c0_i32_0 = arith.constant 0 : i32
    %c0_i32_1 = arith.constant 0 : i32
    return %c0_i32, %arg0, %c0_i32_0 : i32, i32, i32
  }
  func.func @transform_1(%arg0: i32) -> (i32, i32) {
    %c0_i32 = arith.constant 0 : i32
    %c0_i32_0 = arith.constant 0 : i32
    return %arg0, %c0_i32 : i32, i32
  }
  func.func @transform_2(%arg0: i32) -> (i32, i32, i32) {
    %c0_i32 = arith.constant 0 : i32
    %c0_i32_0 = arith.constant 0 : i32
    %c0_i32_1 = arith.constant 0 : i32
    return %c0_i32, %arg0, %c0_i32_0 : i32, i32, i32
  }
  func.func @transform_3(%arg0: i32) -> (i32, i32) {
    %c0_i32 = arith.constant 0 : i32
    %c0_i32_0 = arith.constant 0 : i32
    %c0_i32_1 = arith.constant 0 : i32
    return %c0_i32, %c0_i32_0 : i32, i32
  }
  func.func @transform_4(%arg0: i32) -> (i32, i32) {
    %c0_i32 = arith.constant 0 : i32
    %c0_i32_0 = arith.constant 0 : i32
    %c0_i32_1 = arith.constant 0 : i32
    return %c0_i32, %c0_i32_0 : i32, i32
  }
  func.func @transform_5(%arg0: i32) -> (i32, i32) {
    %c0_i32 = arith.constant 0 : i32
    %c0_i32_0 = arith.constant 0 : i32
    return %arg0, %c0_i32 : i32, i32
  }
}

</mosaic_0001>

<sc_bundles>
// kernel: kernel.11.cloned.1.call-start
scs
__scs_entry_jumppad:
0x0: {  	(pc) =	sbr.rel $0x88, $3  }
0x1: {  	(tag) =	ssettag $0x0;
	lr =	simm.s32 $0x1  }
0x2: {  	[smem:$0x3F8F] =	sst lr;
	_ =	strace $0xD0000000  }
0x3: {  	_ = 	snop  }
0x4: {  	_ = 	snop  }
0x5: {  	_ = 	snop  }
0x6: {  	_ = 	snop  }
0x7: {  	_ = 	snop  }
__scs_overlays_trampoline_lowered:
0x8: {  	[smem:$0x3F9E] =	sst s0  }
0x9: {  	[smem:$0x3F9F] =	sst s1  }
0xa: {  	[smem:$0x3FA0] =	sst s2  }
0xb: {  	[smem:$0x3FA1] =	sst s3  }
0xc: {  	[smem:$0x3FA2] =	sst s4  }
0xd: {  	[smem:$0x3FA3] =	sst s5  }
0xe: {  	[smem:$0x3FA4] =	sst s6  }
0xf: {  	[smem:$0x3FA5] =	sst s7  }
0x10: {  	[smem:$0x3FA6] =	sst s8  }
0x11: {  	[smem:$0x3FA7] =	sst s9;
	s0 =	simm.s32 @!p0 $0x0  }
0x12: {  	s1 =	sld [smem:$0x3F8D];
	s0 =	simm.s32 @p0 $0x1  }
0x13: {  	[smem:$0x3FA8] =	sst s0;
	s0 =	simm.s32 @!p1 $0x0  }
0x14: {  	s2 =	sld [smem:$0x3F8C];
	s0 =	simm.s32 @p1 $0x1  }
0x15: {  	[smem:$0x3FA9] =	sst s0;
	s0 =	simm.s32 @!p2 $0x0  }
0x16: {  	s3 =	sld [smem:$0x3FDB];
	s0 =	simm.s32 @p2 $0x1  }
0x17: {  	s4 =	simm.s32 $0x1BF5;
	[smem:$0x3FAB] =	sst s0  }
0x18: {  	s0 =	sld [smem:$0x3F8E];
	_ =	swait.ge [sflag:s4], $0x0  }
0x19: {  	s7 =	sld [smem:$0x3F8F]  }
0x1a: {  	s8 =	sadd.s32 $0xFFFFE003, lr  }
0x1b: {  	s9 =	sadd.s32 $0xFFFFFEF7, lr;
	s5 =	simm.s32 $0xFFFFFFFF;
	p2 =	slt.u32 s8, $0xFFFFF086  }
0x1c: {  	p1 =	slt.u32 s9, $0xF7A;
	s5 =	simm.s32 @!p2 $0x0  }
0x1d: {  	s5 =	simm.s32 @p1 $0x1;
	p0 =	seq.s32 s7, s2  }
0x1e: {  	s7 =	smul.u32 @!p0 $0xF7A, s2;
	p2 =	seq.s32 @!p0 s5, $0x0  }
0x1f: {  	s9 =	smul.u32 $0xF7A, s1;
	s8 =	simm.s32 @!p0 $0x1BF5;
	p2 =	por !p2, p0  }
0x20: {  	[sflag:s8] =	ssyncset.s32 @!p0 $0xFFFFF086;
	s6 =	sadd.s32 @!p0 s3, s7;
	s7 =	simm.s32 @!p0 $0x108  }
0x21: {  	s3 =	sadd.s32 s3, s9;
	s6 =	sadd.s32 @!p0 $0x88, s6;
	s7 =	simm.s32 @p2 $0x1082  }
0x22: {  	[simem:s7], [sflag:s8] =	dma.local @!p0 [hbm:s6], $0xF7A  }
0x23: {  	s9 =	sor.u32 $0xD0000000, s2;
	s6 =	simm.s32 $0x108;
	_ =	swait.ge @!p0 [sflag:s8], $0x0  }
0x24: {  	s3 =	sadd.s32 $0x88, s3;
	s6 =	simm.s32 @!p1 $0x1082;
	[sflag:s4] =	ssyncset.s32 $0xFFFFF086  }
0x25: {  	[simem:s6], [sflag:s4] =	dma.local [hbm:s3], $0xF7A  }
0x26: {  	[smem:$0x3F8F] =	sst s1;
	(tag) =	ssettag s2;
	_ =	strace s9  }
0x27: {  	s1 =	sld [smem:$0x3F9F]  }
0x28: {  	s2 =	sld [smem:$0x3FA0]  }
0x29: {  	s4 =	sld [smem:$0x3FA2]  }
0x2a: {  	p0 =	seq.s32 s5, $0x0;
	s5 =	sld [smem:$0x3FA3]  }
0x2b: {  	s6 =	sld [smem:$0x3FA4]  }
0x2c: {  	s7 =	sld [smem:$0x3FA5]  }
0x2d: {  	s3 =	simm.s32 $0x108;
	s8 =	sld [smem:$0x3FA6]  }
0x2e: {  	s3 =	simm.s32 @!p0 $0x1082;
	s9 =	sld [smem:$0x3FA7]  }
0x2f: {  	lr =	sadd.s32 s0, s3;
	s0 =	sld [smem:$0x3F9E]  }
0x30: {  	s3 =	sld [smem:$0x3FA1]  }
0x31: {  	[smem:$0x3FAA] =	sst s10  }
0x32: {  	s10 =	sld [smem:$0x3FA8];
	_ =	sdelay $0x3  }
0x33: {  	p0 =	seq.s32 s10, $0x1;
	s10 =	sld [smem:$0x3FAA];
	_ =	sdelay $0x3  }
0x34: {  	[smem:$0x3FAA] =	sst s10  }
0x35: {  	s10 =	sld [smem:$0x3FA9];
	_ =	sdelay $0x3  }
0x36: {  	p1 =	seq.s32 s10, $0x1;
	s10 =	sld [smem:$0x3FAA];
	_ =	sdelay $0x3  }
0x37: {  	[smem:$0x3FAA] =	sst s10  }
0x38: {  	s10 =	sld [smem:$0x3FAB]  }
0x39: {  	_ = 	snop;
	(pc) =	sbr.ind lr, $3  }
0x3a: {  	_ = 	snop  }
0x3b: {  	_ = 	snop  }
0x3c: {  	p2 =	seq.s32 s10, $0x1;
	s10 =	sld [smem:$0x3FAA]  }
0x3d: {  	_ =	shalt  }
0x3e: {  	_ =	shalt  }
0x3f: {  	_ =	shalt  }
0x40: {  	_ =	shalt  }
0x41: {  	_ =	shalt  }
0x42: {  	_ =	shalt  }
0x43: {  	_ =	shalt  }
0x44: {  	_ =	shalt  }
0x45: {  	_ =	shalt  }
0x46: {  	_ =	shalt  }
0x47: {  	_ =	shalt  }
0x48: {  	_ =	shalt  }
0x49: {  	_ =	shalt  }
0x4a: {  	_ =	shalt  }
0x4b: {  	_ =	shalt  }
0x4c: {  	_ =	shalt  }
0x4d: {  	_ =	shalt  }
0x4e: {  	_ =	shalt  }
0x4f: {  	_ =	shalt  }
0x50: {  	_ =	shalt  }
0x51: {  	_ =	shalt  }
0x52: {  	_ =	shalt  }
0x53: {  	_ =	shalt  }
0x54: {  	_ =	shalt  }
0x55: {  	_ =	shalt  }
0x56: {  	_ =	shalt  }
0x57: {  	_ =	shalt  }
0x58: {  	_ =	shalt  }
0x59: {  	_ =	shalt  }
0x5a: {  	_ =	shalt  }
0x5b: {  	_ =	shalt  }
0x5c: {  	_ =	shalt  }
0x5d: {  	_ =	shalt  }
0x5e: {  	_ =	shalt  }
0x5f: {  	_ =	shalt  }
0x60: {  	_ =	shalt  }
0x61: {  	_ =	shalt  }
0x62: {  	_ =	shalt  }
0x63: {  	_ =	shalt  }
0x64: {  	_ =	shalt  }
0x65: {  	_ =	shalt  }
0x66: {  	_ =	shalt  }
0x67: {  	_ =	shalt  }
0x68: {  	_ =	shalt  }
0x69: {  	_ =	shalt  }
0x6a: {  	_ =	shalt  }
0x6b: {  	_ =	shalt  }
0x6c: {  	_ =	shalt  }
0x6d: {  	_ =	shalt  }
0x6e: {  	_ =	shalt  }
0x6f: {  	_ =	shalt  }
0x70: {  	_ =	shalt  }
0x71: {  	_ =	shalt  }
0x72: {  	_ =	shalt  }
0x73: {  	_ =	shalt  }
0x74: {  	_ =	shalt  }
0x75: {  	_ =	shalt  }
0x76: {  	_ =	shalt  }
0x77: {  	_ =	shalt  }
0x78: {  	_ =	shalt  }
0x79: {  	_ =	shalt  }
0x7a: {  	_ =	shalt  }
0x7b: {  	_ =	shalt  }
0x7c: {  	_ =	shalt  }
0x7d: {  	_ =	shalt  }
0x7e: {  	_ =	shalt  }
0x7f: {  	_ =	shalt  }
0x80: {  	_ =	shalt  }
0x81: {  	_ =	shalt  }
0x82: {  	_ =	shalt  }
0x83: {  	_ =	shalt  }
0x84: {  	_ =	shalt  }
0x85: {  	_ =	shalt  }
0x86: {  	_ =	shalt  }
0x87: {  	_ =	shalt  }
.Lfunc_end0:
.L_simem_size_0:
called_computation.1_lowered:
.L_overlay_start_0:
0x88: {  	s2 =	sld [smem:$0x3FD9]  }
0x89: {  	s3 =	sld [smem:$0x3FFE];
	_ =	sdelay $0x1  }
0x8a: {  	s1 =	srdreg.scid  }
0x8b: {  	s0 =	sand.u32 $0x1, s1  }
0x8c: {  	s16 =	sshll.u32 s0, $0xA;
	s2 =	sadd.s32 s3, s2  }
0x8d: {  	s2 =	sadd.s32 s2, s16  }
0x8e: {  	[smem:$0x3FB6] =	sst s2  }
0x8f: {  	_ = 	snop  }
0x90: {  	(tm) =	ssettm $0x1  }
0x91: {  	s17 =	sld [smem:$0x3FFB];
	_ =	sdelay $0x3  }
0x92: {  	_ =	strace s17  }
0x93: {  	s2 =	sld [smem:$0x3FFC];
	_ =	sdelay $0x3  }
0x94: {  	_ =	strace s2  }
0x95: {  	s2 =	sld [smem:$0x3FFD];
	_ =	sdelay $0x3  }
0x96: {  	_ =	strace s2  }
0x97: {  	_ =	strace $0x8FFFFFFF  }
0x98: {  	s18 =	sld [smem:$0x3FDB];
	_ =	sdelay $0x1  }
0x99: {  	s19 =	simm.s32 $_scs_section_size  }
0x9a: {  	s4 =	simm.s32 $_size__tile_overlayer_lowered;
	s5 =	simm.s32 $_tile_overlayer_lowered  }
0x9b: {  	s22 =	simm.s32 $0x1BFF;
	s21 =	sshll.u32 s5, $0x1;
	s2 =	sadd.s32 s19, s18  }
0x9c: {  	s6 =	simm.s32 $0x0;
	s20 =	sshll.u32 s4, $0x1;
	s4 =	sadd.s32 s21, s2  }
0x9d: {  	[timem:s6], [sflag:s22] =	dma.local [hbm:s4], s20  }
0x9e: {  	_ =	swait.ge [sflag:s22], s20  }
0x9f: {  	s3 =	ssub.s32 $0x0, s20;
	[sflag:s22] =	ssyncset.done $0x0  }
0xa0: {  	[sflag:s22] =	ssyncadd.s32 s3;
	_ =	sdelay $0x1  }
0xa1: {  	s23 =	simm.s32 $0x1B8B  }
0xa2: {  	_ =	swait.ge [sflag:s23], $0x1  }
0xa3: {  	[sflag:s23] =	ssyncset.done $0x0  }
0xa4: {  	s25 =	simm.s32 $0x1B8E;
	s24 =	sld [smem:$0x3FFE];
	[sflag:s23] =	ssyncadd.s32 $0xFFFFFFFF  }
0xa5: {  	s26 =	simm.s32 $execute0_lowered;
	[smem:$0x3FD2] =	sst s25  }
0xa6: {  	s4 =	sshll.u32 s26, $0x1;
	_ =	strace $0x80000049;
	[dreg:$0x1] =	wrdreg $0xFFFFFFFF  }
0xa7: {  	s28 =	simm.s32 $_size_execute0_lowered;
	s2 =	sadd.s32 s2, s4;
	[dreg:$0x0] =	wrdreg $0x0  }
0xa8: {  	s4 =	sshll.u32 s28, $0x1;
	[dreg:$0x2] =	wrdreg s2  }
0xa9: {  	[dreg:$0x3] =	wrdreg s4  }
0xaa: {  	[dreg:$0x4] =	wrdreg $0xC0  }
0xab: {  	_ =	task [dreg:s6], $0x5FFFF  }
0xac: {  	[dreg:$0x1] =	wrdreg $0xFFFFFFFF  }
0xad: {  	[dreg:$0x0] =	wrdreg $0x60  }
0xae: {  	[dreg:$0x2] =	wrdreg s24  }
0xaf: {  	[dreg:$0x3] =	wrdreg $0x85000  }
0xb0: {  	[dreg:$0x4] =	wrdreg $0x9  }
0xb1: {  	_ =	task.clear_ibuf [dreg:s6], $0x5FFFF;
	_ =	strace $0x90000049  }
0xb2: {  	s29 =	simm.s32 $0x9;
	_ =	strace $0x8000004B  }
0xb3: {  	_ =	swait.ge [sflag:s29], $0x1  }
0xb4: {  	[sflag:s29] =	ssyncadd.s32 $0xFFFFFFFF  }
0xb5: {  	_ =	strace $0x9000004B  }
0xb6: {  	_ =	sfence  }
0xb7: {  	s30 =	sld [smem:$0x0];
	_ =	sdelay $0x2  }
0xb8: {  	s31 =	sshll.u32 s1, $0xD;
	s1 =	sshrl.u32 s1, $0x2  }
0xb9: {  	s3 =	sand.u32 $0x4000, s31;
	s1 =	sadd.s32 s1, s30  }
0xba: {  	s0 =	sor.u32 s3, s0;
	s1 =	sshll.u32 s1, $0x11  }
0xbb: {  	s0 =	sor.u32 s1, s0  }
0xbc: {  	s0 =	sadd.s32 $0x8F2B, s0  }
0xbd: {  	[sflag:s0] =	ssyncadd.remote.s32 $0x1  }
0xbe: {  	_ =	sfence.sel $0xFFFF  }
0xbf: {  	[dreg:$0x0] =	wrdreg $0xFFFFFFFF;
	(pc) =	sbr.abs _section_cstart, $3  }
0xc0: {  	[dreg:$0x1] =	wrdreg $0xFFFFFFFF  }
0xc1: {  	_ =	task.clear_ibuf [dreg:s6], $0x2FFFF;
	_ =	strace $0x9FFFFFFF  }
0xc2: {  	(tm) =	ssettm $0x7FFFFFFF  }
0xc3: {  	_ =	shalt  }
tec
execute0_lowered:
.L_overlay_start_1:
0x0: {  	(tag) =	ssettag $0x1  }
0x1: {  	s1 =	srdreg.scid  }
0x2: {  	s0 =	stileid.u32;
	s6 =	rddreg [dreg:$0x0]  }
0x3: {  	s2 =	rddreg [dreg:$0x1];
	s3 =	simm.s32 $0x0;
	s12 =	simm.s32 $0x5  }
0x4: {  	s13 =	simm.s32 $0x80;
	s14 =	simm.s32 $0x500;
	s15 =	simm.s32 $0x4500  }
0x5: {  	s16 =	simm.s32 $0x400;
	s17 =	simm.s32 $0x1;
	s18 =	simm.s32 $0x480  }
0x6: {  	s19 =	simm.s32 $0x2;
	s20 =	simm.s32 $0x3;
	s21 =	simm.s32 $0x100  }
0x7: {  	s22 =	simm.s32 $0x4;
	s23 =	simm.s32 $0x180;
	s24 =	simm.s32 $0x200  }
0x8: {  	s25 =	simm.s32 $0x280;
	s28 =	simm.s32 $0x380;
	s5 =	smul.u32 $0x2800, s0  }
0x9: {  	s29 =	simm.s32 $0x0;
	s1 =	sand.u32 $0x1, s1;
	s8 =	smul.u32 $0x50000, s0  }
0xa: {  	[smem:$0x7FF] =	sst s3;
	s4 =	smul.u32 $0x28000, s1;
	s1 =	ssub.s32 $0x2, s1  }
0xb: {  	s30 =	sshll.u32 s0, $0x6;
	_ =	strace $0x8000004A;
	s26 =	sshrl.u32 s1, $0x1  }
0xc: {  	s8 =	sshrl.u32 s8, $0x2;
	s7 =	sadd.s32 s5, s4;
	s5 =	sadd.s32 s5, s6  }
0xd: {  	s1 =	ssub.s32 s1, s26;
	s11 =	sadd.s32 s8, s2;
	s26 =	simm.s32 $0x300  }
0xe: {  	s4 =	sshrl.u32 s7, $0x3;
	s7 =	sadd.s32 s7, s6;
	s31 =	sadd.s32 $0x18E00, s5  }
0xf: {  	s8 =	smax.u32 s1, $0x1;
	s11 =	sshrl.u32 s11, $0x3;
	s10 =	sadd.s32 s4, s6  }
0x10: {  	s4 =	sadd.s32 $0x90E00, s6;
	[dreg:$0x3] =	wrdreg s31;
	s6 =	sor.u32 $0x1C05, s30  }
0x11: {  	s7 =	sadd.s32 $0xB8E00, s7;
	s9 =	sadd.s32 $0x4E00, s10;
	s10 =	sadd.s32 $0xEE00, s10  }
.LBB2_1:
0x12: {  	s0 =	rddreg [dreg:$0x3]  }
0x13: {  	[spmem:s11], [sflag:s6] =	dma.local [hbm:s0], $0x2800  }
0x14: {  	_ =	swait.ge [sflag:s12], $0x2800  }
0x15: {  	[sflag:s12] =	ssyncset.done $0x0  }
0x16: {  	[sflag:s12] =	ssyncadd.s32 $0xFFFFD800  }
0x17: {  	s1 =	sadd.s32 $0x0, s10;
	[bflag:$0x0] =	sbarrier.arrive $0xFFFF  }
0x18: {  	[tilespmem:s3], [sflag:$0x5] =	stream.linear.gather [hbm4b:s1+s3], $0x400, $0x38;
	[tilespmem:$0x1C500] =	vst v63  }
0x19: {  	_ =	swait.ge [sflag:s12], $0x400  }
0x1a: {  	[sflag:s12] =	ssyncset.done $0x0  }
0x1b: {  	[sflag:s12] =	ssyncadd.s32 $0xFFFFFC00  }
0x1c: {  	[tilespmem:s14], [sflag:$0x1] =	stream.indirect.gather [hbm4b:s4+s13], $0x80, s3, s13, $0xb8;
	[tilespmem:$0x1C500] =	vst v63  }
0x1d: {  	_ = 	snop  }
0x1e: {  	[tilespmem:s15], [sflag:$0x2] =	stream.indirect.gather [hbm4b:s4+s13], $0x80, s13, s13, $0xb8;
	[tilespmem:$0x1C500] =	vst v63  }
0x1f: {  	s31 =	sadd.s32 $0x0, s9  }
0x20: {  	[tilespmem:s16], [sflag:$0x5] =	stream.linear.gather [hbm4b:s31+s3], $0x80, $0x38;
	[tilespmem:$0x1C500] =	vst v63  }
0x21: {  	_ =	swait.ge [sflag:s12], $0x80  }
0x22: {  	[sflag:s12] =	ssyncset.done $0x0  }
0x23: {  	[sflag:s12] =	ssyncadd.s32 $0xFFFFFF80  }
0x24: {  	_ =	swait.ge [sflag:s17], $0x4000  }
0x25: {  	[sflag:s17] =	ssyncset.done $0x0  }
0x26: {  	[sflag:s17] =	ssyncadd.s32 $0xFFFFC000  }
0x27: {  	[spmem:s2] =	stream.indirect.scatter.add.f32 [tilespmem:s14], [sflag:$0x3], $0x80, s16, s13, $0xb8;
	[tilespmem:$0x1C500] =	vst v63  }
0x28: {  	s30 =	sadd.s32 $0x10, s31  }
0x29: {  	[tilespmem:s18], [sflag:$0x5] =	stream.linear.gather [hbm4b:s30+s3], $0x80, $0x38;
	[tilespmem:$0x1C500] =	vst v63  }
0x2a: {  	_ =	swait.ge [sflag:s12], $0x80  }
0x2b: {  	[sflag:s12] =	ssyncset.done $0x0  }
0x2c: {  	[sflag:s12] =	ssyncadd.s32 $0xFFFFFF80  }
0x2d: {  	_ =	swait.ge [sflag:s19], $0x4000  }
0x2e: {  	[sflag:s19] =	ssyncset.done $0x0  }
0x2f: {  	[sflag:s19] =	ssyncadd.s32 $0xFFFFC000  }
0x30: {  	[spmem:s2] =	stream.indirect.scatter.add.f32 [tilespmem:s15], [sflag:$0x4], $0x80, s18, s13, $0xb8;
	[tilespmem:$0x1C500] =	vst v63  }
0x31: {  	_ =	swait.ge [sflag:s20], $0x4000  }
0x32: {  	[sflag:s20] =	ssyncset.done $0x0  }
0x33: {  	[sflag:s20] =	ssyncadd.s32 $0xFFFFC000  }
0x34: {  	[tilespmem:s14], [sflag:$0x1] =	stream.indirect.gather [hbm4b:s4+s13], $0x80, s21, s13, $0xb8;
	[tilespmem:$0x1C500] =	vst v63  }
0x35: {  	_ =	swait.ge [sflag:s22], $0x4000  }
0x36: {  	[sflag:s22] =	ssyncset.done $0x0  }
0x37: {  	[sflag:s22] =	ssyncadd.s32 $0xFFFFC000  }
0x38: {  	[tilespmem:s15], [sflag:$0x2] =	stream.indirect.gather [hbm4b:s4+s13], $0x80, s23, s13, $0xb8;
	[tilespmem:$0x1C500] =	vst v63  }
0x39: {  	s30 =	sadd.s32 $0x20, s31  }
0x3a: {  	[tilespmem:s16], [sflag:$0x5] =	stream.linear.gather [hbm4b:s30+s3], $0x80, $0x38;
	[tilespmem:$0x1C500] =	vst v63  }
0x3b: {  	_ =	swait.ge [sflag:s12], $0x80  }
0x3c: {  	[sflag:s12] =	ssyncset.done $0x0  }
0x3d: {  	[sflag:s12] =	ssyncadd.s32 $0xFFFFFF80  }
0x3e: {  	_ =	swait.ge [sflag:s17], $0x4000  }
0x3f: {  	[sflag:s17] =	ssyncset.done $0x0  }
0x40: {  	[sflag:s17] =	ssyncadd.s32 $0xFFFFC000  }
0x41: {  	[spmem:s2] =	stream.indirect.scatter.add.f32 [tilespmem:s14], [sflag:$0x3], $0x80, s16, s13, $0xb8;
	[tilespmem:$0x1C500] =	vst v63  }
0x42: {  	s30 =	sadd.s32 $0x30, s31  }
0x43: {  	[tilespmem:s18], [sflag:$0x5] =	stream.linear.gather [hbm4b:s30+s3], $0x80, $0x38;
	[tilespmem:$0x1C500] =	vst v63  }
0x44: {  	_ =	swait.ge [sflag:s12], $0x80  }
0x45: {  	[sflag:s12] =	ssyncset.done $0x0  }
0x46: {  	[sflag:s12] =	ssyncadd.s32 $0xFFFFFF80  }
0x47: {  	_ =	swait.ge [sflag:s19], $0x4000  }
0x48: {  	[sflag:s19] =	ssyncset.done $0x0  }
0x49: {  	[sflag:s19] =	ssyncadd.s32 $0xFFFFC000  }
0x4a: {  	[spmem:s2] =	stream.indirect.scatter.add.f32 [tilespmem:s15], [sflag:$0x4], $0x80, s18, s13, $0xb8;
	[tilespmem:$0x1C500] =	vst v63  }
0x4b: {  	_ =	swait.ge [sflag:s20], $0x4000  }
0x4c: {  	[sflag:s20] =	ssyncset.done $0x0  }
0x4d: {  	[sflag:s20] =	ssyncadd.s32 $0xFFFFC000  }
0x4e: {  	[tilespmem:s14], [sflag:$0x1] =	stream.indirect.gather [hbm4b:s4+s13], $0x80, s24, s13, $0xb8;
	[tilespmem:$0x1C500] =	vst v63  }
0x4f: {  	_ =	swait.ge [sflag:s22], $0x4000  }
0x50: {  	[sflag:s22] =	ssyncset.done $0x0  }
0x51: {  	[sflag:s22] =	ssyncadd.s32 $0xFFFFC000  }
0x52: {  	[tilespmem:s15], [sflag:$0x2] =	stream.indirect.gather [hbm4b:s4+s13], $0x80, s25, s13, $0xb8;
	[tilespmem:$0x1C500] =	vst v63  }
0x53: {  	s30 =	sadd.s32 $0x40, s31  }
0x54: {  	[tilespmem:s16], [sflag:$0x5] =	stream.linear.gather [hbm4b:s30+s3], $0x80, $0x38;
	[tilespmem:$0x1C500] =	vst v63  }
0x55: {  	_ =	swait.ge [sflag:s12], $0x80  }
0x56: {  	[sflag:s12] =	ssyncset.done $0x0  }
0x57: {  	[sflag:s12] =	ssyncadd.s32 $0xFFFFFF80  }
0x58: {  	_ =	swait.ge [sflag:s17], $0x4000  }
0x59: {  	[sflag:s17] =	ssyncset.done $0x0  }
0x5a: {  	[sflag:s17] =	ssyncadd.s32 $0xFFFFC000  }
0x5b: {  	[spmem:s2] =	stream.indirect.scatter.add.f32 [tilespmem:s14], [sflag:$0x3], $0x80, s16, s13, $0xb8;
	[tilespmem:$0x1C500] =	vst v63  }
0x5c: {  	s30 =	sadd.s32 $0x50, s31  }
0x5d: {  	[tilespmem:s18], [sflag:$0x5] =	stream.linear.gather [hbm4b:s30+s3], $0x80, $0x38;
	[tilespmem:$0x1C500] =	vst v63  }
0x5e: {  	_ =	swait.ge [sflag:s12], $0x80  }
0x5f: {  	[sflag:s12] =	ssyncset.done $0x0  }
0x60: {  	[sflag:s12] =	ssyncadd.s32 $0xFFFFFF80  }
0x61: {  	_ =	swait.ge [sflag:s19], $0x4000  }
0x62: {  	[sflag:s19] =	ssyncset.done $0x0  }
0x63: {  	[sflag:s19] =	ssyncadd.s32 $0xFFFFC000  }
0x64: {  	[spmem:s2] =	stream.indirect.scatter.add.f32 [tilespmem:s15], [sflag:$0x4], $0x80, s18, s13, $0xb8;
	[tilespmem:$0x1C500] =	vst v63  }
0x65: {  	_ =	swait.ge [sflag:s20], $0x4000  }
0x66: {  	[sflag:s20] =	ssyncset.done $0x0  }
0x67: {  	[sflag:s20] =	ssyncadd.s32 $0xFFFFC000  }
0x68: {  	[tilespmem:s14], [sflag:$0x1] =	stream.indirect.gather [hbm4b:s4+s13], $0x80, s26, s13, $0xb8;
	[tilespmem:$0x1C500] =	vst v63  }
0x69: {  	_ =	swait.ge [sflag:s22], $0x4000  }
0x6a: {  	[sflag:s22] =	ssyncset.done $0x0  }
0x6b: {  	[sflag:s22] =	ssyncadd.s32 $0xFFFFC000  }
0x6c: {  	[tilespmem:s15], [sflag:$0x2] =	stream.indirect.gather [hbm4b:s4+s13], $0x80, s28, s13, $0xb8;
	[tilespmem:$0x1C500] =	vst v63  }
0x6d: {  	s30 =	sadd.s32 $0x60, s31  }
0x6e: {  	[tilespmem:s16], [sflag:$0x5] =	stream.linear.gather [hbm4b:s30+s3], $0x80, $0x38;
	[tilespmem:$0x1C500] =	vst v63  }
0x6f: {  	_ =	swait.ge [sflag:s12], $0x80  }
0x70: {  	[sflag:s12] =	ssyncset.done $0x0  }
0x71: {  	[sflag:s12] =	ssyncadd.s32 $0xFFFFFF80  }
0x72: {  	_ =	swait.ge [sflag:s17], $0x4000  }
0x73: {  	[sflag:s17] =	ssyncset.done $0x0  }
0x74: {  	[sflag:s17] =	ssyncadd.s32 $0xFFFFC000  }
0x75: {  	[spmem:s2] =	stream.indirect.scatter.add.f32 [tilespmem:s14], [sflag:$0x3], $0x80, s16, s13, $0xb8;
	[tilespmem:$0x1C500] =	vst v63  }
0x76: {  	s1 =	sadd.s32 $0x70, s31  }
0x77: {  	[tilespmem:s18], [sflag:$0x5] =	stream.linear.gather [hbm4b:s1+s3], $0x80, $0x38;
	[tilespmem:$0x1C500] =	vst v63  }
0x78: {  	_ =	swait.ge [sflag:s12], $0x80  }
0x79: {  	[sflag:s12] =	ssyncset.done $0x0  }
0x7a: {  	[sflag:s12] =	ssyncadd.s32 $0xFFFFFF80  }
0x7b: {  	_ =	swait.ge [sflag:s19], $0x4000  }
0x7c: {  	[sflag:s19] =	ssyncset.done $0x0  }
0x7d: {  	[sflag:s19] =	ssyncadd.s32 $0xFFFFC000  }
0x7e: {  	[spmem:s2] =	stream.indirect.scatter.add.f32 [tilespmem:s15], [sflag:$0x4], $0x80, s18, s13, $0xb8;
	[tilespmem:$0x1C500] =	vst v63  }
0x7f: {  	_ =	swait.ge [sflag:s20], $0x4000  }
0x80: {  	[sflag:s20] =	ssyncset.done $0x0  }
0x81: {  	[sflag:s20] =	ssyncadd.s32 $0xFFFFC000  }
0x82: {  	_ =	swait.ge [sflag:s22], $0x4000  }
0x83: {  	s30 =	simm.s32 $0x80;
	s1 =	simm.s32 $0x100;
	[sflag:s22] =	ssyncset.done $0x0  }
.LBB2_2:
0x84: {  	s0 =	sadd.s32 s30, s10  }
0x85: {  	[sflag:s22] =	ssyncadd.s32 $0xFFFFC000;
	s5 =	smov.u32 s1;
	s31 =	sadd.s32 $0x80, s1  }
0x86: {  	[tilespmem:s3], [sflag:$0x5] =	stream.linear.gather [hbm4b:s0+s3], $0x400, $0x38;
	[tilespmem:$0x1C500] =	vst v63  }
0x87: {  	p0 =	sne.s32 s1, $0x480;
	_ =	swait.ge [sflag:s12], $0x400  }
0x88: {  	[sflag:s12] =	ssyncset.done $0x0  }
0x89: {  	[sflag:s12] =	ssyncadd.s32 $0xFFFFFC00  }
0x8a: {  	[tilespmem:s14], [sflag:$0x1] =	stream.indirect.gather [hbm4b:s4+s13], $0x80, s3, s13, $0xb8;
	[tilespmem:$0x1C500] =	vst v63  }
0x8b: {  	_ = 	snop  }
0x8c: {  	[tilespmem:s15], [sflag:$0x2] =	stream.indirect.gather [hbm4b:s4+s13], $0x80, s13, s13, $0xb8;
	[tilespmem:$0x1C500] =	vst v63  }
0x8d: {  	s1 =	sadd.s32 s30, s9;
	s30 =	smov.u32 s5  }
0x8e: {  	[tilespmem:s16], [sflag:$0x5] =	stream.linear.gather [hbm4b:s1+s3], $0x80, $0x38;
	[tilespmem:$0x1C500] =	vst v63  }
0x8f: {  	_ =	swait.ge [sflag:s12], $0x80  }
0x90: {  	[sflag:s12] =	ssyncset.done $0x0  }
0x91: {  	[sflag:s12] =	ssyncadd.s32 $0xFFFFFF80  }
0x92: {  	_ =	swait.ge [sflag:s17], $0x4000  }
0x93: {  	[sflag:s17] =	ssyncset.done $0x0  }
0x94: {  	[sflag:s17] =	ssyncadd.s32 $0xFFFFC000  }
0x95: {  	[spmem:s2] =	stream.indirect.scatter.add.f32 [tilespmem:s14], [sflag:$0x3], $0x80, s16, s13, $0xb8;
	[tilespmem:$0x1C500] =	vst v63  }
0x96: {  	s0 =	sadd.s32 $0x10, s1  }
0x97: {  	[tilespmem:s18], [sflag:$0x5] =	stream.linear.gather [hbm4b:s0+s3], $0x80, $0x38;
	[tilespmem:$0x1C500] =	vst v63  }
0x98: {  	_ =	swait.ge [sflag:s12], $0x80  }
0x99: {  	[sflag:s12] =	ssyncset.done $0x0  }
0x9a: {  	[sflag:s12] =	ssyncadd.s32 $0xFFFFFF80  }
0x9b: {  	_ =	swait.ge [sflag:s19], $0x4000  }
0x9c: {  	[sflag:s19] =	ssyncset.done $0x0  }
0x9d: {  	[sflag:s19] =	ssyncadd.s32 $0xFFFFC000  }
0x9e: {  	[spmem:s2] =	stream.indirect.scatter.add.f32 [tilespmem:s15], [sflag:$0x4], $0x80, s18, s13, $0xb8;
	[tilespmem:$0x1C500] =	vst v63  }
0x9f: {  	_ =	swait.ge [sflag:s20], $0x4000  }
0xa0: {  	[sflag:s20] =	ssyncset.done $0x0  }
0xa1: {  	[sflag:s20] =	ssyncadd.s32 $0xFFFFC000  }
0xa2: {  	[tilespmem:s14], [sflag:$0x1] =	stream.indirect.gather [hbm4b:s4+s13], $0x80, s21, s13, $0xb8;
	[tilespmem:$0x1C500] =	vst v63  }
0xa3: {  	_ =	swait.ge [sflag:s22], $0x4000  }
0xa4: {  	[sflag:s22] =	ssyncset.done $0x0  }
0xa5: {  	[sflag:s22] =	ssyncadd.s32 $0xFFFFC000  }
0xa6: {  	[tilespmem:s15], [sflag:$0x2] =	stream.indirect.gather [hbm4b:s4+s13], $0x80, s23, s13, $0xb8;
	[tilespmem:$0x1C500] =	vst v63  }
0xa7: {  	s0 =	sadd.s32 $0x20, s1  }
0xa8: {  	[tilespmem:s16], [sflag:$0x5] =	stream.linear.gather [hbm4b:s0+s3], $0x80, $0x38;
	[tilespmem:$0x1C500] =	vst v63  }
0xa9: {  	_ =	swait.ge [sflag:s12], $0x80  }
0xaa: {  	[sflag:s12] =	ssyncset.done $0x0  }
0xab: {  	[sflag:s12] =	ssyncadd.s32 $0xFFFFFF80  }
0xac: {  	_ =	swait.ge [sflag:s17], $0x4000  }
0xad: {  	[sflag:s17] =	ssyncset.done $0x0  }
0xae: {  	[sflag:s17] =	ssyncadd.s32 $0xFFFFC000  }
0xaf: {  	[spmem:s2] =	stream.indirect.scatter.add.f32 [tilespmem:s14], [sflag:$0x3], $0x80, s16, s13, $0xb8;
	[tilespmem:$0x1C500] =	vst v63  }
0xb0: {  	s0 =	sadd.s32 $0x30, s1  }
0xb1: {  	[tilespmem:s18], [sflag:$0x5] =	stream.linear.gather [hbm4b:s0+s3], $0x80, $0x38;
	[tilespmem:$0x1C500] =	vst v63  }
0xb2: {  	_ =	swait.ge [sflag:s12], $0x80  }
0xb3: {  	[sflag:s12] =	ssyncset.done $0x0  }
0xb4: {  	[sflag:s12] =	ssyncadd.s32 $0xFFFFFF80  }
0xb5: {  	_ =	swait.ge [sflag:s19], $0x4000  }
0xb6: {  	[sflag:s19] =	ssyncset.done $0x0  }
0xb7: {  	[sflag:s19] =	ssyncadd.s32 $0xFFFFC000  }
0xb8: {  	[spmem:s2] =	stream.indirect.scatter.add.f32 [tilespmem:s15], [sflag:$0x4], $0x80, s18, s13, $0xb8;
	[tilespmem:$0x1C500] =	vst v63  }
0xb9: {  	_ =	swait.ge [sflag:s20], $0x4000  }
0xba: {  	[sflag:s20] =	ssyncset.done $0x0  }
0xbb: {  	[sflag:s20] =	ssyncadd.s32 $0xFFFFC000  }
0xbc: {  	[tilespmem:s14], [sflag:$0x1] =	stream.indirect.gather [hbm4b:s4+s13], $0x80, s24, s13, $0xb8;
	[tilespmem:$0x1C500] =	vst v63  }
0xbd: {  	_ =	swait.ge [sflag:s22], $0x4000  }
0xbe: {  	[sflag:s22] =	ssyncset.done $0x0  }
0xbf: {  	[sflag:s22] =	ssyncadd.s32 $0xFFFFC000  }
0xc0: {  	[tilespmem:s15], [sflag:$0x2] =	stream.indirect.gather [hbm4b:s4+s13], $0x80, s25, s13, $0xb8;
	[tilespmem:$0x1C500] =	vst v63  }
0xc1: {  	s0 =	sadd.s32 $0x40, s1  }
0xc2: {  	[tilespmem:s16], [sflag:$0x5] =	stream.linear.gather [hbm4b:s0+s3], $0x80, $0x38;
	[tilespmem:$0x1C500] =	vst v63  }
0xc3: {  	_ =	swait.ge [sflag:s12], $0x80  }
0xc4: {  	[sflag:s12] =	ssyncset.done $0x0  }
0xc5: {  	[sflag:s12] =	ssyncadd.s32 $0xFFFFFF80  }
0xc6: {  	_ =	swait.ge [sflag:s17], $0x4000  }
0xc7: {  	[sflag:s17] =	ssyncset.done $0x0  }
0xc8: {  	[sflag:s17] =	ssyncadd.s32 $0xFFFFC000  }
0xc9: {  	[spmem:s2] =	stream.indirect.scatter.add.f32 [tilespmem:s14], [sflag:$0x3], $0x80, s16, s13, $0xb8;
	[tilespmem:$0x1C500] =	vst v63  }
0xca: {  	s0 =	sadd.s32 $0x50, s1  }
0xcb: {  	[tilespmem:s18], [sflag:$0x5] =	stream.linear.gather [hbm4b:s0+s3], $0x80, $0x38;
	[tilespmem:$0x1C500] =	vst v63  }
0xcc: {  	_ =	swait.ge [sflag:s12], $0x80  }
0xcd: {  	[sflag:s12] =	ssyncset.done $0x0  }
0xce: {  	[sflag:s12] =	ssyncadd.s32 $0xFFFFFF80  }
0xcf: {  	_ =	swait.ge [sflag:s19], $0x4000  }
0xd0: {  	[sflag:s19] =	ssyncset.done $0x0  }
0xd1: {  	[sflag:s19] =	ssyncadd.s32 $0xFFFFC000  }
0xd2: {  	[spmem:s2] =	stream.indirect.scatter.add.f32 [tilespmem:s15], [sflag:$0x4], $0x80, s18, s13, $0xb8;
	[tilespmem:$0x1C500] =	vst v63  }
0xd3: {  	_ =	swait.ge [sflag:s20], $0x4000  }
0xd4: {  	[sflag:s20] =	ssyncset.done $0x0  }
0xd5: {  	[sflag:s20] =	ssyncadd.s32 $0xFFFFC000  }
0xd6: {  	[tilespmem:s14], [sflag:$0x1] =	stream.indirect.gather [hbm4b:s4+s13], $0x80, s26, s13, $0xb8;
	[tilespmem:$0x1C500] =	vst v63  }
0xd7: {  	_ =	swait.ge [sflag:s22], $0x4000  }
0xd8: {  	[sflag:s22] =	ssyncset.done $0x0  }
0xd9: {  	[sflag:s22] =	ssyncadd.s32 $0xFFFFC000  }
0xda: {  	[tilespmem:s15], [sflag:$0x2] =	stream.indirect.gather [hbm4b:s4+s13], $0x80, s28, s13, $0xb8;
	[tilespmem:$0x1C500] =	vst v63  }
0xdb: {  	s0 =	sadd.s32 $0x60, s1  }
0xdc: {  	[tilespmem:s16], [sflag:$0x5] =	stream.linear.gather [hbm4b:s0+s3], $0x80, $0x38;
	[tilespmem:$0x1C500] =	vst v63  }
0xdd: {  	_ =	swait.ge [sflag:s12], $0x80  }
0xde: {  	[sflag:s12] =	ssyncset.done $0x0  }
0xdf: {  	[sflag:s12] =	ssyncadd.s32 $0xFFFFFF80  }
0xe0: {  	_ =	swait.ge [sflag:s17], $0x4000  }
0xe1: {  	[sflag:s17] =	ssyncset.done $0x0  }
0xe2: {  	[sflag:s17] =	ssyncadd.s32 $0xFFFFC000  }
0xe3: {  	[spmem:s2] =	stream.indirect.scatter.add.f32 [tilespmem:s14], [sflag:$0x3], $0x80, s16, s13, $0xb8;
	[tilespmem:$0x1C500] =	vst v63  }
0xe4: {  	s0 =	sadd.s32 $0x70, s1  }
0xe5: {  	[tilespmem:s18], [sflag:$0x5] =	stream.linear.gather [hbm4b:s0+s3], $0x80, $0x38;
	[tilespmem:$0x1C500] =	vst v63  }
0xe6: {  	_ =	swait.ge [sflag:s12], $0x80  }
0xe7: {  	[sflag:s12] =	ssyncset.done $0x0  }
0xe8: {  	[sflag:s12] =	ssyncadd.s32 $0xFFFFFF80  }
0xe9: {  	_ =	swait.ge [sflag:s19], $0x4000  }
0xea: {  	[sflag:s19] =	ssyncset.done $0x0  }
0xeb: {  	[sflag:s19] =	ssyncadd.s32 $0xFFFFC000  }
0xec: {  	[spmem:s2] =	stream.indirect.scatter.add.f32 [tilespmem:s15], [sflag:$0x4], $0x80, s18, s13, $0xb8;
	[tilespmem:$0x1C500] =	vst v63  }
.Ltmp0:
0xed: {  	_ =	swait.ge [sflag:s20], $0x4000;
	(pc) =	sbr.rel @p0 .LBB2_2-.Ltmp0, $4  }
0xee: {  	[sflag:s20] =	ssyncset.done $0x0  }
0xef: {  	[sflag:s20] =	ssyncadd.s32 $0xFFFFC000  }
0xf0: {  	_ =	swait.ge [sflag:s22], $0x4000  }
0xf1: {  	s1 =	smov.u32 s31;
	[sflag:s22] =	ssyncset.done $0x0  }
0xf2: {  	s0 =	sadd.s32 s30, s10;
	[sflag:s22] =	ssyncadd.s32 $0xFFFFC000  }
0xf3: {  	[tilespmem:s3], [sflag:$0x5] =	stream.linear.gather [hbm4b:s0+s3], $0x400, $0x38;
	[tilespmem:$0x1C500] =	vst v63  }
0xf4: {  	_ =	swait.ge [sflag:s12], $0x400  }
0xf5: {  	[sflag:s12] =	ssyncset.done $0x0  }
0xf6: {  	[sflag:s12] =	ssyncadd.s32 $0xFFFFFC00  }
0xf7: {  	[tilespmem:s14], [sflag:$0x1] =	stream.indirect.gather [hbm4b:s4+s13], $0x80, s3, s13, $0xb8;
	[tilespmem:$0x1C500] =	vst v63  }
0xf8: {  	_ = 	snop  }
0xf9: {  	[tilespmem:s15], [sflag:$0x2] =	stream.indirect.gather [hbm4b:s4+s13], $0x80, s13, s13, $0xb8;
	[tilespmem:$0x1C500] =	vst v63  }
0xfa: {  	s1 =	sadd.s32 s30, s9  }
0xfb: {  	[tilespmem:s16], [sflag:$0x5] =	stream.linear.gather [hbm4b:s1+s3], $0x80, $0x38;
	[tilespmem:$0x1C500] =	vst v63  }
0xfc: {  	_ =	swait.ge [sflag:s12], $0x80  }
0xfd: {  	[sflag:s12] =	ssyncset.done $0x0  }
0xfe: {  	[sflag:s12] =	ssyncadd.s32 $0xFFFFFF80  }
0xff: {  	_ =	swait.ge [sflag:s17], $0x4000  }
0x100: {  	[sflag:s17] =	ssyncset.done $0x0  }
0x101: {  	[sflag:s17] =	ssyncadd.s32 $0xFFFFC000  }
0x102: {  	[spmem:s2] =	stream.indirect.scatter.add.f32 [tilespmem:s14], [sflag:$0x3], $0x80, s16, s13, $0xb8;
	[tilespmem:$0x1C500] =	vst v63  }
0x103: {  	s31 =	sadd.s32 $0x10, s1  }
0x104: {  	[tilespmem:s18], [sflag:$0x5] =	stream.linear.gather [hbm4b:s31+s3], $0x80, $0x38;
	[tilespmem:$0x1C500] =	vst v63  }
0x105: {  	_ =	swait.ge [sflag:s12], $0x80  }
0x106: {  	[sflag:s12] =	ssyncset.done $0x0  }
0x107: {  	[sflag:s12] =	ssyncadd.s32 $0xFFFFFF80  }
0x108: {  	_ =	swait.ge [sflag:s19], $0x4000  }
0x109: {  	[sflag:s19] =	ssyncset.done $0x0  }
0x10a: {  	[sflag:s19] =	ssyncadd.s32 $0xFFFFC000  }
0x10b: {  	[spmem:s2] =	stream.indirect.scatter.add.f32 [tilespmem:s15], [sflag:$0x4], $0x80, s18, s13, $0xb8;
	[tilespmem:$0x1C500] =	vst v63  }
0x10c: {  	_ =	swait.ge [sflag:s20], $0x4000  }
0x10d: {  	[sflag:s20] =	ssyncset.done $0x0  }
0x10e: {  	[sflag:s20] =	ssyncadd.s32 $0xFFFFC000  }
0x10f: {  	[tilespmem:s14], [sflag:$0x1] =	stream.indirect.gather [hbm4b:s4+s13], $0x80, s21, s13, $0xb8;
	[tilespmem:$0x1C500] =	vst v63  }
0x110: {  	_ =	swait.ge [sflag:s22], $0x4000  }
0x111: {  	[sflag:s22] =	ssyncset.done $0x0  }
0x112: {  	[sflag:s22] =	ssyncadd.s32 $0xFFFFC000  }
0x113: {  	[tilespmem:s15], [sflag:$0x2] =	stream.indirect.gather [hbm4b:s4+s13], $0x80, s23, s13, $0xb8;
	[tilespmem:$0x1C500] =	vst v63  }
0x114: {  	s5 =	sadd.s32 $0x20, s1  }
0x115: {  	[tilespmem:s16], [sflag:$0x5] =	stream.linear.gather [hbm4b:s5+s3], $0x80, $0x38;
	[tilespmem:$0x1C500] =	vst v63  }
0x116: {  	_ =	swait.ge [sflag:s12], $0x80  }
0x117: {  	[sflag:s12] =	ssyncset.done $0x0  }
0x118: {  	[sflag:s12] =	ssyncadd.s32 $0xFFFFFF80  }
0x119: {  	_ =	swait.ge [sflag:s17], $0x4000  }
0x11a: {  	[sflag:s17] =	ssyncset.done $0x0  }
0x11b: {  	[sflag:s17] =	ssyncadd.s32 $0xFFFFC000  }
0x11c: {  	[spmem:s2] =	stream.indirect.scatter.add.f32 [tilespmem:s14], [sflag:$0x3], $0x80, s16, s13, $0xb8;
	[tilespmem:$0x1C500] =	vst v63  }
0x11d: {  	s30 =	sadd.s32 $0x30, s1  }
0x11e: {  	[tilespmem:s18], [sflag:$0x5] =	stream.linear.gather [hbm4b:s30+s3], $0x80, $0x38;
	[tilespmem:$0x1C500] =	vst v63  }
0x11f: {  	_ =	swait.ge [sflag:s12], $0x80  }
0x120: {  	[sflag:s12] =	ssyncset.done $0x0  }
0x121: {  	[sflag:s12] =	ssyncadd.s32 $0xFFFFFF80  }
0x122: {  	_ =	swait.ge [sflag:s19], $0x4000  }
0x123: {  	[sflag:s19] =	ssyncset.done $0x0  }
0x124: {  	[sflag:s19] =	ssyncadd.s32 $0xFFFFC000  }
0x125: {  	[spmem:s2] =	stream.indirect.scatter.add.f32 [tilespmem:s15], [sflag:$0x4], $0x80, s18, s13, $0xb8;
	[tilespmem:$0x1C500] =	vst v63  }
0x126: {  	_ =	swait.ge [sflag:s20], $0x4000  }
0x127: {  	[sflag:s20] =	ssyncset.done $0x0  }
0x128: {  	[sflag:s20] =	ssyncadd.s32 $0xFFFFC000  }
0x129: {  	[tilespmem:s14], [sflag:$0x1] =	stream.indirect.gather [hbm4b:s4+s13], $0x80, s24, s13, $0xb8;
	[tilespmem:$0x1C500] =	vst v63  }
0x12a: {  	_ =	swait.ge [sflag:s22], $0x4000  }
0x12b: {  	[sflag:s22] =	ssyncset.done $0x0  }
0x12c: {  	[sflag:s22] =	ssyncadd.s32 $0xFFFFC000  }
0x12d: {  	[tilespmem:s15], [sflag:$0x2] =	stream.indirect.gather [hbm4b:s4+s13], $0x80, s25, s13, $0xb8;
	[tilespmem:$0x1C500] =	vst v63  }
0x12e: {  	s31 =	sadd.s32 $0x40, s1  }
0x12f: {  	[tilespmem:s16], [sflag:$0x5] =	stream.linear.gather [hbm4b:s31+s3], $0x80, $0x38;
	[tilespmem:$0x1C500] =	vst v63  }
0x130: {  	_ =	swait.ge [sflag:s12], $0x80  }
0x131: {  	[sflag:s12] =	ssyncset.done $0x0  }
0x132: {  	[sflag:s12] =	ssyncadd.s32 $0xFFFFFF80  }
0x133: {  	_ =	swait.ge [sflag:s17], $0x4000  }
0x134: {  	[sflag:s17] =	ssyncset.done $0x0  }
0x135: {  	[sflag:s17] =	ssyncadd.s32 $0xFFFFC000  }
0x136: {  	[spmem:s2] =	stream.indirect.scatter.add.f32 [tilespmem:s14], [sflag:$0x3], $0x80, s16, s13, $0xb8;
	[tilespmem:$0x1C500] =	vst v63  }
0x137: {  	s5 =	sadd.s32 $0x50, s1  }
0x138: {  	[tilespmem:s18], [sflag:$0x5] =	stream.linear.gather [hbm4b:s5+s3], $0x80, $0x38;
	[tilespmem:$0x1C500] =	vst v63  }
0x139: {  	_ =	swait.ge [sflag:s12], $0x80  }
0x13a: {  	[sflag:s12] =	ssyncset.done $0x0  }
0x13b: {  	[sflag:s12] =	ssyncadd.s32 $0xFFFFFF80  }
0x13c: {  	_ =	swait.ge [sflag:s19], $0x4000  }
0x13d: {  	[sflag:s19] =	ssyncset.done $0x0  }
0x13e: {  	[sflag:s19] =	ssyncadd.s32 $0xFFFFC000  }
0x13f: {  	[spmem:s2] =	stream.indirect.scatter.add.f32 [tilespmem:s15], [sflag:$0x4], $0x80, s18, s13, $0xb8;
	[tilespmem:$0x1C500] =	vst v63  }
0x140: {  	_ =	swait.ge [sflag:s20], $0x4000  }
0x141: {  	[sflag:s20] =	ssyncset.done $0x0  }
0x142: {  	[sflag:s20] =	ssyncadd.s32 $0xFFFFC000  }
0x143: {  	[tilespmem:s14], [sflag:$0x1] =	stream.indirect.gather [hbm4b:s4+s13], $0x80, s26, s13, $0xb8;
	[tilespmem:$0x1C500] =	vst v63  }
0x144: {  	_ =	swait.ge [sflag:s22], $0x4000  }
0x145: {  	[sflag:s22] =	ssyncset.done $0x0  }
0x146: {  	[sflag:s22] =	ssyncadd.s32 $0xFFFFC000  }
0x147: {  	[tilespmem:s15], [sflag:$0x2] =	stream.indirect.gather [hbm4b:s4+s13], $0x80, s28, s13, $0xb8;
	[tilespmem:$0x1C500] =	vst v63  }
0x148: {  	s30 =	sadd.s32 $0x60, s1  }
0x149: {  	[tilespmem:s16], [sflag:$0x5] =	stream.linear.gather [hbm4b:s30+s3], $0x80, $0x38;
	[tilespmem:$0x1C500] =	vst v63  }
0x14a: {  	_ =	swait.ge [sflag:s12], $0x80  }
0x14b: {  	[sflag:s12] =	ssyncset.done $0x0  }
0x14c: {  	[sflag:s12] =	ssyncadd.s32 $0xFFFFFF80  }
0x14d: {  	_ =	swait.ge [sflag:s17], $0x4000  }
0x14e: {  	[sflag:s17] =	ssyncset.done $0x0  }
0x14f: {  	[sflag:s17] =	ssyncadd.s32 $0xFFFFC000  }
0x150: {  	[spmem:s2] =	stream.indirect.scatter.add.f32 [tilespmem:s14], [sflag:$0x3], $0x80, s16, s13, $0xb8;
	[tilespmem:$0x1C500] =	vst v63  }
0x151: {  	s31 =	sadd.s32 $0x70, s1  }
0x152: {  	[tilespmem:s18], [sflag:$0x5] =	stream.linear.gather [hbm4b:s31+s3], $0x80, $0x38;
	[tilespmem:$0x1C500] =	vst v63  }
0x153: {  	_ =	swait.ge [sflag:s12], $0x80  }
0x154: {  	[sflag:s12] =	ssyncset.done $0x0  }
0x155: {  	[sflag:s12] =	ssyncadd.s32 $0xFFFFFF80  }
0x156: {  	_ =	swait.ge [sflag:s19], $0x4000  }
0x157: {  	[sflag:s19] =	ssyncset.done $0x0  }
0x158: {  	[sflag:s19] =	ssyncadd.s32 $0xFFFFC000  }
0x159: {  	[spmem:s2] =	stream.indirect.scatter.add.f32 [tilespmem:s15], [sflag:$0x4], $0x80, s18, s13, $0xb8;
	[tilespmem:$0x1C500] =	vst v63  }
0x15a: {  	_ =	swait.ge [sflag:s20], $0x4000  }
0x15b: {  	[sflag:s20] =	ssyncset.done $0x0  }
0x15c: {  	[sflag:s20] =	ssyncadd.s32 $0xFFFFC000  }
0x15d: {  	_ =	swait.ge [sflag:s22], $0x4000  }
0x15e: {  	s29 =	sadd.s32 $0x1, s29;
	[sflag:s22] =	ssyncset.done $0x0  }
0x15f: {  	p0 =	sne.s32 s29, s8;
	[sflag:s22] =	ssyncadd.s32 $0xFFFFC000  }
.Ltmp1:
0x160: {  	[bflag:$0x0] =	sbarrier.arrive $0xFFFF;
	(pc) =	sbr.rel @p0 .LBB2_1-.Ltmp1, $4  }
0x161: {  	[hbm:s7], [sflag:s6] =	dma.local [spmem:s11], $0x2800  }
0x162: {  	_ =	swait.ge [sflag:s12], $0x2800  }
0x163: {  	[sflag:s12] =	ssyncset.done $0x0  }
0x164: {  	[sflag:s12] =	ssyncadd.s32 $0xFFFFD800  }
0x165: {  	_ =	sfence.sel $0x180000  }
0x166: {  	[bflag:$0x0] =	sbarrier.arrive $0xFFFF  }
0x167: {  	_ =	strace $0x9000004A  }
0x168: {  	s0 =	stileid.u32;
	[bflag:$0x2] =	sbarrier.arrive $0xFFFF  }
0x169: {  	p0 =	sne.s32 s0, $0x0;
	s0 =	rddreg [dreg:$0x2]  }
0x16a: {  	s0 =	sadd.s32 @!p0 $0x100000, s0  }
0x16b: {  	[sflag:s0] =	ssyncadd.tile.s32 @!p0 $0x1;
	_ =	shalt  }
.Lfunc_end2:
_tile_overlayer_lowered:
.L_overlay_start_2:
0x16c: {  	(tag) =	ssettag $0x2  }
0x16d: {  	s0 =	rddreg [dreg:$0x0];
	s2 =	stileid.u32  }
0x16e: {  	s1 =	rddreg [dreg:$0x1];
	p0 =	sne.s32 s2, $0x0  }
0x16f: {  	s3 =	rddreg [dreg:$0x2];
	[bflag:$0x3] =	sbarrier.arrive $0xFFFF;
	s2 =	simm.s32 @!p0 $0x1C05  }
0x170: {  	[timem:s3], [sflag:s2] =	dma.local @!p0 [hbm:s0], s1  }
0x171: {  	s0 =	simm.s32 @!p0 $0x5  }
0x172: {  	_ =	swait.ge @!p0 [sflag:s0], s1  }
0x173: {  	s1 =	ssub.s32 @!p0 $0x0, s1;
	[sflag:s0] =	ssyncset.done @!p0 $0x0  }
0x174: {  	[sflag:s0] =	ssyncadd.s32 @!p0 s1  }
0x175: {  	[bflag:$0x3] =	sbarrier.arrive $0xFFFF  }
0x176: {  	_ =	shalt  }

// kernel: kernel.14.cloned.1.call-start
scs
__scs_entry_jumppad:
0x0: {  	(pc) =	sbr.rel $0x88, $3  }
0x1: {  	(tag) =	ssettag $0x0;
	lr =	simm.s32 $0x1  }
0x2: {  	[smem:$0x3F8F] =	sst lr;
	_ =	strace $0xD0000000  }
0x3: {  	_ = 	snop  }
0x4: {  	_ = 	snop  }
0x5: {  	_ = 	snop  }
0x6: {  	_ = 	snop  }
0x7: {  	_ = 	snop  }
__scs_overlays_trampoline_lowered:
0x8: {  	[smem:$0x3F9E] =	sst s0  }
0x9: {  	[smem:$0x3F9F] =	sst s1  }
0xa: {  	[smem:$0x3FA0] =	sst s2  }
0xb: {  	[smem:$0x3FA1] =	sst s3  }
0xc: {  	[smem:$0x3FA2] =	sst s4  }
0xd: {  	[smem:$0x3FA3] =	sst s5  }
0xe: {  	[smem:$0x3FA4] =	sst s6  }
0xf: {  	[smem:$0x3FA5] =	sst s7  }
0x10: {  	[smem:$0x3FA6] =	sst s8  }
0x11: {  	[smem:$0x3FA7] =	sst s9;
	s0 =	simm.s32 @!p0 $0x0  }
0x12: {  	s1 =	sld [smem:$0x3F8D];
	s0 =	simm.s32 @p0 $0x1  }
0x13: {  	[smem:$0x3FA8] =	sst s0;
	s0 =	simm.s32 @!p1 $0x0  }
0x14: {  	s2 =	sld [smem:$0x3F8C];
	s0 =	simm.s32 @p1 $0x1  }
0x15: {  	[smem:$0x3FA9] =	sst s0;
	s0 =	simm.s32 @!p2 $0x0  }
0x16: {  	s3 =	sld [smem:$0x3FDB];
	s0 =	simm.s32 @p2 $0x1  }
0x17: {  	s4 =	simm.s32 $0x1BF5;
	[smem:$0x3FAB] =	sst s0  }
0x18: {  	s0 =	sld [smem:$0x3F8E];
	_ =	swait.ge [sflag:s4], $0x0  }
0x19: {  	s7 =	sld [smem:$0x3F8F]  }
0x1a: {  	s8 =	sadd.s32 $0xFFFFE003, lr  }
0x1b: {  	s9 =	sadd.s32 $0xFFFFFEF7, lr;
	s5 =	simm.s32 $0xFFFFFFFF;
	p2 =	slt.u32 s8, $0xFFFFF086  }
0x1c: {  	p1 =	slt.u32 s9, $0xF7A;
	s5 =	simm.s32 @!p2 $0x0  }
0x1d: {  	s5 =	simm.s32 @p1 $0x1;
	p0 =	seq.s32 s7, s2  }
0x1e: {  	s7 =	smul.u32 @!p0 $0xF7A, s2;
	p2 =	seq.s32 @!p0 s5, $0x0  }
0x1f: {  	s9 =	smul.u32 $0xF7A, s1;
	s8 =	simm.s32 @!p0 $0x1BF5;
	p2 =	por !p2, p0  }
0x20: {  	[sflag:s8] =	ssyncset.s32 @!p0 $0xFFFFF086;
	s6 =	sadd.s32 @!p0 s3, s7;
	s7 =	simm.s32 @!p0 $0x108  }
0x21: {  	s3 =	sadd.s32 s3, s9;
	s6 =	sadd.s32 @!p0 $0x88, s6;
	s7 =	simm.s32 @p2 $0x1082  }
0x22: {  	[simem:s7], [sflag:s8] =	dma.local @!p0 [hbm:s6], $0xF7A  }
0x23: {  	s9 =	sor.u32 $0xD0000000, s2;
	s6 =	simm.s32 $0x108;
	_ =	swait.ge @!p0 [sflag:s8], $0x0  }
0x24: {  	s3 =	sadd.s32 $0x88, s3;
	s6 =	simm.s32 @!p1 $0x1082;
	[sflag:s4] =	ssyncset.s32 $0xFFFFF086  }
0x25: {  	[simem:s6], [sflag:s4] =	dma.local [hbm:s3], $0xF7A  }
0x26: {  	[smem:$0x3F8F] =	sst s1;
	(tag) =	ssettag s2;
	_ =	strace s9  }
0x27: {  	s1 =	sld [smem:$0x3F9F]  }
0x28: {  	s2 =	sld [smem:$0x3FA0]  }
0x29: {  	s4 =	sld [smem:$0x3FA2]  }
0x2a: {  	p0 =	seq.s32 s5, $0x0;
	s5 =	sld [smem:$0x3FA3]  }
0x2b: {  	s6 =	sld [smem:$0x3FA4]  }
0x2c: {  	s7 =	sld [smem:$0x3FA5]  }
0x2d: {  	s3 =	simm.s32 $0x108;
	s8 =	sld [smem:$0x3FA6]  }
0x2e: {  	s3 =	simm.s32 @!p0 $0x1082;
	s9 =	sld [smem:$0x3FA7]  }
0x2f: {  	lr =	sadd.s32 s0, s3;
	s0 =	sld [smem:$0x3F9E]  }
0x30: {  	s3 =	sld [smem:$0x3FA1]  }
0x31: {  	[smem:$0x3FAA] =	sst s10  }
0x32: {  	s10 =	sld [smem:$0x3FA8];
	_ =	sdelay $0x3  }
0x33: {  	p0 =	seq.s32 s10, $0x1;
	s10 =	sld [smem:$0x3FAA];
	_ =	sdelay $0x3  }
0x34: {  	[smem:$0x3FAA] =	sst s10  }
0x35: {  	s10 =	sld [smem:$0x3FA9];
	_ =	sdelay $0x3  }
0x36: {  	p1 =	seq.s32 s10, $0x1;
	s10 =	sld [smem:$0x3FAA];
	_ =	sdelay $0x3  }
0x37: {  	[smem:$0x3FAA] =	sst s10  }
0x38: {  	s10 =	sld [smem:$0x3FAB]  }
0x39: {  	_ = 	snop;
	(pc) =	sbr.ind lr, $3  }
0x3a: {  	_ = 	snop  }
0x3b: {  	_ = 	snop  }
0x3c: {  	p2 =	seq.s32 s10, $0x1;
	s10 =	sld [smem:$0x3FAA]  }
0x3d: {  	_ =	shalt  }
0x3e: {  	_ =	shalt  }
0x3f: {  	_ =	shalt  }
0x40: {  	_ =	shalt  }
0x41: {  	_ =	shalt  }
0x42: {  	_ =	shalt  }
0x43: {  	_ =	shalt  }
0x44: {  	_ =	shalt  }
0x45: {  	_ =	shalt  }
0x46: {  	_ =	shalt  }
0x47: {  	_ =	shalt  }
0x48: {  	_ =	shalt  }
0x49: {  	_ =	shalt  }
0x4a: {  	_ =	shalt  }
0x4b: {  	_ =	shalt  }
0x4c: {  	_ =	shalt  }
0x4d: {  	_ =	shalt  }
0x4e: {  	_ =	shalt  }
0x4f: {  	_ =	shalt  }
0x50: {  	_ =	shalt  }
0x51: {  	_ =	shalt  }
0x52: {  	_ =	shalt  }
0x53: {  	_ =	shalt  }
0x54: {  	_ =	shalt  }
0x55: {  	_ =	shalt  }
0x56: {  	_ =	shalt  }
0x57: {  	_ =	shalt  }
0x58: {  	_ =	shalt  }
0x59: {  	_ =	shalt  }
0x5a: {  	_ =	shalt  }
0x5b: {  	_ =	shalt  }
0x5c: {  	_ =	shalt  }
0x5d: {  	_ =	shalt  }
0x5e: {  	_ =	shalt  }
0x5f: {  	_ =	shalt  }
0x60: {  	_ =	shalt  }
0x61: {  	_ =	shalt  }
0x62: {  	_ =	shalt  }
0x63: {  	_ =	shalt  }
0x64: {  	_ =	shalt  }
0x65: {  	_ =	shalt  }
0x66: {  	_ =	shalt  }
0x67: {  	_ =	shalt  }
0x68: {  	_ =	shalt  }
0x69: {  	_ =	shalt  }
0x6a: {  	_ =	shalt  }
0x6b: {  	_ =	shalt  }
0x6c: {  	_ =	shalt  }
0x6d: {  	_ =	shalt  }
0x6e: {  	_ =	shalt  }
0x6f: {  	_ =	shalt  }
0x70: {  	_ =	shalt  }
0x71: {  	_ =	shalt  }
0x72: {  	_ =	shalt  }
0x73: {  	_ =	shalt  }
0x74: {  	_ =	shalt  }
0x75: {  	_ =	shalt  }
0x76: {  	_ =	shalt  }
0x77: {  	_ =	shalt  }
0x78: {  	_ =	shalt  }
0x79: {  	_ =	shalt  }
0x7a: {  	_ =	shalt  }
0x7b: {  	_ =	shalt  }
0x7c: {  	_ =	shalt  }
0x7d: {  	_ =	shalt  }
0x7e: {  	_ =	shalt  }
0x7f: {  	_ =	shalt  }
0x80: {  	_ =	shalt  }
0x81: {  	_ =	shalt  }
0x82: {  	_ =	shalt  }
0x83: {  	_ =	shalt  }
0x84: {  	_ =	shalt  }
0x85: {  	_ =	shalt  }
0x86: {  	_ =	shalt  }
0x87: {  	_ =	shalt  }
.Lfunc_end0:
.L_simem_size_0:
called_computation.2_lowered:
.L_overlay_start_0:
0x88: {  	s2 =	sld [smem:$0x3FD9]  }
0x89: {  	s3 =	sld [smem:$0x3FFE];
	_ =	sdelay $0x1  }
0x8a: {  	s1 =	srdreg.scid  }
0x8b: {  	s0 =	sand.u32 $0x1, s1  }
0x8c: {  	s16 =	sshll.u32 s0, $0xA;
	s2 =	sadd.s32 s3, s2  }
0x8d: {  	s2 =	sadd.s32 s2, s16  }
0x8e: {  	[smem:$0x3FB6] =	sst s2  }
0x8f: {  	_ = 	snop  }
0x90: {  	(tm) =	ssettm $0x1  }
0x91: {  	s17 =	sld [smem:$0x3FFB];
	_ =	sdelay $0x3  }
0x92: {  	_ =	strace s17  }
0x93: {  	s2 =	sld [smem:$0x3FFC];
	_ =	sdelay $0x3  }
0x94: {  	_ =	strace s2  }
0x95: {  	s2 =	sld [smem:$0x3FFD];
	_ =	sdelay $0x3  }
0x96: {  	_ =	strace s2  }
0x97: {  	_ =	strace $0x8FFFFFFF  }
0x98: {  	s18 =	sld [smem:$0x3FDB];
	_ =	sdelay $0x1  }
0x99: {  	s19 =	simm.s32 $_scs_section_size  }
0x9a: {  	s4 =	simm.s32 $_size__tile_overlayer_lowered;
	s5 =	simm.s32 $_tile_overlayer_lowered  }
0x9b: {  	s22 =	simm.s32 $0x1BFF;
	s21 =	sshll.u32 s5, $0x1;
	s2 =	sadd.s32 s19, s18  }
0x9c: {  	s6 =	simm.s32 $0x0;
	s20 =	sshll.u32 s4, $0x1;
	s4 =	sadd.s32 s21, s2  }
0x9d: {  	[timem:s6], [sflag:s22] =	dma.local [hbm:s4], s20  }
0x9e: {  	_ =	swait.ge [sflag:s22], s20  }
0x9f: {  	s3 =	ssub.s32 $0x0, s20;
	[sflag:s22] =	ssyncset.done $0x0  }
0xa0: {  	[sflag:s22] =	ssyncadd.s32 s3;
	_ =	sdelay $0x1  }
0xa1: {  	s23 =	simm.s32 $0x1B8B  }
0xa2: {  	_ =	swait.ge [sflag:s23], $0x1  }
0xa3: {  	[sflag:s23] =	ssyncset.done $0x0  }
0xa4: {  	s25 =	simm.s32 $0x1B8E;
	s24 =	sld [smem:$0x3FFE];
	[sflag:s23] =	ssyncadd.s32 $0xFFFFFFFF  }
0xa5: {  	s26 =	simm.s32 $execute0_lowered;
	[smem:$0x3FD2] =	sst s25  }
0xa6: {  	s4 =	sshll.u32 s26, $0x1;
	_ =	strace $0x8000004C;
	[dreg:$0x1] =	wrdreg $0xFFFFFFFF  }
0xa7: {  	s28 =	simm.s32 $_size_execute0_lowered;
	s2 =	sadd.s32 s2, s4;
	[dreg:$0x0] =	wrdreg $0x0  }
0xa8: {  	s4 =	sshll.u32 s28, $0x1;
	[dreg:$0x2] =	wrdreg s2  }
0xa9: {  	[dreg:$0x3] =	wrdreg s4  }
0xaa: {  	[dreg:$0x4] =	wrdreg $0xC0  }
0xab: {  	_ =	task [dreg:s6], $0x5FFFF  }
0xac: {  	[dreg:$0x1] =	wrdreg $0xFFFFFFFF  }
0xad: {  	[dreg:$0x0] =	wrdreg $0x60  }
0xae: {  	[dreg:$0x2] =	wrdreg s24  }
0xaf: {  	[dreg:$0x3] =	wrdreg $0x85000  }
0xb0: {  	[dreg:$0x4] =	wrdreg $0x9  }
0xb1: {  	_ =	task.clear_ibuf [dreg:s6], $0x5FFFF;
	_ =	strace $0x9000004C  }
0xb2: {  	s29 =	simm.s32 $0x9;
	_ =	strace $0x8000004E  }
0xb3: {  	_ =	swait.ge [sflag:s29], $0x1  }
0xb4: {  	[sflag:s29] =	ssyncadd.s32 $0xFFFFFFFF  }
0xb5: {  	_ =	strace $0x9000004E  }
0xb6: {  	_ =	sfence  }
0xb7: {  	s30 =	sld [smem:$0x0];
	_ =	sdelay $0x2  }
0xb8: {  	s31 =	sshll.u32 s1, $0xD;
	s1 =	sshrl.u32 s1, $0x2  }
0xb9: {  	s3 =	sand.u32 $0x4000, s31;
	s1 =	sadd.s32 s1, s30  }
0xba: {  	s0 =	sor.u32 s3, s0;
	s1 =	sshll.u32 s1, $0x11  }
0xbb: {  	s0 =	sor.u32 s1, s0  }
0xbc: {  	s0 =	sadd.s32 $0x8F2B, s0  }
0xbd: {  	[sflag:s0] =	ssyncadd.remote.s32 $0x1  }
0xbe: {  	_ =	sfence.sel $0xFFFF  }
0xbf: {  	[dreg:$0x0] =	wrdreg $0xFFFFFFFF;
	(pc) =	sbr.abs _section_cstart, $3  }
0xc0: {  	[dreg:$0x1] =	wrdreg $0xFFFFFFFF  }
0xc1: {  	_ =	task.clear_ibuf [dreg:s6], $0x2FFFF;
	_ =	strace $0x9FFFFFFF  }
0xc2: {  	(tm) =	ssettm $0x7FFFFFFF  }
0xc3: {  	_ =	shalt  }
tec
execute0_lowered:
.L_overlay_start_1:
0x0: {  	(tag) =	ssettag $0x1  }
0x1: {  	s1 =	srdreg.scid  }
0x2: {  	s0 =	stileid.u32;
	s6 =	rddreg [dreg:$0x0]  }
0x3: {  	s2 =	rddreg [dreg:$0x1];
	s3 =	simm.s32 $0x0;
	s12 =	simm.s32 $0x5  }
0x4: {  	s13 =	simm.s32 $0x80;
	s14 =	simm.s32 $0x500;
	s15 =	simm.s32 $0x4500  }
0x5: {  	s16 =	simm.s32 $0x400;
	s17 =	simm.s32 $0x1;
	s18 =	simm.s32 $0x480  }
0x6: {  	s19 =	simm.s32 $0x2;
	s20 =	simm.s32 $0x3;
	s21 =	simm.s32 $0x100  }
0x7: {  	s22 =	simm.s32 $0x4;
	s23 =	simm.s32 $0x180;
	s24 =	simm.s32 $0x200  }
0x8: {  	s25 =	simm.s32 $0x280;
	s28 =	simm.s32 $0x380;
	s5 =	smul.u32 $0x2800, s0  }
0x9: {  	s29 =	simm.s32 $0x0;
	s1 =	sand.u32 $0x1, s1;
	s8 =	smul.u32 $0x50000, s0  }
0xa: {  	[smem:$0x7FF] =	sst s3;
	s4 =	smul.u32 $0x28000, s1;
	s1 =	ssub.s32 $0x2, s1  }
0xb: {  	s30 =	sshll.u32 s0, $0x6;
	_ =	strace $0x8000004D;
	s26 =	sshrl.u32 s1, $0x1  }
0xc: {  	s8 =	sshrl.u32 s8, $0x2;
	s7 =	sadd.s32 s5, s4;
	s5 =	sadd.s32 s5, s6  }
0xd: {  	s1 =	ssub.s32 s1, s26;
	s11 =	sadd.s32 s8, s2;
	s26 =	simm.s32 $0x300  }
0xe: {  	s4 =	sshrl.u32 s7, $0x3;
	s7 =	sadd.s32 s7, s6;
	s31 =	sadd.s32 $0x18E00, s5  }
0xf: {  	s8 =	smax.u32 s1, $0x1;
	s11 =	sshrl.u32 s11, $0x3;
	s10 =	sadd.s32 s4, s6  }
0x10: {  	s4 =	sadd.s32 $0x90E00, s6;
	[dreg:$0x3] =	wrdreg s31;
	s6 =	sor.u32 $0x1C05, s30  }
0x11: {  	s7 =	sadd.s32 $0xB8E00, s7;
	s9 =	sadd.s32 $0x4E00, s10;
	s10 =	sadd.s32 $0xEE00, s10  }
.LBB2_1:
0x12: {  	s0 =	rddreg [dreg:$0x3]  }
0x13: {  	[spmem:s11], [sflag:s6] =	dma.local [hbm:s0], $0x2800  }
0x14: {  	_ =	swait.ge [sflag:s12], $0x2800  }
0x15: {  	[sflag:s12] =	ssyncset.done $0x0  }
0x16: {  	[sflag:s12] =	ssyncadd.s32 $0xFFFFD800  }
0x17: {  	s1 =	sadd.s32 $0x0, s10;
	[bflag:$0x0] =	sbarrier.arrive $0xFFFF  }
0x18: {  	[tilespmem:s3], [sflag:$0x5] =	stream.linear.gather [hbm4b:s1+s3], $0x400, $0x38;
	[tilespmem:$0x1C500] =	vst v63  }
0x19: {  	_ =	swait.ge [sflag:s12], $0x400  }
0x1a: {  	[sflag:s12] =	ssyncset.done $0x0  }
0x1b: {  	[sflag:s12] =	ssyncadd.s32 $0xFFFFFC00  }
0x1c: {  	[tilespmem:s14], [sflag:$0x1] =	stream.indirect.gather [hbm4b:s4+s13], $0x80, s3, s13, $0xb8;
	[tilespmem:$0x1C500] =	vst v63  }
0x1d: {  	_ = 	snop  }
0x1e: {  	[tilespmem:s15], [sflag:$0x2] =	stream.indirect.gather [hbm4b:s4+s13], $0x80, s13, s13, $0xb8;
	[tilespmem:$0x1C500] =	vst v63  }
0x1f: {  	s31 =	sadd.s32 $0x0, s9  }
0x20: {  	[tilespmem:s16], [sflag:$0x5] =	stream.linear.gather [hbm4b:s31+s3], $0x80, $0x38;
	[tilespmem:$0x1C500] =	vst v63  }
0x21: {  	_ =	swait.ge [sflag:s12], $0x80  }
0x22: {  	[sflag:s12] =	ssyncset.done $0x0  }
0x23: {  	[sflag:s12] =	ssyncadd.s32 $0xFFFFFF80  }
0x24: {  	_ =	swait.ge [sflag:s17], $0x4000  }
0x25: {  	[sflag:s17] =	ssyncset.done $0x0  }
0x26: {  	[sflag:s17] =	ssyncadd.s32 $0xFFFFC000  }
0x27: {  	[spmem:s2] =	stream.indirect.scatter.add.f32 [tilespmem:s14], [sflag:$0x3], $0x80, s16, s13, $0xb8;
	[tilespmem:$0x1C500] =	vst v63  }
0x28: {  	s30 =	sadd.s32 $0x10, s31  }
0x29: {  	[tilespmem:s18], [sflag:$0x5] =	stream.linear.gather [hbm4b:s30+s3], $0x80, $0x38;
	[tilespmem:$0x1C500] =	vst v63  }
0x2a: {  	_ =	swait.ge [sflag:s12], $0x80  }
0x2b: {  	[sflag:s12] =	ssyncset.done $0x0  }
0x2c: {  	[sflag:s12] =	ssyncadd.s32 $0xFFFFFF80  }
0x2d: {  	_ =	swait.ge [sflag:s19], $0x4000  }
0x2e: {  	[sflag:s19] =	ssyncset.done $0x0  }
0x2f: {  	[sflag:s19] =	ssyncadd.s32 $0xFFFFC000  }
0x30: {  	[spmem:s2] =	stream.indirect.scatter.add.f32 [tilespmem:s15], [sflag:$0x4], $0x80, s18, s13, $0xb8;
	[tilespmem:$0x1C500] =	vst v63  }
0x31: {  	_ =	swait.ge [sflag:s20], $0x4000  }
0x32: {  	[sflag:s20] =	ssyncset.done $0x0  }
0x33: {  	[sflag:s20] =	ssyncadd.s32 $0xFFFFC000  }
0x34: {  	[tilespmem:s14], [sflag:$0x1] =	stream.indirect.gather [hbm4b:s4+s13], $0x80, s21, s13, $0xb8;
	[tilespmem:$0x1C500] =	vst v63  }
0x35: {  	_ =	swait.ge [sflag:s22], $0x4000  }
0x36: {  	[sflag:s22] =	ssyncset.done $0x0  }
0x37: {  	[sflag:s22] =	ssyncadd.s32 $0xFFFFC000  }
0x38: {  	[tilespmem:s15], [sflag:$0x2] =	stream.indirect.gather [hbm4b:s4+s13], $0x80, s23, s13, $0xb8;
	[tilespmem:$0x1C500] =	vst v63  }
0x39: {  	s30 =	sadd.s32 $0x20, s31  }
0x3a: {  	[tilespmem:s16], [sflag:$0x5] =	stream.linear.gather [hbm4b:s30+s3], $0x80, $0x38;
	[tilespmem:$0x1C500] =	vst v63  }
0x3b: {  	_ =	swait.ge [sflag:s12], $0x80  }
0x3c: {  	[sflag:s12] =	ssyncset.done $0x0  }
0x3d: {  	[sflag:s12] =	ssyncadd.s32 $0xFFFFFF80  }
0x3e: {  	_ =	swait.ge [sflag:s17], $0x4000  }
0x3f: {  	[sflag:s17] =	ssyncset.done $0x0  }
0x40: {  	[sflag:s17] =	ssyncadd.s32 $0xFFFFC000  }
0x41: {  	[spmem:s2] =	stream.indirect.scatter.add.f32 [tilespmem:s14], [sflag:$0x3], $0x80, s16, s13, $0xb8;
	[tilespmem:$0x1C500] =	vst v63  }
0x42: {  	s30 =	sadd.s32 $0x30, s31  }
0x43: {  	[tilespmem:s18], [sflag:$0x5] =	stream.linear.gather [hbm4b:s30+s3], $0x80, $0x38;
	[tilespmem:$0x1C500] =	vst v63  }
0x44: {  	_ =	swait.ge [sflag:s12], $0x80  }
0x45: {  	[sflag:s12] =	ssyncset.done $0x0  }
0x46: {  	[sflag:s12] =	ssyncadd.s32 $0xFFFFFF80  }
0x47: {  	_ =	swait.ge [sflag:s19], $0x4000  }
0x48: {  	[sflag:s19] =	ssyncset.done $0x0  }
0x49: {  	[sflag:s19] =	ssyncadd.s32 $0xFFFFC000  }
0x4a: {  	[spmem:s2] =	stream.indirect.scatter.add.f32 [tilespmem:s15], [sflag:$0x4], $0x80, s18, s13, $0xb8;
	[tilespmem:$0x1C500] =	vst v63  }
0x4b: {  	_ =	swait.ge [sflag:s20], $0x4000  }
0x4c: {  	[sflag:s20] =	ssyncset.done $0x0  }
0x4d: {  	[sflag:s20] =	ssyncadd.s32 $0xFFFFC000  }
0x4e: {  	[tilespmem:s14], [sflag:$0x1] =	stream.indirect.gather [hbm4b:s4+s13], $0x80, s24, s13, $0xb8;
	[tilespmem:$0x1C500] =	vst v63  }
0x4f: {  	_ =	swait.ge [sflag:s22], $0x4000  }
0x50: {  	[sflag:s22] =	ssyncset.done $0x0  }
0x51: {  	[sflag:s22] =	ssyncadd.s32 $0xFFFFC000  }
0x52: {  	[tilespmem:s15], [sflag:$0x2] =	stream.indirect.gather [hbm4b:s4+s13], $0x80, s25, s13, $0xb8;
	[tilespmem:$0x1C500] =	vst v63  }
0x53: {  	s30 =	sadd.s32 $0x40, s31  }
0x54: {  	[tilespmem:s16], [sflag:$0x5] =	stream.linear.gather [hbm4b:s30+s3], $0x80, $0x38;
	[tilespmem:$0x1C500] =	vst v63  }
0x55: {  	_ =	swait.ge [sflag:s12], $0x80  }
0x56: {  	[sflag:s12] =	ssyncset.done $0x0  }
0x57: {  	[sflag:s12] =	ssyncadd.s32 $0xFFFFFF80  }
0x58: {  	_ =	swait.ge [sflag:s17], $0x4000  }
0x59: {  	[sflag:s17] =	ssyncset.done $0x0  }
0x5a: {  	[sflag:s17] =	ssyncadd.s32 $0xFFFFC000  }
0x5b: {  	[spmem:s2] =	stream.indirect.scatter.add.f32 [tilespmem:s14], [sflag:$0x3], $0x80, s16, s13, $0xb8;
	[tilespmem:$0x1C500] =	vst v63  }
0x5c: {  	s30 =	sadd.s32 $0x50, s31  }
0x5d: {  	[tilespmem:s18], [sflag:$0x5] =	stream.linear.gather [hbm4b:s30+s3], $0x80, $0x38;
	[tilespmem:$0x1C500] =	vst v63  }
0x5e: {  	_ =	swait.ge [sflag:s12], $0x80  }
0x5f: {  	[sflag:s12] =	ssyncset.done $0x0  }
0x60: {  	[sflag:s12] =	ssyncadd.s32 $0xFFFFFF80  }
0x61: {  	_ =	swait.ge [sflag:s19], $0x4000  }
0x62: {  	[sflag:s19] =	ssyncset.done $0x0  }
0x63: {  	[sflag:s19] =	ssyncadd.s32 $0xFFFFC000  }
0x64: {  	[spmem:s2] =	stream.indirect.scatter.add.f32 [tilespmem:s15], [sflag:$0x4], $0x80, s18, s13, $0xb8;
	[tilespmem:$0x1C500] =	vst v63  }
0x65: {  	_ =	swait.ge [sflag:s20], $0x4000  }
0x66: {  	[sflag:s20] =	ssyncset.done $0x0  }
0x67: {  	[sflag:s20] =	ssyncadd.s32 $0xFFFFC000  }
0x68: {  	[tilespmem:s14], [sflag:$0x1] =	stream.indirect.gather [hbm4b:s4+s13], $0x80, s26, s13, $0xb8;
	[tilespmem:$0x1C500] =	vst v63  }
0x69: {  	_ =	swait.ge [sflag:s22], $0x4000  }
0x6a: {  	[sflag:s22] =	ssyncset.done $0x0  }
0x6b: {  	[sflag:s22] =	ssyncadd.s32 $0xFFFFC000  }
0x6c: {  	[tilespmem:s15], [sflag:$0x2] =	stream.indirect.gather [hbm4b:s4+s13], $0x80, s28, s13, $0xb8;
	[tilespmem:$0x1C500] =	vst v63  }
0x6d: {  	s30 =	sadd.s32 $0x60, s31  }
0x6e: {  	[tilespmem:s16], [sflag:$0x5] =	stream.linear.gather [hbm4b:s30+s3], $0x80, $0x38;
	[tilespmem:$0x1C500] =	vst v63  }
0x6f: {  	_ =	swait.ge [sflag:s12], $0x80  }
0x70: {  	[sflag:s12] =	ssyncset.done $0x0  }
0x71: {  	[sflag:s12] =	ssyncadd.s32 $0xFFFFFF80  }
0x72: {  	_ =	swait.ge [sflag:s17], $0x4000  }
0x73: {  	[sflag:s17] =	ssyncset.done $0x0  }
0x74: {  	[sflag:s17] =	ssyncadd.s32 $0xFFFFC000  }
0x75: {  	[spmem:s2] =	stream.indirect.scatter.add.f32 [tilespmem:s14], [sflag:$0x3], $0x80, s16, s13, $0xb8;
	[tilespmem:$0x1C500] =	vst v63  }
0x76: {  	s1 =	sadd.s32 $0x70, s31  }
0x77: {  	[tilespmem:s18], [sflag:$0x5] =	stream.linear.gather [hbm4b:s1+s3], $0x80, $0x38;
	[tilespmem:$0x1C500] =	vst v63  }
0x78: {  	_ =	swait.ge [sflag:s12], $0x80  }
0x79: {  	[sflag:s12] =	ssyncset.done $0x0  }
0x7a: {  	[sflag:s12] =	ssyncadd.s32 $0xFFFFFF80  }
0x7b: {  	_ =	swait.ge [sflag:s19], $0x4000  }
0x7c: {  	[sflag:s19] =	ssyncset.done $0x0  }
0x7d: {  	[sflag:s19] =	ssyncadd.s32 $0xFFFFC000  }
0x7e: {  	[spmem:s2] =	stream.indirect.scatter.add.f32 [tilespmem:s15], [sflag:$0x4], $0x80, s18, s13, $0xb8;
	[tilespmem:$0x1C500] =	vst v63  }
0x7f: {  	_ =	swait.ge [sflag:s20], $0x4000  }
0x80: {  	[sflag:s20] =	ssyncset.done $0x0  }
0x81: {  	[sflag:s20] =	ssyncadd.s32 $0xFFFFC000  }
0x82: {  	_ =	swait.ge [sflag:s22], $0x4000  }
0x83: {  	s30 =	simm.s32 $0x80;
	s1 =	simm.s32 $0x100;
	[sflag:s22] =	ssyncset.done $0x0  }
.LBB2_2:
0x84: {  	s0 =	sadd.s32 s30, s10  }
0x85: {  	[sflag:s22] =	ssyncadd.s32 $0xFFFFC000;
	s5 =	smov.u32 s1;
	s31 =	sadd.s32 $0x80, s1  }
0x86: {  	[tilespmem:s3], [sflag:$0x5] =	stream.linear.gather [hbm4b:s0+s3], $0x400, $0x38;
	[tilespmem:$0x1C500] =	vst v63  }
0x87: {  	p0 =	sne.s32 s1, $0x480;
	_ =	swait.ge [sflag:s12], $0x400  }
0x88: {  	[sflag:s12] =	ssyncset.done $0x0  }
0x89: {  	[sflag:s12] =	ssyncadd.s32 $0xFFFFFC00  }
0x8a: {  	[tilespmem:s14], [sflag:$0x1] =	stream.indirect.gather [hbm4b:s4+s13], $0x80, s3, s13, $0xb8;
	[tilespmem:$0x1C500] =	vst v63  }
0x8b: {  	_ = 	snop  }
0x8c: {  	[tilespmem:s15], [sflag:$0x2] =	stream.indirect.gather [hbm4b:s4+s13], $0x80, s13, s13, $0xb8;
	[tilespmem:$0x1C500] =	vst v63  }
0x8d: {  	s1 =	sadd.s32 s30, s9;
	s30 =	smov.u32 s5  }
0x8e: {  	[tilespmem:s16], [sflag:$0x5] =	stream.linear.gather [hbm4b:s1+s3], $0x80, $0x38;
	[tilespmem:$0x1C500] =	vst v63  }
0x8f: {  	_ =	swait.ge [sflag:s12], $0x80  }
0x90: {  	[sflag:s12] =	ssyncset.done $0x0  }
0x91: {  	[sflag:s12] =	ssyncadd.s32 $0xFFFFFF80  }
0x92: {  	_ =	swait.ge [sflag:s17], $0x4000  }
0x93: {  	[sflag:s17] =	ssyncset.done $0x0  }
0x94: {  	[sflag:s17] =	ssyncadd.s32 $0xFFFFC000  }
0x95: {  	[spmem:s2] =	stream.indirect.scatter.add.f32 [tilespmem:s14], [sflag:$0x3], $0x80, s16, s13, $0xb8;
	[tilespmem:$0x1C500] =	vst v63  }
0x96: {  	s0 =	sadd.s32 $0x10, s1  }
0x97: {  	[tilespmem:s18], [sflag:$0x5] =	stream.linear.gather [hbm4b:s0+s3], $0x80, $0x38;
	[tilespmem:$0x1C500] =	vst v63  }
0x98: {  	_ =	swait.ge [sflag:s12], $0x80  }
0x99: {  	[sflag:s12] =	ssyncset.done $0x0  }
0x9a: {  	[sflag:s12] =	ssyncadd.s32 $0xFFFFFF80  }
0x9b: {  	_ =	swait.ge [sflag:s19], $0x4000  }
0x9c: {  	[sflag:s19] =	ssyncset.done $0x0  }
0x9d: {  	[sflag:s19] =	ssyncadd.s32 $0xFFFFC000  }
0x9e: {  	[spmem:s2] =	stream.indirect.scatter.add.f32 [tilespmem:s15], [sflag:$0x4], $0x80, s18, s13, $0xb8;
	[tilespmem:$0x1C500] =	vst v63  }
0x9f: {  	_ =	swait.ge [sflag:s20], $0x4000  }
0xa0: {  	[sflag:s20] =	ssyncset.done $0x0  }
0xa1: {  	[sflag:s20] =	ssyncadd.s32 $0xFFFFC000  }
0xa2: {  	[tilespmem:s14], [sflag:$0x1] =	stream.indirect.gather [hbm4b:s4+s13], $0x80, s21, s13, $0xb8;
	[tilespmem:$0x1C500] =	vst v63  }
0xa3: {  	_ =	swait.ge [sflag:s22], $0x4000  }
0xa4: {  	[sflag:s22] =	ssyncset.done $0x0  }
0xa5: {  	[sflag:s22] =	ssyncadd.s32 $0xFFFFC000  }
0xa6: {  	[tilespmem:s15], [sflag:$0x2] =	stream.indirect.gather [hbm4b:s4+s13], $0x80, s23, s13, $0xb8;
	[tilespmem:$0x1C500] =	vst v63  }
0xa7: {  	s0 =	sadd.s32 $0x20, s1  }
0xa8: {  	[tilespmem:s16], [sflag:$0x5] =	stream.linear.gather [hbm4b:s0+s3], $0x80, $0x38;
	[tilespmem:$0x1C500] =	vst v63  }
0xa9: {  	_ =	swait.ge [sflag:s12], $0x80  }
0xaa: {  	[sflag:s12] =	ssyncset.done $0x0  }
0xab: {  	[sflag:s12] =	ssyncadd.s32 $0xFFFFFF80  }
0xac: {  	_ =	swait.ge [sflag:s17], $0x4000  }
0xad: {  	[sflag:s17] =	ssyncset.done $0x0  }
0xae: {  	[sflag:s17] =	ssyncadd.s32 $0xFFFFC000  }
0xaf: {  	[spmem:s2] =	stream.indirect.scatter.add.f32 [tilespmem:s14], [sflag:$0x3], $0x80, s16, s13, $0xb8;
	[tilespmem:$0x1C500] =	vst v63  }
0xb0: {  	s0 =	sadd.s32 $0x30, s1  }
0xb1: {  	[tilespmem:s18], [sflag:$0x5] =	stream.linear.gather [hbm4b:s0+s3], $0x80, $0x38;
	[tilespmem:$0x1C500] =	vst v63  }
0xb2: {  	_ =	swait.ge [sflag:s12], $0x80  }
0xb3: {  	[sflag:s12] =	ssyncset.done $0x0  }
0xb4: {  	[sflag:s12] =	ssyncadd.s32 $0xFFFFFF80  }
0xb5: {  	_ =	swait.ge [sflag:s19], $0x4000  }
0xb6: {  	[sflag:s19] =	ssyncset.done $0x0  }
0xb7: {  	[sflag:s19] =	ssyncadd.s32 $0xFFFFC000  }
0xb8: {  	[spmem:s2] =	stream.indirect.scatter.add.f32 [tilespmem:s15], [sflag:$0x4], $0x80, s18, s13, $0xb8;
	[tilespmem:$0x1C500] =	vst v63  }
0xb9: {  	_ =	swait.ge [sflag:s20], $0x4000  }
0xba: {  	[sflag:s20] =	ssyncset.done $0x0  }
0xbb: {  	[sflag:s20] =	ssyncadd.s32 $0xFFFFC000  }
0xbc: {  	[tilespmem:s14], [sflag:$0x1] =	stream.indirect.gather [hbm4b:s4+s13], $0x80, s24, s13, $0xb8;
	[tilespmem:$0x1C500] =	vst v63  }
0xbd: {  	_ =	swait.ge [sflag:s22], $0x4000  }
0xbe: {  	[sflag:s22] =	ssyncset.done $0x0  }
0xbf: {  	[sflag:s22] =	ssyncadd.s32 $0xFFFFC000  }
0xc0: {  	[tilespmem:s15], [sflag:$0x2] =	stream.indirect.gather [hbm4b:s4+s13], $0x80, s25, s13, $0xb8;
	[tilespmem:$0x1C500] =	vst v63  }
0xc1: {  	s0 =	sadd.s32 $0x40, s1  }
0xc2: {  	[tilespmem:s16], [sflag:$0x5] =	stream.linear.gather [hbm4b:s0+s3], $0x80, $0x38;
	[tilespmem:$0x1C500] =	vst v63  }
0xc3: {  	_ =	swait.ge [sflag:s12], $0x80  }
0xc4: {  	[sflag:s12] =	ssyncset.done $0x0  }
0xc5: {  	[sflag:s12] =	ssyncadd.s32 $0xFFFFFF80  }
0xc6: {  	_ =	swait.ge [sflag:s17], $0x4000  }
0xc7: {  	[sflag:s17] =	ssyncset.done $0x0  }
0xc8: {  	[sflag:s17] =	ssyncadd.s32 $0xFFFFC000  }
0xc9: {  	[spmem:s2] =	stream.indirect.scatter.add.f32 [tilespmem:s14], [sflag:$0x3], $0x80, s16, s13, $0xb8;
	[tilespmem:$0x1C500] =	vst v63  }
0xca: {  	s0 =	sadd.s32 $0x50, s1  }
0xcb: {  	[tilespmem:s18], [sflag:$0x5] =	stream.linear.gather [hbm4b:s0+s3], $0x80, $0x38;
	[tilespmem:$0x1C500] =	vst v63  }
0xcc: {  	_ =	swait.ge [sflag:s12], $0x80  }
0xcd: {  	[sflag:s12] =	ssyncset.done $0x0  }
0xce: {  	[sflag:s12] =	ssyncadd.s32 $0xFFFFFF80  }
0xcf: {  	_ =	swait.ge [sflag:s19], $0x4000  }
0xd0: {  	[sflag:s19] =	ssyncset.done $0x0  }
0xd1: {  	[sflag:s19] =	ssyncadd.s32 $0xFFFFC000  }
0xd2: {  	[spmem:s2] =	stream.indirect.scatter.add.f32 [tilespmem:s15], [sflag:$0x4], $0x80, s18, s13, $0xb8;
	[tilespmem:$0x1C500] =	vst v63  }
0xd3: {  	_ =	swait.ge [sflag:s20], $0x4000  }
0xd4: {  	[sflag:s20] =	ssyncset.done $0x0  }
0xd5: {  	[sflag:s20] =	ssyncadd.s32 $0xFFFFC000  }
0xd6: {  	[tilespmem:s14], [sflag:$0x1] =	stream.indirect.gather [hbm4b:s4+s13], $0x80, s26, s13, $0xb8;
	[tilespmem:$0x1C500] =	vst v63  }
0xd7: {  	_ =	swait.ge [sflag:s22], $0x4000  }
0xd8: {  	[sflag:s22] =	ssyncset.done $0x0  }
0xd9: {  	[sflag:s22] =	ssyncadd.s32 $0xFFFFC000  }
0xda: {  	[tilespmem:s15], [sflag:$0x2] =	stream.indirect.gather [hbm4b:s4+s13], $0x80, s28, s13, $0xb8;
	[tilespmem:$0x1C500] =	vst v63  }
0xdb: {  	s0 =	sadd.s32 $0x60, s1  }
0xdc: {  	[tilespmem:s16], [sflag:$0x5] =	stream.linear.gather [hbm4b:s0+s3], $0x80, $0x38;
	[tilespmem:$0x1C500] =	vst v63  }
0xdd: {  	_ =	swait.ge [sflag:s12], $0x80  }
0xde: {  	[sflag:s12] =	ssyncset.done $0x0  }
0xdf: {  	[sflag:s12] =	ssyncadd.s32 $0xFFFFFF80  }
0xe0: {  	_ =	swait.ge [sflag:s17], $0x4000  }
0xe1: {  	[sflag:s17] =	ssyncset.done $0x0  }
0xe2: {  	[sflag:s17] =	ssyncadd.s32 $0xFFFFC000  }
0xe3: {  	[spmem:s2] =	stream.indirect.scatter.add.f32 [tilespmem:s14], [sflag:$0x3], $0x80, s16, s13, $0xb8;
	[tilespmem:$0x1C500] =	vst v63  }
0xe4: {  	s0 =	sadd.s32 $0x70, s1  }
0xe5: {  	[tilespmem:s18], [sflag:$0x5] =	stream.linear.gather [hbm4b:s0+s3], $0x80, $0x38;
	[tilespmem:$0x1C500] =	vst v63  }
0xe6: {  	_ =	swait.ge [sflag:s12], $0x80  }
0xe7: {  	[sflag:s12] =	ssyncset.done $0x0  }
0xe8: {  	[sflag:s12] =	ssyncadd.s32 $0xFFFFFF80  }
0xe9: {  	_ =	swait.ge [sflag:s19], $0x4000  }
0xea: {  	[sflag:s19] =	ssyncset.done $0x0  }
0xeb: {  	[sflag:s19] =	ssyncadd.s32 $0xFFFFC000  }
0xec: {  	[spmem:s2] =	stream.indirect.scatter.add.f32 [tilespmem:s15], [sflag:$0x4], $0x80, s18, s13, $0xb8;
	[tilespmem:$0x1C500] =	vst v63  }
.Ltmp0:
0xed: {  	_ =	swait.ge [sflag:s20], $0x4000;
	(pc) =	sbr.rel @p0 .LBB2_2-.Ltmp0, $4  }
0xee: {  	[sflag:s20] =	ssyncset.done $0x0  }
0xef: {  	[sflag:s20] =	ssyncadd.s32 $0xFFFFC000  }
0xf0: {  	_ =	swait.ge [sflag:s22], $0x4000  }
0xf1: {  	s1 =	smov.u32 s31;
	[sflag:s22] =	ssyncset.done $0x0  }
0xf2: {  	s0 =	sadd.s32 s30, s10;
	[sflag:s22] =	ssyncadd.s32 $0xFFFFC000  }
0xf3: {  	[tilespmem:s3], [sflag:$0x5] =	stream.linear.gather [hbm4b:s0+s3], $0x400, $0x38;
	[tilespmem:$0x1C500] =	vst v63  }
0xf4: {  	_ =	swait.ge [sflag:s12], $0x400  }
0xf5: {  	[sflag:s12] =	ssyncset.done $0x0  }
0xf6: {  	[sflag:s12] =	ssyncadd.s32 $0xFFFFFC00  }
0xf7: {  	[tilespmem:s14], [sflag:$0x1] =	stream.indirect.gather [hbm4b:s4+s13], $0x80, s3, s13, $0xb8;
	[tilespmem:$0x1C500] =	vst v63  }
0xf8: {  	_ = 	snop  }
0xf9: {  	[tilespmem:s15], [sflag:$0x2] =	stream.indirect.gather [hbm4b:s4+s13], $0x80, s13, s13, $0xb8;
	[tilespmem:$0x1C500] =	vst v63  }
0xfa: {  	s1 =	sadd.s32 s30, s9  }
0xfb: {  	[tilespmem:s16], [sflag:$0x5] =	stream.linear.gather [hbm4b:s1+s3], $0x80, $0x38;
	[tilespmem:$0x1C500] =	vst v63  }
0xfc: {  	_ =	swait.ge [sflag:s12], $0x80  }
0xfd: {  	[sflag:s12] =	ssyncset.done $0x0  }
0xfe: {  	[sflag:s12] =	ssyncadd.s32 $0xFFFFFF80  }
0xff: {  	_ =	swait.ge [sflag:s17], $0x4000  }
0x100: {  	[sflag:s17] =	ssyncset.done $0x0  }
0x101: {  	[sflag:s17] =	ssyncadd.s32 $0xFFFFC000  }
0x102: {  	[spmem:s2] =	stream.indirect.scatter.add.f32 [tilespmem:s14], [sflag:$0x3], $0x80, s16, s13, $0xb8;
	[tilespmem:$0x1C500] =	vst v63  }
0x103: {  	s31 =	sadd.s32 $0x10, s1  }
0x104: {  	[tilespmem:s18], [sflag:$0x5] =	stream.linear.gather [hbm4b:s31+s3], $0x80, $0x38;
	[tilespmem:$0x1C500] =	vst v63  }
0x105: {  	_ =	swait.ge [sflag:s12], $0x80  }
0x106: {  	[sflag:s12] =	ssyncset.done $0x0  }
0x107: {  	[sflag:s12] =	ssyncadd.s32 $0xFFFFFF80  }
0x108: {  	_ =	swait.ge [sflag:s19], $0x4000  }
0x109: {  	[sflag:s19] =	ssyncset.done $0x0  }
0x10a: {  	[sflag:s19] =	ssyncadd.s32 $0xFFFFC000  }
0x10b: {  	[spmem:s2] =	stream.indirect.scatter.add.f32 [tilespmem:s15], [sflag:$0x4], $0x80, s18, s13, $0xb8;
	[tilespmem:$0x1C500] =	vst v63  }
0x10c: {  	_ =	swait.ge [sflag:s20], $0x4000  }
0x10d: {  	[sflag:s20] =	ssyncset.done $0x0  }
0x10e: {  	[sflag:s20] =	ssyncadd.s32 $0xFFFFC000  }
0x10f: {  	[tilespmem:s14], [sflag:$0x1] =	stream.indirect.gather [hbm4b:s4+s13], $0x80, s21, s13, $0xb8;
	[tilespmem:$0x1C500] =	vst v63  }
0x110: {  	_ =	swait.ge [sflag:s22], $0x4000  }
0x111: {  	[sflag:s22] =	ssyncset.done $0x0  }
0x112: {  	[sflag:s22] =	ssyncadd.s32 $0xFFFFC000  }
0x113: {  	[tilespmem:s15], [sflag:$0x2] =	stream.indirect.gather [hbm4b:s4+s13], $0x80, s23, s13, $0xb8;
	[tilespmem:$0x1C500] =	vst v63  }
0x114: {  	s5 =	sadd.s32 $0x20, s1  }
0x115: {  	[tilespmem:s16], [sflag:$0x5] =	stream.linear.gather [hbm4b:s5+s3], $0x80, $0x38;
	[tilespmem:$0x1C500] =	vst v63  }
0x116: {  	_ =	swait.ge [sflag:s12], $0x80  }
0x117: {  	[sflag:s12] =	ssyncset.done $0x0  }
0x118: {  	[sflag:s12] =	ssyncadd.s32 $0xFFFFFF80  }
0x119: {  	_ =	swait.ge [sflag:s17], $0x4000  }
0x11a: {  	[sflag:s17] =	ssyncset.done $0x0  }
0x11b: {  	[sflag:s17] =	ssyncadd.s32 $0xFFFFC000  }
0x11c: {  	[spmem:s2] =	stream.indirect.scatter.add.f32 [tilespmem:s14], [sflag:$0x3], $0x80, s16, s13, $0xb8;
	[tilespmem:$0x1C500] =	vst v63  }
0x11d: {  	s30 =	sadd.s32 $0x30, s1  }
0x11e: {  	[tilespmem:s18], [sflag:$0x5] =	stream.linear.gather [hbm4b:s30+s3], $0x80, $0x38;
	[tilespmem:$0x1C500] =	vst v63  }
0x11f: {  	_ =	swait.ge [sflag:s12], $0x80  }
0x120: {  	[sflag:s12] =	ssyncset.done $0x0  }
0x121: {  	[sflag:s12] =	ssyncadd.s32 $0xFFFFFF80  }
0x122: {  	_ =	swait.ge [sflag:s19], $0x4000  }
0x123: {  	[sflag:s19] =	ssyncset.done $0x0  }
0x124: {  	[sflag:s19] =	ssyncadd.s32 $0xFFFFC000  }
0x125: {  	[spmem:s2] =	stream.indirect.scatter.add.f32 [tilespmem:s15], [sflag:$0x4], $0x80, s18, s13, $0xb8;
	[tilespmem:$0x1C500] =	vst v63  }
0x126: {  	_ =	swait.ge [sflag:s20], $0x4000  }
0x127: {  	[sflag:s20] =	ssyncset.done $0x0  }
0x128: {  	[sflag:s20] =	ssyncadd.s32 $0xFFFFC000  }
0x129: {  	[tilespmem:s14], [sflag:$0x1] =	stream.indirect.gather [hbm4b:s4+s13], $0x80, s24, s13, $0xb8;
	[tilespmem:$0x1C500] =	vst v63  }
0x12a: {  	_ =	swait.ge [sflag:s22], $0x4000  }
0x12b: {  	[sflag:s22] =	ssyncset.done $0x0  }
0x12c: {  	[sflag:s22] =	ssyncadd.s32 $0xFFFFC000  }
0x12d: {  	[tilespmem:s15], [sflag:$0x2] =	stream.indirect.gather [hbm4b:s4+s13], $0x80, s25, s13, $0xb8;
	[tilespmem:$0x1C500] =	vst v63  }
0x12e: {  	s31 =	sadd.s32 $0x40, s1  }
0x12f: {  	[tilespmem:s16], [sflag:$0x5] =	stream.linear.gather [hbm4b:s31+s3], $0x80, $0x38;
	[tilespmem:$0x1C500] =	vst v63  }
0x130: {  	_ =	swait.ge [sflag:s12], $0x80  }
0x131: {  	[sflag:s12] =	ssyncset.done $0x0  }
0x132: {  	[sflag:s12] =	ssyncadd.s32 $0xFFFFFF80  }
0x133: {  	_ =	swait.ge [sflag:s17], $0x4000  }
0x134: {  	[sflag:s17] =	ssyncset.done $0x0  }
0x135: {  	[sflag:s17] =	ssyncadd.s32 $0xFFFFC000  }
0x136: {  	[spmem:s2] =	stream.indirect.scatter.add.f32 [tilespmem:s14], [sflag:$0x3], $0x80, s16, s13, $0xb8;
	[tilespmem:$0x1C500] =	vst v63  }
0x137: {  	s5 =	sadd.s32 $0x50, s1  }
0x138: {  	[tilespmem:s18], [sflag:$0x5] =	stream.linear.gather [hbm4b:s5+s3], $0x80, $0x38;
	[tilespmem:$0x1C500] =	vst v63  }
0x139: {  	_ =	swait.ge [sflag:s12], $0x80  }
0x13a: {  	[sflag:s12] =	ssyncset.done $0x0  }
0x13b: {  	[sflag:s12] =	ssyncadd.s32 $0xFFFFFF80  }
0x13c: {  	_ =	swait.ge [sflag:s19], $0x4000  }
0x13d: {  	[sflag:s19] =	ssyncset.done $0x0  }
0x13e: {  	[sflag:s19] =	ssyncadd.s32 $0xFFFFC000  }
0x13f: {  	[spmem:s2] =	stream.indirect.scatter.add.f32 [tilespmem:s15], [sflag:$0x4], $0x80, s18, s13, $0xb8;
	[tilespmem:$0x1C500] =	vst v63  }
0x140: {  	_ =	swait.ge [sflag:s20], $0x4000  }
0x141: {  	[sflag:s20] =	ssyncset.done $0x0  }
0x142: {  	[sflag:s20] =	ssyncadd.s32 $0xFFFFC000  }
0x143: {  	[tilespmem:s14], [sflag:$0x1] =	stream.indirect.gather [hbm4b:s4+s13], $0x80, s26, s13, $0xb8;
	[tilespmem:$0x1C500] =	vst v63  }
0x144: {  	_ =	swait.ge [sflag:s22], $0x4000  }
0x145: {  	[sflag:s22] =	ssyncset.done $0x0  }
0x146: {  	[sflag:s22] =	ssyncadd.s32 $0xFFFFC000  }
0x147: {  	[tilespmem:s15], [sflag:$0x2] =	stream.indirect.gather [hbm4b:s4+s13], $0x80, s28, s13, $0xb8;
	[tilespmem:$0x1C500] =	vst v63  }
0x148: {  	s30 =	sadd.s32 $0x60, s1  }
0x149: {  	[tilespmem:s16], [sflag:$0x5] =	stream.linear.gather [hbm4b:s30+s3], $0x80, $0x38;
	[tilespmem:$0x1C500] =	vst v63  }
0x14a: {  	_ =	swait.ge [sflag:s12], $0x80  }
0x14b: {  	[sflag:s12] =	ssyncset.done $0x0  }
0x14c: {  	[sflag:s12] =	ssyncadd.s32 $0xFFFFFF80  }
0x14d: {  	_ =	swait.ge [sflag:s17], $0x4000  }
0x14e: {  	[sflag:s17] =	ssyncset.done $0x0  }
0x14f: {  	[sflag:s17] =	ssyncadd.s32 $0xFFFFC000  }
0x150: {  	[spmem:s2] =	stream.indirect.scatter.add.f32 [tilespmem:s14], [sflag:$0x3], $0x80, s16, s13, $0xb8;
	[tilespmem:$0x1C500] =	vst v63  }
0x151: {  	s31 =	sadd.s32 $0x70, s1  }
0x152: {  	[tilespmem:s18], [sflag:$0x5] =	stream.linear.gather [hbm4b:s31+s3], $0x80, $0x38;
	[tilespmem:$0x1C500] =	vst v63  }
0x153: {  	_ =	swait.ge [sflag:s12], $0x80  }
0x154: {  	[sflag:s12] =	ssyncset.done $0x0  }
0x155: {  	[sflag:s12] =	ssyncadd.s32 $0xFFFFFF80  }
0x156: {  	_ =	swait.ge [sflag:s19], $0x4000  }
0x157: {  	[sflag:s19] =	ssyncset.done $0x0  }
0x158: {  	[sflag:s19] =	ssyncadd.s32 $0xFFFFC000  }
0x159: {  	[spmem:s2] =	stream.indirect.scatter.add.f32 [tilespmem:s15], [sflag:$0x4], $0x80, s18, s13, $0xb8;
	[tilespmem:$0x1C500] =	vst v63  }
0x15a: {  	_ =	swait.ge [sflag:s20], $0x4000  }
0x15b: {  	[sflag:s20] =	ssyncset.done $0x0  }
0x15c: {  	[sflag:s20] =	ssyncadd.s32 $0xFFFFC000  }
0x15d: {  	_ =	swait.ge [sflag:s22], $0x4000  }
0x15e: {  	s29 =	sadd.s32 $0x1, s29;
	[sflag:s22] =	ssyncset.done $0x0  }
0x15f: {  	p0 =	sne.s32 s29, s8;
	[sflag:s22] =	ssyncadd.s32 $0xFFFFC000  }
.Ltmp1:
0x160: {  	[bflag:$0x0] =	sbarrier.arrive $0xFFFF;
	(pc) =	sbr.rel @p0 .LBB2_1-.Ltmp1, $4  }
0x161: {  	[hbm:s7], [sflag:s6] =	dma.local [spmem:s11], $0x2800  }
0x162: {  	_ =	swait.ge [sflag:s12], $0x2800  }
0x163: {  	[sflag:s12] =	ssyncset.done $0x0  }
0x164: {  	[sflag:s12] =	ssyncadd.s32 $0xFFFFD800  }
0x165: {  	_ =	sfence.sel $0x180000  }
0x166: {  	[bflag:$0x0] =	sbarrier.arrive $0xFFFF  }
0x167: {  	_ =	strace $0x9000004D  }
0x168: {  	s0 =	stileid.u32;
	[bflag:$0x2] =	sbarrier.arrive $0xFFFF  }
0x169: {  	p0 =	sne.s32 s0, $0x0;
	s0 =	rddreg [dreg:$0x2]  }
0x16a: {  	s0 =	sadd.s32 @!p0 $0x100000, s0  }
0x16b: {  	[sflag:s0] =	ssyncadd.tile.s32 @!p0 $0x1;
	_ =	shalt  }
.Lfunc_end2:
_tile_overlayer_lowered:
.L_overlay_start_2:
0x16c: {  	(tag) =	ssettag $0x2  }
0x16d: {  	s0 =	rddreg [dreg:$0x0];
	s2 =	stileid.u32  }
0x16e: {  	s1 =	rddreg [dreg:$0x1];
	p0 =	sne.s32 s2, $0x0  }
0x16f: {  	s3 =	rddreg [dreg:$0x2];
	[bflag:$0x3] =	sbarrier.arrive $0xFFFF;
	s2 =	simm.s32 @!p0 $0x1C05  }
0x170: {  	[timem:s3], [sflag:s2] =	dma.local @!p0 [hbm:s0], s1  }
0x171: {  	s0 =	simm.s32 @!p0 $0x5  }
0x172: {  	_ =	swait.ge @!p0 [sflag:s0], s1  }
0x173: {  	s1 =	ssub.s32 @!p0 $0x0, s1;
	[sflag:s0] =	ssyncset.done @!p0 $0x0  }
0x174: {  	[sflag:s0] =	ssyncadd.s32 @!p0 s1  }
0x175: {  	[bflag:$0x3] =	sbarrier.arrive $0xFFFF  }
0x176: {  	_ =	shalt  }

// kernel: kernel.8.cloned.1.call-start
scs
__scs_entry_jumppad:
0x0: {  	(pc) =	sbr.rel $0x88, $3  }
0x1: {  	(tag) =	ssettag $0x0;
	lr =	simm.s32 $0x1  }
0x2: {  	[smem:$0x3F8F] =	sst lr;
	_ =	strace $0xD0000000  }
0x3: {  	_ = 	snop  }
0x4: {  	_ = 	snop  }
0x5: {  	_ = 	snop  }
0x6: {  	_ = 	snop  }
0x7: {  	_ = 	snop  }
__scs_overlays_trampoline_lowered:
0x8: {  	[smem:$0x3F9E] =	sst s0  }
0x9: {  	[smem:$0x3F9F] =	sst s1  }
0xa: {  	[smem:$0x3FA0] =	sst s2  }
0xb: {  	[smem:$0x3FA1] =	sst s3  }
0xc: {  	[smem:$0x3FA2] =	sst s4  }
0xd: {  	[smem:$0x3FA3] =	sst s5  }
0xe: {  	[smem:$0x3FA4] =	sst s6  }
0xf: {  	[smem:$0x3FA5] =	sst s7  }
0x10: {  	[smem:$0x3FA6] =	sst s8  }
0x11: {  	[smem:$0x3FA7] =	sst s9;
	s0 =	simm.s32 @!p0 $0x0  }
0x12: {  	s1 =	sld [smem:$0x3F8D];
	s0 =	simm.s32 @p0 $0x1  }
0x13: {  	[smem:$0x3FA8] =	sst s0;
	s0 =	simm.s32 @!p1 $0x0  }
0x14: {  	s2 =	sld [smem:$0x3F8C];
	s0 =	simm.s32 @p1 $0x1  }
0x15: {  	[smem:$0x3FA9] =	sst s0;
	s0 =	simm.s32 @!p2 $0x0  }
0x16: {  	s3 =	sld [smem:$0x3FDB];
	s0 =	simm.s32 @p2 $0x1  }
0x17: {  	s4 =	simm.s32 $0x1BF5;
	[smem:$0x3FAB] =	sst s0  }
0x18: {  	s0 =	sld [smem:$0x3F8E];
	_ =	swait.ge [sflag:s4], $0x0  }
0x19: {  	s7 =	sld [smem:$0x3F8F]  }
0x1a: {  	s8 =	sadd.s32 $0xFFFFE003, lr  }
0x1b: {  	s9 =	sadd.s32 $0xFFFFFEF7, lr;
	s5 =	simm.s32 $0xFFFFFFFF;
	p2 =	slt.u32 s8, $0xFFFFF086  }
0x1c: {  	p1 =	slt.u32 s9, $0xF7A;
	s5 =	simm.s32 @!p2 $0x0  }
0x1d: {  	s5 =	simm.s32 @p1 $0x1;
	p0 =	seq.s32 s7, s2  }
0x1e: {  	s7 =	smul.u32 @!p0 $0xF7A, s2;
	p2 =	seq.s32 @!p0 s5, $0x0  }
0x1f: {  	s9 =	smul.u32 $0xF7A, s1;
	s8 =	simm.s32 @!p0 $0x1BF5;
	p2 =	por !p2, p0  }
0x20: {  	[sflag:s8] =	ssyncset.s32 @!p0 $0xFFFFF086;
	s6 =	sadd.s32 @!p0 s3, s7;
	s7 =	simm.s32 @!p0 $0x108  }
0x21: {  	s3 =	sadd.s32 s3, s9;
	s6 =	sadd.s32 @!p0 $0x88, s6;
	s7 =	simm.s32 @p2 $0x1082  }
0x22: {  	[simem:s7], [sflag:s8] =	dma.local @!p0 [hbm:s6], $0xF7A  }
0x23: {  	s9 =	sor.u32 $0xD0000000, s2;
	s6 =	simm.s32 $0x108;
	_ =	swait.ge @!p0 [sflag:s8], $0x0  }
0x24: {  	s3 =	sadd.s32 $0x88, s3;
	s6 =	simm.s32 @!p1 $0x1082;
	[sflag:s4] =	ssyncset.s32 $0xFFFFF086  }
0x25: {  	[simem:s6], [sflag:s4] =	dma.local [hbm:s3], $0xF7A  }
0x26: {  	[smem:$0x3F8F] =	sst s1;
	(tag) =	ssettag s2;
	_ =	strace s9  }
0x27: {  	s1 =	sld [smem:$0x3F9F]  }
0x28: {  	s2 =	sld [smem:$0x3FA0]  }
0x29: {  	s4 =	sld [smem:$0x3FA2]  }
0x2a: {  	p0 =	seq.s32 s5, $0x0;
	s5 =	sld [smem:$0x3FA3]  }
0x2b: {  	s6 =	sld [smem:$0x3FA4]  }
0x2c: {  	s7 =	sld [smem:$0x3FA5]  }
0x2d: {  	s3 =	simm.s32 $0x108;
	s8 =	sld [smem:$0x3FA6]  }
0x2e: {  	s3 =	simm.s32 @!p0 $0x1082;
	s9 =	sld [smem:$0x3FA7]  }
0x2f: {  	lr =	sadd.s32 s0, s3;
	s0 =	sld [smem:$0x3F9E]  }
0x30: {  	s3 =	sld [smem:$0x3FA1]  }
0x31: {  	[smem:$0x3FAA] =	sst s10  }
0x32: {  	s10 =	sld [smem:$0x3FA8];
	_ =	sdelay $0x3  }
0x33: {  	p0 =	seq.s32 s10, $0x1;
	s10 =	sld [smem:$0x3FAA];
	_ =	sdelay $0x3  }
0x34: {  	[smem:$0x3FAA] =	sst s10  }
0x35: {  	s10 =	sld [smem:$0x3FA9];
	_ =	sdelay $0x3  }
0x36: {  	p1 =	seq.s32 s10, $0x1;
	s10 =	sld [smem:$0x3FAA];
	_ =	sdelay $0x3  }
0x37: {  	[smem:$0x3FAA] =	sst s10  }
0x38: {  	s10 =	sld [smem:$0x3FAB]  }
0x39: {  	_ = 	snop;
	(pc) =	sbr.ind lr, $3  }
0x3a: {  	_ = 	snop  }
0x3b: {  	_ = 	snop  }
0x3c: {  	p2 =	seq.s32 s10, $0x1;
	s10 =	sld [smem:$0x3FAA]  }
0x3d: {  	_ =	shalt  }
0x3e: {  	_ =	shalt  }
0x3f: {  	_ =	shalt  }
0x40: {  	_ =	shalt  }
0x41: {  	_ =	shalt  }
0x42: {  	_ =	shalt  }
0x43: {  	_ =	shalt  }
0x44: {  	_ =	shalt  }
0x45: {  	_ =	shalt  }
0x46: {  	_ =	shalt  }
0x47: {  	_ =	shalt  }
0x48: {  	_ =	shalt  }
0x49: {  	_ =	shalt  }
0x4a: {  	_ =	shalt  }
0x4b: {  	_ =	shalt  }
0x4c: {  	_ =	shalt  }
0x4d: {  	_ =	shalt  }
0x4e: {  	_ =	shalt  }
0x4f: {  	_ =	shalt  }
0x50: {  	_ =	shalt  }
0x51: {  	_ =	shalt  }
0x52: {  	_ =	shalt  }
0x53: {  	_ =	shalt  }
0x54: {  	_ =	shalt  }
0x55: {  	_ =	shalt  }
0x56: {  	_ =	shalt  }
0x57: {  	_ =	shalt  }
0x58: {  	_ =	shalt  }
0x59: {  	_ =	shalt  }
0x5a: {  	_ =	shalt  }
0x5b: {  	_ =	shalt  }
0x5c: {  	_ =	shalt  }
0x5d: {  	_ =	shalt  }
0x5e: {  	_ =	shalt  }
0x5f: {  	_ =	shalt  }
0x60: {  	_ =	shalt  }
0x61: {  	_ =	shalt  }
0x62: {  	_ =	shalt  }
0x63: {  	_ =	shalt  }
0x64: {  	_ =	shalt  }
0x65: {  	_ =	shalt  }
0x66: {  	_ =	shalt  }
0x67: {  	_ =	shalt  }
0x68: {  	_ =	shalt  }
0x69: {  	_ =	shalt  }
0x6a: {  	_ =	shalt  }
0x6b: {  	_ =	shalt  }
0x6c: {  	_ =	shalt  }
0x6d: {  	_ =	shalt  }
0x6e: {  	_ =	shalt  }
0x6f: {  	_ =	shalt  }
0x70: {  	_ =	shalt  }
0x71: {  	_ =	shalt  }
0x72: {  	_ =	shalt  }
0x73: {  	_ =	shalt  }
0x74: {  	_ =	shalt  }
0x75: {  	_ =	shalt  }
0x76: {  	_ =	shalt  }
0x77: {  	_ =	shalt  }
0x78: {  	_ =	shalt  }
0x79: {  	_ =	shalt  }
0x7a: {  	_ =	shalt  }
0x7b: {  	_ =	shalt  }
0x7c: {  	_ =	shalt  }
0x7d: {  	_ =	shalt  }
0x7e: {  	_ =	shalt  }
0x7f: {  	_ =	shalt  }
0x80: {  	_ =	shalt  }
0x81: {  	_ =	shalt  }
0x82: {  	_ =	shalt  }
0x83: {  	_ =	shalt  }
0x84: {  	_ =	shalt  }
0x85: {  	_ =	shalt  }
0x86: {  	_ =	shalt  }
0x87: {  	_ =	shalt  }
.Lfunc_end0:
.L_simem_size_0:
called_computation_lowered:
.L_overlay_start_0:
0x88: {  	s2 =	sld [smem:$0x3FD9]  }
0x89: {  	s3 =	sld [smem:$0x3FFE];
	_ =	sdelay $0x1  }
0x8a: {  	s1 =	srdreg.scid  }
0x8b: {  	s0 =	sand.u32 $0x1, s1  }
0x8c: {  	s14 =	sshll.u32 s0, $0xA;
	s2 =	sadd.s32 s3, s2  }
0x8d: {  	s2 =	sadd.s32 s2, s14  }
0x8e: {  	[smem:$0x3FB6] =	sst s2  }
0x8f: {  	_ = 	snop  }
0x90: {  	s2 =	sld [smem:$0x3FD0];
	_ =	sdelay $0x2  }
0x91: {  	s15 =	simm.s32 $0xA;
	s4 =	simm.s32 $0x10  }
0x92: {  	[smem:s4], [sflag:s15] =	dma.local [hbm:s2], $0x1  }
0x93: {  	_ =	swait.eq [sflag:s15], $0x1  }
0x94: {  	[sflag:s15] =	ssyncset.done $0x0  }
0x95: {  	[sflag:s15] =	ssyncadd.s32 $0xFFFFFFFF  }
0x96: {  	s16 =	sld [smem:$0x13];
	(tm) =	ssettm $0x1  }
0x97: {  	s17 =	sld [smem:$0x3FFB];
	_ =	sdelay $0x3  }
0x98: {  	_ =	strace s17  }
0x99: {  	s3 =	sld [smem:$0x3FFC];
	_ =	sdelay $0x3  }
0x9a: {  	_ =	strace s3  }
0x9b: {  	s3 =	sld [smem:$0x3FFD];
	_ =	sdelay $0x3  }
0x9c: {  	_ =	strace s3  }
0x9d: {  	_ =	strace $0x8FFFFFFF  }
0x9e: {  	s18 =	sld [smem:$0x3FDB];
	_ =	sdelay $0x1  }
0x9f: {  	s19 =	simm.s32 $_scs_section_size  }
0xa0: {  	s5 =	simm.s32 $_size__tile_overlayer_lowered;
	s6 =	simm.s32 $_tile_overlayer_lowered  }
0xa1: {  	s22 =	simm.s32 $0x1BFF;
	s21 =	sshll.u32 s6, $0x1;
	s3 =	sadd.s32 s19, s18  }
0xa2: {  	s7 =	simm.s32 $0x0;
	s20 =	sshll.u32 s5, $0x1;
	s5 =	sadd.s32 s21, s3  }
0xa3: {  	[timem:s7], [sflag:s22] =	dma.local [hbm:s5], s20  }
0xa4: {  	_ =	swait.ge [sflag:s22], s20  }
0xa5: {  	s4 =	ssub.s32 $0x0, s20;
	[sflag:s22] =	ssyncset.done $0x0  }
0xa6: {  	[sflag:s22] =	ssyncadd.s32 s4;
	_ =	sdelay $0x1  }
0xa7: {  	s23 =	simm.s32 $0x1B8B  }
0xa8: {  	_ =	swait.ge [sflag:s23], $0x1  }
0xa9: {  	[sflag:s23] =	ssyncset.done $0x0  }
0xaa: {  	s25 =	simm.s32 $0x1B8E;
	s24 =	sld [smem:$0x3FFE];
	[sflag:s23] =	ssyncadd.s32 $0xFFFFFFFF  }
0xab: {  	s26 =	simm.s32 $execute0_lowered;
	[smem:$0x3FD2] =	sst s25  }
0xac: {  	s5 =	sshll.u32 s26, $0x1;
	_ =	strace $0x80000046;
	[dreg:$0x1] =	wrdreg $0xFFFFFFFF  }
0xad: {  	s28 =	simm.s32 $_size_execute0_lowered;
	s3 =	sadd.s32 s3, s5;
	[dreg:$0x0] =	wrdreg $0x0  }
0xae: {  	s5 =	sshll.u32 s28, $0x1;
	[dreg:$0x2] =	wrdreg s3  }
0xaf: {  	[dreg:$0x3] =	wrdreg s5  }
0xb0: {  	[dreg:$0x4] =	wrdreg $0xC0  }
0xb1: {  	_ =	task [dreg:s7], $0x5FFFF  }
0xb2: {  	[dreg:$0x1] =	wrdreg $0xFFFFFFFF  }
0xb3: {  	[dreg:$0x0] =	wrdreg $0x60  }
0xb4: {  	[dreg:$0x2] =	wrdreg s24  }
0xb5: {  	[dreg:$0x3] =	wrdreg s16  }
0xb6: {  	[dreg:$0x4] =	wrdreg $0x41000  }
0xb7: {  	[dreg:$0x5] =	wrdreg $0x9  }
0xb8: {  	_ =	task.clear_ibuf [dreg:s7], $0x6FFFF;
	_ =	strace $0x90000046  }
0xb9: {  	s29 =	simm.s32 $0x9;
	_ =	strace $0x80000048  }
0xba: {  	_ =	swait.ge [sflag:s29], $0x1  }
0xbb: {  	[sflag:s29] =	ssyncadd.s32 $0xFFFFFFFF  }
0xbc: {  	_ =	strace $0x90000048  }
0xbd: {  	_ =	sfence  }
0xbe: {  	s30 =	sld [smem:$0x0];
	_ =	sdelay $0x2  }
0xbf: {  	s31 =	sshll.u32 s1, $0xD;
	s1 =	sshrl.u32 s1, $0x2  }
0xc0: {  	s3 =	sand.u32 $0x4000, s31;
	s1 =	sadd.s32 s1, s30  }
0xc1: {  	s0 =	sor.u32 s3, s0;
	s1 =	sshll.u32 s1, $0x11  }
0xc2: {  	s0 =	sor.u32 s1, s0  }
0xc3: {  	s0 =	sadd.s32 $0x8F2B, s0  }
0xc4: {  	[sflag:s0] =	ssyncadd.remote.s32 $0x1  }
0xc5: {  	_ =	sfence.sel $0xFFFF  }
0xc6: {  	[dreg:$0x0] =	wrdreg $0xFFFFFFFF;
	(pc) =	sbr.abs _section_cstart, $3  }
0xc7: {  	[dreg:$0x1] =	wrdreg $0xFFFFFFFF  }
0xc8: {  	_ =	task.clear_ibuf [dreg:s7], $0x2FFFF;
	_ =	strace $0x9FFFFFFF  }
0xc9: {  	(tm) =	ssettm $0x7FFFFFFF  }
tec
execute0_lowered:
.L_overlay_start_1:
0x0: {  	(tag) =	ssettag $0x1  }
0x1: {  	s5 =	rddreg [dreg:$0x0]  }
0x2: {  	s1 =	srdreg.scid;
	s2 =	rddreg [dreg:$0x1]  }
0x3: {  	s0 =	stileid.u32;
	s3 =	rddreg [dreg:$0x2];
	s4 =	simm.s32 $0x0  }
0x4: {  	s12 =	simm.s32 $0x100;
	s13 =	simm.s32 $0x80;
	s14 =	simm.s32 $0x1  }
0x5: {  	s15 =	simm.s32 $0x2;
	s16 =	simm.s32 $0x0;
	s7 =	smul.u32 $0x2800, s0  }
0x6: {  	s6 =	sand.u32 $0x1, s1;
	s1 =	rddreg [dreg:$0x3];
	s10 =	smul.u32 $0x50000, s0  }
0x7: {  	[smem:$0x7FF] =	sst s4;
	s8 =	smul.u32 $0x28000, s6;
	s6 =	ssub.s32 $0x2, s6  }
0x8: {  	s31 =	sshll.u32 s0, $0x6;
	_ =	strace $0x80000047;
	s30 =	sshrl.u32 s6, $0x1  }
0x9: {  	s10 =	sshrl.u32 s10, $0x2;
	s8 =	sadd.s32 s7, s8;
	s7 =	sadd.s32 s7, s5  }
0xa: {  	s11 =	ssub.s32 s6, s30;
	s10 =	sadd.s32 s10, s3;
	s6 =	sor.u32 $0x1C03, s31  }
0xb: {  	s9 =	sshrl.u32 s8, $0x3;
	s8 =	sadd.s32 s8, s5;
	s10 =	sshrl.u32 s10, $0x3  }
0xc: {  	s9 =	sadd.s32 s9, s5;
	s5 =	sadd.s32 $0x18E00, s7;
	s7 =	sadd.s32 $0x40E00, s8  }
0xd: {  	s8 =	smax.u32 s11, $0x1;
	s11 =	simm.s32 $0x3;
	s9 =	sadd.s32 $0x4E00, s9  }
.LBB2_1:
0xe: {  	[spmem:s10], [sflag:s6] =	dma.local [hbm:s5], $0x2800  }
0xf: {  	_ =	swait.ge [sflag:s11], $0x2800  }
0x10: {  	[sflag:s11] =	ssyncset.done $0x0  }
0x11: {  	[sflag:s11] =	ssyncadd.s32 $0xFFFFD800  }
0x12: {  	[tilespmem:s12], [sflag:$0x3] =	stream.linear.gather [hbm4b:s2+s4], $0x4000, $0x38;
	[tilespmem:$0x18100] =	vst v63  }
0x13: {  	_ =	swait.ge [sflag:s11], $0x4000  }
0x14: {  	[sflag:s11] =	ssyncset.done $0x0  }
0x15: {  	[sflag:s11] =	ssyncadd.s32 $0xFFFFC000  }
0x16: {  	s17 =	sadd.s32 $0x0, s9;
	[bflag:$0x0] =	sbarrier.arrive $0xFFFF  }
0x17: {  	[tilespmem:s4], [sflag:$0x3] =	stream.linear.gather [hbm4b:s17+s4], $0x80, $0x38;
	[tilespmem:$0x18100] =	vst v63  }
0x18: {  	_ =	swait.ge [sflag:s11], $0x80  }
0x19: {  	[sflag:s11] =	ssyncset.done $0x0  }
0x1a: {  	[sflag:s11] =	ssyncadd.s32 $0xFFFFFF80  }
0x1b: {  	[spmem:s3] =	stream.indirect.scatter.add.f32 [tilespmem:s12], [sflag:$0x1], $0x80, s4, s13, $0xb8;
	[tilespmem:$0x18100] =	vst v63  }
0x1c: {  	s17 =	sadd.s32 $0x10, s17  }
0x1d: {  	[tilespmem:s13], [sflag:$0x3] =	stream.linear.gather [hbm4b:s17+s4], $0x80, $0x38;
	[tilespmem:$0x18100] =	vst v63  }
0x1e: {  	_ =	swait.ge [sflag:s11], $0x80  }
0x1f: {  	[sflag:s11] =	ssyncset.done $0x0  }
0x20: {  	[sflag:s11] =	ssyncadd.s32 $0xFFFFFF80  }
0x21: {  	[spmem:s3] =	stream.indirect.scatter.add.f32 [tilespmem:s12], [sflag:$0x2], $0x80, s13, s13, $0xb8;
	[tilespmem:$0x18100] =	vst v63  }
0x22: {  	_ =	swait.ge [sflag:s14], $0x4000  }
0x23: {  	[sflag:s14] =	ssyncset.done $0x0  }
0x24: {  	[sflag:s14] =	ssyncadd.s32 $0xFFFFC000  }
0x25: {  	_ =	swait.ge [sflag:s15], $0x4000  }
0x26: {  	s18 =	simm.s32 $0x40;
	s17 =	simm.s32 $0x20;
	[sflag:s15] =	ssyncset.done $0x0  }
.LBB2_2:
0x27: {  	s19 =	sadd.s32 s17, s9  }
0x28: {  	[sflag:s15] =	ssyncadd.s32 $0xFFFFC000;
	s17 =	smov.u32 s18;
	s20 =	sadd.s32 $0x20, s18  }
0x29: {  	[tilespmem:s4], [sflag:$0x3] =	stream.linear.gather [hbm4b:s19+s4], $0x80, $0x38;
	[tilespmem:$0x18100] =	vst v63  }
0x2a: {  	p0 =	sne.s32 s18, $0x4E0;
	_ =	swait.ge [sflag:s11], $0x80  }
0x2b: {  	[sflag:s11] =	ssyncset.done $0x0  }
0x2c: {  	[sflag:s11] =	ssyncadd.s32 $0xFFFFFF80  }
0x2d: {  	[spmem:s3] =	stream.indirect.scatter.add.f32 [tilespmem:s12], [sflag:$0x1], $0x80, s4, s13, $0xb8;
	[tilespmem:$0x18100] =	vst v63  }
0x2e: {  	s18 =	sadd.s32 $0x10, s19  }
0x2f: {  	[tilespmem:s13], [sflag:$0x3] =	stream.linear.gather [hbm4b:s18+s4], $0x80, $0x38;
	[tilespmem:$0x18100] =	vst v63  }
0x30: {  	_ =	swait.ge [sflag:s11], $0x80  }
0x31: {  	[sflag:s11] =	ssyncset.done $0x0  }
0x32: {  	[sflag:s11] =	ssyncadd.s32 $0xFFFFFF80  }
0x33: {  	[spmem:s3] =	stream.indirect.scatter.add.f32 [tilespmem:s12], [sflag:$0x2], $0x80, s13, s13, $0xb8;
	[tilespmem:$0x18100] =	vst v63  }
.Ltmp0:
0x34: {  	_ =	swait.ge [sflag:s14], $0x4000;
	(pc) =	sbr.rel @p0 .LBB2_2-.Ltmp0, $4  }
0x35: {  	[sflag:s14] =	ssyncset.done $0x0  }
0x36: {  	[sflag:s14] =	ssyncadd.s32 $0xFFFFC000  }
0x37: {  	_ =	swait.ge [sflag:s15], $0x4000  }
0x38: {  	s18 =	smov.u32 s20;
	[sflag:s15] =	ssyncset.done $0x0  }
0x39: {  	s17 =	sadd.s32 s17, s9;
	[sflag:s15] =	ssyncadd.s32 $0xFFFFC000  }
0x3a: {  	[tilespmem:s4], [sflag:$0x3] =	stream.linear.gather [hbm4b:s17+s4], $0x80, $0x38;
	[tilespmem:$0x18100] =	vst v63  }
0x3b: {  	_ =	swait.ge [sflag:s11], $0x80  }
0x3c: {  	[sflag:s11] =	ssyncset.done $0x0  }
0x3d: {  	[sflag:s11] =	ssyncadd.s32 $0xFFFFFF80  }
0x3e: {  	[spmem:s3] =	stream.indirect.scatter.add.f32 [tilespmem:s12], [sflag:$0x1], $0x80, s4, s13, $0xb8;
	[tilespmem:$0x18100] =	vst v63  }
0x3f: {  	s17 =	sadd.s32 $0x10, s17  }
0x40: {  	[tilespmem:s13], [sflag:$0x3] =	stream.linear.gather [hbm4b:s17+s4], $0x80, $0x38;
	[tilespmem:$0x18100] =	vst v63  }
0x41: {  	_ =	swait.ge [sflag:s11], $0x80  }
0x42: {  	[sflag:s11] =	ssyncset.done $0x0  }
0x43: {  	[sflag:s11] =	ssyncadd.s32 $0xFFFFFF80  }
0x44: {  	[spmem:s3] =	stream.indirect.scatter.add.f32 [tilespmem:s12], [sflag:$0x2], $0x80, s13, s13, $0xb8;
	[tilespmem:$0x18100] =	vst v63  }
0x45: {  	_ =	swait.ge [sflag:s14], $0x4000  }
0x46: {  	[sflag:s14] =	ssyncset.done $0x0  }
0x47: {  	[sflag:s14] =	ssyncadd.s32 $0xFFFFC000  }
0x48: {  	_ =	swait.ge [sflag:s15], $0x4000  }
0x49: {  	s16 =	sadd.s32 $0x1, s16;
	[sflag:s15] =	ssyncset.done $0x0  }
0x4a: {  	p0 =	sne.s32 s16, s8;
	[sflag:s15] =	ssyncadd.s32 $0xFFFFC000  }
.Ltmp1:
0x4b: {  	[bflag:$0x0] =	sbarrier.arrive $0xFFFF;
	(pc) =	sbr.rel @p0 .LBB2_1-.Ltmp1, $4  }
0x4c: {  	[hbm:s7], [sflag:s6] =	dma.local [spmem:s10], $0x2800  }
0x4d: {  	_ =	swait.ge [sflag:s11], $0x2800  }
0x4e: {  	[sflag:s11] =	ssyncset.done $0x0  }
0x4f: {  	[sflag:s11] =	ssyncadd.s32 $0xFFFFD800  }
0x50: {  	_ =	sfence.sel $0x180000  }
0x51: {  	[bflag:$0x0] =	sbarrier.arrive $0xFFFF  }
0x52: {  	p0 =	sne.s32 s0, $0x0;
	_ =	strace $0x90000047  }
0x53: {  	s0 =	sadd.s32 @!p0 $0x100000, s1;
	[bflag:$0x2] =	sbarrier.arrive $0xFFFF  }
0x54: {  	[sflag:s0] =	ssyncadd.tile.s32 @!p0 $0x1;
	_ =	shalt  }
.Lfunc_end2:
_tile_overlayer_lowered:
.L_overlay_start_2:
0x55: {  	(tag) =	ssettag $0x2  }
0x56: {  	s0 =	rddreg [dreg:$0x0];
	s2 =	stileid.u32  }
0x57: {  	s1 =	rddreg [dreg:$0x1];
	p0 =	sne.s32 s2, $0x0  }
0x58: {  	s3 =	rddreg [dreg:$0x2];
	[bflag:$0x3] =	sbarrier.arrive $0xFFFF;
	s2 =	simm.s32 @!p0 $0x1C03  }
0x59: {  	[timem:s3], [sflag:s2] =	dma.local @!p0 [hbm:s0], s1  }
0x5a: {  	s0 =	simm.s32 @!p0 $0x3  }
0x5b: {  	_ =	swait.ge @!p0 [sflag:s0], s1  }
0x5c: {  	s1 =	ssub.s32 @!p0 $0x0, s1;
	[sflag:s0] =	ssyncset.done @!p0 $0x0  }
0x5d: {  	[sflag:s0] =	ssyncadd.s32 @!p0 s1  }
0x5e: {  	[bflag:$0x3] =	sbarrier.arrive $0xFFFF  }
0x5f: {  	_ =	shalt  }

</sc_bundles>
